<compile_context>
chip_gen: v7x
topology: tpu7x:2x2x1
jax: 0.10.2.dev20260603
libtpu: 0.0.44.dev20260713+nightly
codegen_flags: <defaults>
</compile_context>

<pallas_src>
import functools

import jax
import jax.numpy as jnp
from jax import lax
from jax.experimental import pallas as pl
from jax.experimental.pallas import tpu as pltpu
from jax.experimental.pallas import tpu_sc as plsc

EMB = 16
NC = 2
NS = 16
NW = NC * NS
BL = 128
KJ = 25
B = KJ * BL
VP = 1 << 20
TC_C = 32768
TC_Q = TC_C // 8


def _tp_body(*refs):
    xs = refs[:8]
    o_ref = refs[8]
    xcat = jnp.concatenate([x[...] for x in xs], axis=0)
    eye = jnp.eye(128, dtype=jnp.float32)
    o_ref[...] = lax.dot_general(
        xcat, eye, (((0,), (0,)), ((), ())),
        preferred_element_type=jnp.float32)


def _build_table(embpT):
    def mk(j):
        return pl.BlockSpec((EMB, TC_Q), lambda g, j=j: (0, 8 * g + j))
    return pl.pallas_call(
        _tp_body,
        grid=(VP // TC_C,),
        in_specs=[mk(j) for j in range(8)],
        out_specs=pl.BlockSpec((TC_Q, 128), lambda g: (g, 0)),
        out_shape=jax.ShapeDtypeStruct((VP // 8, 128), jnp.float32),
        compiler_params=pltpu.CompilerParams(
            fuse_transposed_lhs_in_matmul=True),
    )(*([embpT] * 8))


@functools.lru_cache(maxsize=None)
def _make_sc_sum(n_rows: int):
    chunk_rows = n_rows // NW
    assert chunk_rows * NW == n_rows
    R = chunk_rows // KJ
    assert R * KJ == chunk_rows and R % 2 == 0
    NK = R // 2

    mesh = plsc.VectorSubcoreMesh(
        core_axis_name="c", subcore_axis_name="s",
        num_cores=NC, num_subcores=NS)

    @functools.partial(
        pl.kernel,
        out_type=jax.ShapeDtypeStruct((NW, EMB), jnp.float32),
        mesh=mesh,
        compiler_params=pltpu.CompilerParams(use_tc_tiling_on_sc=False),
        scratch_types=[
            pltpu.VMEM((KJ, BL), jnp.int32),
            pltpu.VMEM((KJ, BL), jnp.int32),
            pltpu.VMEM((B, EMB), jnp.float32),
            pltpu.VMEM((B, EMB), jnp.float32),
            pltpu.VMEM((EMB,), jnp.float32),
            pltpu.SemaphoreType.DMA,
            pltpu.SemaphoreType.DMA,
            pltpu.SemaphoreType.DMA,
            pltpu.SemaphoreType.DMA,
        ],
    )
    def sc_sum(idx_hbm, emb_hbm, out_hbm,
               idx0, idx1, rows0, rows1, accv,
               si0, si1, sg0, sg1):
        wid = lax.axis_index("s") * NC + lax.axis_index("c")
        base = wid * chunk_rows

        def idx_copy(r, buf, sem):
            return pltpu.make_async_copy(
                idx_hbm.at[pl.ds(base + r * KJ, KJ)], buf, sem)

        def start_gathers(idxbuf, rowbuf, sem):
            for j in range(KJ):
                pltpu.make_async_copy(
                    emb_hbm.at[idxbuf.at[j]],
                    rowbuf.at[pl.ds(j * BL, BL)], sem).start()

        def wait_gathers(rowbuf, sem):
            pltpu.make_async_copy(emb_hbm.at[pl.ds(0, B)], rowbuf, sem).wait()

        def reduce_rows(rowbuf, accs):
            def body(i, accs):
                accs = list(accs)
                for j in range(KJ):
                    accs[j % 4] = accs[j % 4] + rowbuf[j * BL + i, :]
                    accs[j % 4] = (accs[j % 4]
                                   + rowbuf[j * BL + (BL // 2) + i, :])
                return tuple(accs)
            return lax.fori_loop(0, BL // 2, body, accs)

        idx_copy(0, idx0, si0).start()
        idx_copy(1, idx1, si1).start()
        idx_copy(0, idx0, si0).wait()
        start_gathers(idx0, rows0, sg0)

        zero = jnp.zeros((EMB,), jnp.float32)
        accs0 = (zero, zero, zero, zero)

        def round_pair(k, accs):
            idx_copy(2 * k + 1, idx1, si1).wait()
            start_gathers(idx1, rows1, sg1)
            wait_gathers(rows0, sg0)

            @pl.when(k + 1 < NK)
            def _():
                idx_copy(2 * k + 2, idx0, si0).start()

            accs = reduce_rows(rows0, accs)

            @pl.when(k + 1 < NK)
            def _():
                idx_copy(2 * k + 2, idx0, si0).wait()
                start_gathers(idx0, rows0, sg0)
                idx_copy(2 * k + 3, idx1, si1).start()

            wait_gathers(rows1, sg1)
            accs = reduce_rows(rows1, accs)
            return accs

        a0, a1, a2, a3 = lax.fori_loop(0, NK, round_pair, accs0)
        accv[...] = (a0 + a1) + (a2 + a3)
        pltpu.sync_copy(accv, out_hbm.at[wid])

    return sc_sum


def _tc_finish(partials, W, b2, inv_l):
    def body(p_ref, w_ref, b_ref, o_ref):
        pooled = jnp.sum(p_ref[...], axis=0, keepdims=True) * inv_l
        o_ref[...] = lax.dot_general(
            pooled, w_ref[...], (((1,), (1,)), ((), ())),
            preferred_element_type=jnp.float32) + b_ref[...]

    return pl.pallas_call(
        body,
        out_shape=jax.ShapeDtypeStruct((1, b2.shape[1]), jnp.float32),
    )(partials, W, b2)


def kernel(inputs, emb, W, b):
    L = inputs.shape[0]
    V = emb.shape[0]
    v = inputs.astype(jnp.int32)
    t = v & (TC_C - 1)
    q = t & (TC_Q - 1)
    j = lax.shift_right_logical(t, TC_Q.bit_length() - 1)
    rmp = (v - t) + lax.shift_left(q, 3) + j
    idx2d = rmp.reshape(L // BL, BL)
    embpT = jnp.pad(emb, ((0, VP - V), (0, 0))).T
    table = _build_table(embpT).reshape(VP, EMB)
    partials = _make_sc_sum(L // BL)(idx2d, table)
    return _tc_finish(partials, W, b.reshape(1, -1), 1.0 / L)

# --- scband reference (transcript-rebuilt; emitter-appended) ---
"""Pipeline reference for scband-classifier-69166153335310 (READ-ONLY COPY).

The authoritative reference and input builder live on the scoring server;
editing this copy changes nothing except your own understanding.
"""

import jax, jax.numpy as jnp
import numpy as np

VOCAB = 1000000
EMB = 16
NUM_CLASSES = 100
L = 3276800


def setup_inputs(seed: int = 0) -> dict:
    key = jax.random.key(seed)
    k1, k2, k3 = jax.random.split(key, 3)
    inputs = jax.random.randint(k1, (L,), 0, VOCAB)
    emb = jax.random.normal(k2, (VOCAB, EMB), dtype=jnp.float32) * 0.02
    W = jax.random.normal(k3, (NUM_CLASSES, EMB), dtype=jnp.float32) * 0.1
    b = jnp.zeros((NUM_CLASSES,), dtype=jnp.float32)
    return {"inputs": inputs, "emb": emb, "W": W, "b": b}


def reference(inputs, emb, W, b):
    # nn.Embedding lookup -> gather rows of the table
    embeds = jnp.take(emb, inputs, axis=0)        # [L, EMB]
    # torch.mean(..., dim=0)
    pooled = jnp.mean(embeds, axis=0)             # [EMB]
    # nn.Linear: x @ W.T + b
    out = pooled @ W.T + b                        # [NUM_CLASSES]
    return out.reshape(1, -1)

if __name__ == "__main__":
    import jax
    _d = setup_inputs()
    print(jax.jit(kernel)(*tuple(_d.values())))

</pallas_src>

<mosaic_0001>
#map = affine_map<(d0, d1) -> (0, 0)>
module attributes {stable_mosaic.version = 14 : i64} {
  func.func @sc_sum(%arg0: i32, %arg1: i32, %arg2: memref<25600x128xi32, #tpu.memory_space<hbm>>, %arg3: memref<1048576x16xf32, #tpu.memory_space<hbm>>, %arg4: memref<32x16xf32, #tpu.memory_space<hbm>>, %arg5: memref<25x128xi32, #tpu.memory_space<vmem>>, %arg6: memref<25x128xi32, #tpu.memory_space<vmem>>, %arg7: memref<3200x16xf32, #tpu.memory_space<vmem>>, %arg8: memref<3200x16xf32, #tpu.memory_space<vmem>>, %arg9: memref<16xf32, #tpu.memory_space<vmem>>, %arg10: memref<!tpu.dma_semaphore, #tpu.memory_space<semaphore_mem>>, %arg11: memref<!tpu.dma_semaphore, #tpu.memory_space<semaphore_mem>>, %arg12: memref<!tpu.dma_semaphore, #tpu.memory_space<semaphore_mem>>, %arg13: memref<!tpu.dma_semaphore, #tpu.memory_space<semaphore_mem>>) attributes {dimension_semantics = [#tpu.dimension_semantics<core_parallel>, #tpu.dimension_semantics<subcore_parallel>], iteration_bounds = array<i64: 2, 16>, scalar_prefetch = 0 : i64, scratch_operands = 9 : i64, tpu.core_type = #tpu.core_type<sc_vector_subcore>, window_params = [{transform_indices = #map}, {transform_indices = #map}, {transform_indices = #map}]} {
    %mul3A = arith.constant 2 : i32
    %mul3A_0 = arith.muli %arg1, %mul3A : i32
    %add3A = arith.addi %mul3A_0, %arg0 : i32
    %mul3A_1 = arith.constant 800 : i32
    %mul3A_2 = arith.muli %add3A, %mul3A_1 : i32
    %add3A_3 = arith.constant 0 : i32
    %add3A_4 = arith.addi %mul3A_2, %add3A_3 : i32
    %dma_start3A = arith.constant 0 : i32
    %dma_start3A_5 = tpu.memref_slice %arg2[%add3A_4, %dma_start3A] : memref<25600x128xi32, #tpu.memory_space<hbm>> -> memref<25x128xi32, #tpu.memory_space<hbm>>
    %dma_start3A_6 = arith.constant 0 : i32
    %dma_start3A_7 = tpu.memref_slice %arg2[%add3A_4, %dma_start3A_6] : memref<25600x128xi32, #tpu.memory_space<hbm>> -> memref<25x128xi32, #tpu.memory_space<hbm>>
    tpu.enqueue_dma source(%dma_start3A_7 : memref<25x128xi32, #tpu.memory_space<hbm>>) target(%arg5 : memref<25x128xi32, #tpu.memory_space<vmem>>) target_semaphore(%arg10 : memref<!tpu.dma_semaphore, #tpu.memory_space<semaphore_mem>>)
    %add3A_8 = arith.constant 25 : i32
    %add3A_9 = arith.addi %mul3A_2, %add3A_8 : i32
    %dma_start3A_10 = arith.constant 0 : i32
    %dma_start3A_11 = tpu.memref_slice %arg2[%add3A_9, %dma_start3A_10] : memref<25600x128xi32, #tpu.memory_space<hbm>> -> memref<25x128xi32, #tpu.memory_space<hbm>>
    %dma_start3A_12 = arith.constant 0 : i32
    %dma_start3A_13 = tpu.memref_slice %arg2[%add3A_9, %dma_start3A_12] : memref<25600x128xi32, #tpu.memory_space<hbm>> -> memref<25x128xi32, #tpu.memory_space<hbm>>
    tpu.enqueue_dma source(%dma_start3A_13 : memref<25x128xi32, #tpu.memory_space<hbm>>) target(%arg6 : memref<25x128xi32, #tpu.memory_space<vmem>>) target_semaphore(%arg11 : memref<!tpu.dma_semaphore, #tpu.memory_space<semaphore_mem>>)
    %add3A_14 = arith.constant 0 : i32
    %add3A_15 = arith.addi %mul3A_2, %add3A_14 : i32
    %dma_wait3A = arith.constant 0 : i32
    %dma_wait3A_16 = tpu.memref_slice %arg2[%add3A_15, %dma_wait3A] : memref<25600x128xi32, #tpu.memory_space<hbm>> -> memref<25x128xi32, #tpu.memory_space<hbm>>
    %dma_wait3A_17 = arith.constant 0 : i32
    %dma_wait3A_18 = tpu.memref_slice %arg2[%add3A_15, %dma_wait3A_17] : memref<25600x128xi32, #tpu.memory_space<hbm>> -> memref<25x128xi32, #tpu.memory_space<hbm>>
    tpu.wait_dma2 semaphore(%arg10 : memref<!tpu.dma_semaphore, #tpu.memory_space<semaphore_mem>>) src(%dma_wait3A_18 : memref<25x128xi32, #tpu.memory_space<hbm>>) dst(%arg5 : memref<25x128xi32, #tpu.memory_space<vmem>>)
    %dma_start3A_19 = arith.constant 0 : i32
    %dma_start3A_20 = arith.constant 0 : i32
    %dma_start3A_21 = arith.constant 0 : i32
    %dma_start3A_22 = tpu.memref_slice %arg7[%dma_start3A_20, %dma_start3A_21] : memref<3200x16xf32, #tpu.memory_space<vmem>> -> memref<128x16xf32, #tpu.memory_space<vmem>>
    %dma_start3A_23 = arith.constant 0 : i32
    %dma_start3A_24 = tpu.memref_slice %arg5[%dma_start3A_19, %dma_start3A_23] : memref<25x128xi32, #tpu.memory_space<vmem>> -> memref<1x128xi32, #tpu.memory_space<vmem>>
    %dma_start3A_25 = tpu.memref_squeeze %dma_start3A_24 : memref<1x128xi32, #tpu.memory_space<vmem>> -> memref<128xi32, #tpu.memory_space<vmem>>
    %dma_start3A_26 = arith.constant 0 : i32
    %dma_start3A_27 = arith.constant 0 : i32
    %dma_start3A_28 = tpu.memref_slice %arg3[%dma_start3A_26, %dma_start3A_27] : memref<1048576x16xf32, #tpu.memory_space<hbm>> -> memref<1048576x16xf32, #tpu.memory_space<hbm>>
    tpu.enqueue_indirect_dma source(%dma_start3A_28 : memref<1048576x16xf32, #tpu.memory_space<hbm>>) target(%dma_start3A_22 : memref<128x16xf32, #tpu.memory_space<vmem>>) offsets(%dma_start3A_25 : memref<128xi32, #tpu.memory_space<vmem>>) semaphore(%arg12 : memref<!tpu.dma_semaphore, #tpu.memory_space<semaphore_mem>>)
    %dma_start3A_29 = arith.constant 1 : i32
    %dma_start3A_30 = arith.constant 128 : i32
    %dma_start3A_31 = arith.constant 0 : i32
    %dma_start3A_32 = tpu.memref_slice %arg7[%dma_start3A_30, %dma_start3A_31] : memref<3200x16xf32, #tpu.memory_space<vmem>> -> memref<128x16xf32, #tpu.memory_space<vmem>>
    %dma_start3A_33 = arith.constant 0 : i32
    %dma_start3A_34 = tpu.memref_slice %arg5[%dma_start3A_29, %dma_start3A_33] : memref<25x128xi32, #tpu.memory_space<vmem>> -> memref<1x128xi32, #tpu.memory_space<vmem>>
    %dma_start3A_35 = tpu.memref_squeeze %dma_start3A_34 : memref<1x128xi32, #tpu.memory_space<vmem>> -> memref<128xi32, #tpu.memory_space<vmem>>
    %dma_start3A_36 = arith.constant 0 : i32
    %dma_start3A_37 = arith.constant 0 : i32
    %dma_start3A_38 = tpu.memref_slice %arg3[%dma_start3A_36, %dma_start3A_37] : memref<1048576x16xf32, #tpu.memory_space<hbm>> -> memref<1048576x16xf32, #tpu.memory_space<hbm>>
    tpu.enqueue_indirect_dma source(%dma_start3A_38 : memref<1048576x16xf32, #tpu.memory_space<hbm>>) target(%dma_start3A_32 : memref<128x16xf32, #tpu.memory_space<vmem>>) offsets(%dma_start3A_35 : memref<128xi32, #tpu.memory_space<vmem>>) semaphore(%arg12 : memref<!tpu.dma_semaphore, #tpu.memory_space<semaphore_mem>>)
    %dma_start3A_39 = arith.constant 2 : i32
    %dma_start3A_40 = arith.constant 256 : i32
    %dma_start3A_41 = arith.constant 0 : i32
    %dma_start3A_42 = tpu.memref_slice %arg7[%dma_start3A_40, %dma_start3A_41] : memref<3200x16xf32, #tpu.memory_space<vmem>> -> memref<128x16xf32, #tpu.memory_space<vmem>>
    %dma_start3A_43 = arith.constant 0 : i32
    %dma_start3A_44 = tpu.memref_slice %arg5[%dma_start3A_39, %dma_start3A_43] : memref<25x128xi32, #tpu.memory_space<vmem>> -> memref<1x128xi32, #tpu.memory_space<vmem>>
    %dma_start3A_45 = tpu.memref_squeeze %dma_start3A_44 : memref<1x128xi32, #tpu.memory_space<vmem>> -> memref<128xi32, #tpu.memory_space<vmem>>
    %dma_start3A_46 = arith.constant 0 : i32
    %dma_start3A_47 = arith.constant 0 : i32
    %dma_start3A_48 = tpu.memref_slice %arg3[%dma_start3A_46, %dma_start3A_47] : memref<1048576x16xf32, #tpu.memory_space<hbm>> -> memref<1048576x16xf32, #tpu.memory_space<hbm>>
    tpu.enqueue_indirect_dma source(%dma_start3A_48 : memref<1048576x16xf32, #tpu.memory_space<hbm>>) target(%dma_start3A_42 : memref<128x16xf32, #tpu.memory_space<vmem>>) offsets(%dma_start3A_45 : memref<128xi32, #tpu.memory_space<vmem>>) semaphore(%arg12 : memref<!tpu.dma_semaphore, #tpu.memory_space<semaphore_mem>>)
    %dma_start3A_49 = arith.constant 3 : i32
    %dma_start3A_50 = arith.constant 384 : i32
    %dma_start3A_51 = arith.constant 0 : i32
    %dma_start3A_52 = tpu.memref_slice %arg7[%dma_start3A_50, %dma_start3A_51] : memref<3200x16xf32, #tpu.memory_space<vmem>> -> memref<128x16xf32, #tpu.memory_space<vmem>>
    %dma_start3A_53 = arith.constant 0 : i32
    %dma_start3A_54 = tpu.memref_slice %arg5[%dma_start3A_49, %dma_start3A_53] : memref<25x128xi32, #tpu.memory_space<vmem>> -> memref<1x128xi32, #tpu.memory_space<vmem>>
    %dma_start3A_55 = tpu.memref_squeeze %dma_start3A_54 : memref<1x128xi32, #tpu.memory_space<vmem>> -> memref<128xi32, #tpu.memory_space<vmem>>
    %dma_start3A_56 = arith.constant 0 : i32
    %dma_start3A_57 = arith.constant 0 : i32
    %dma_start3A_58 = tpu.memref_slice %arg3[%dma_start3A_56, %dma_start3A_57] : memref<1048576x16xf32, #tpu.memory_space<hbm>> -> memref<1048576x16xf32, #tpu.memory_space<hbm>>
    tpu.enqueue_indirect_dma source(%dma_start3A_58 : memref<1048576x16xf32, #tpu.memory_space<hbm>>) target(%dma_start3A_52 : memref<128x16xf32, #tpu.memory_space<vmem>>) offsets(%dma_start3A_55 : memref<128xi32, #tpu.memory_space<vmem>>) semaphore(%arg12 : memref<!tpu.dma_semaphore, #tpu.memory_space<semaphore_mem>>)
    %dma_start3A_59 = arith.constant 4 : i32
    %dma_start3A_60 = arith.constant 512 : i32
    %dma_start3A_61 = arith.constant 0 : i32
    %dma_start3A_62 = tpu.memref_slice %arg7[%dma_start3A_60, %dma_start3A_61] : memref<3200x16xf32, #tpu.memory_space<vmem>> -> memref<128x16xf32, #tpu.memory_space<vmem>>
    %dma_start3A_63 = arith.constant 0 : i32
    %dma_start3A_64 = tpu.memref_slice %arg5[%dma_start3A_59, %dma_start3A_63] : memref<25x128xi32, #tpu.memory_space<vmem>> -> memref<1x128xi32, #tpu.memory_space<vmem>>
    %dma_start3A_65 = tpu.memref_squeeze %dma_start3A_64 : memref<1x128xi32, #tpu.memory_space<vmem>> -> memref<128xi32, #tpu.memory_space<vmem>>
    %dma_start3A_66 = arith.constant 0 : i32
    %dma_start3A_67 = arith.constant 0 : i32
    %dma_start3A_68 = tpu.memref_slice %arg3[%dma_start3A_66, %dma_start3A_67] : memref<1048576x16xf32, #tpu.memory_space<hbm>> -> memref<1048576x16xf32, #tpu.memory_space<hbm>>
    tpu.enqueue_indirect_dma source(%dma_start3A_68 : memref<1048576x16xf32, #tpu.memory_space<hbm>>) target(%dma_start3A_62 : memref<128x16xf32, #tpu.memory_space<vmem>>) offsets(%dma_start3A_65 : memref<128xi32, #tpu.memory_space<vmem>>) semaphore(%arg12 : memref<!tpu.dma_semaphore, #tpu.memory_space<semaphore_mem>>)
    %dma_start3A_69 = arith.constant 5 : i32
    %dma_start3A_70 = arith.constant 640 : i32
    %dma_start3A_71 = arith.constant 0 : i32
    %dma_start3A_72 = tpu.memref_slice %arg7[%dma_start3A_70, %dma_start3A_71] : memref<3200x16xf32, #tpu.memory_space<vmem>> -> memref<128x16xf32, #tpu.memory_space<vmem>>
    %dma_start3A_73 = arith.constant 0 : i32
    %dma_start3A_74 = tpu.memref_slice %arg5[%dma_start3A_69, %dma_start3A_73] : memref<25x128xi32, #tpu.memory_space<vmem>> -> memref<1x128xi32, #tpu.memory_space<vmem>>
    %dma_start3A_75 = tpu.memref_squeeze %dma_start3A_74 : memref<1x128xi32, #tpu.memory_space<vmem>> -> memref<128xi32, #tpu.memory_space<vmem>>
    %dma_start3A_76 = arith.constant 0 : i32
    %dma_start3A_77 = arith.constant 0 : i32
    %dma_start3A_78 = tpu.memref_slice %arg3[%dma_start3A_76, %dma_start3A_77] : memref<1048576x16xf32, #tpu.memory_space<hbm>> -> memref<1048576x16xf32, #tpu.memory_space<hbm>>
    tpu.enqueue_indirect_dma source(%dma_start3A_78 : memref<1048576x16xf32, #tpu.memory_space<hbm>>) target(%dma_start3A_72 : memref<128x16xf32, #tpu.memory_space<vmem>>) offsets(%dma_start3A_75 : memref<128xi32, #tpu.memory_space<vmem>>) semaphore(%arg12 : memref<!tpu.dma_semaphore, #tpu.memory_space<semaphore_mem>>)
    %dma_start3A_79 = arith.constant 6 : i32
    %dma_start3A_80 = arith.constant 768 : i32
    %dma_start3A_81 = arith.constant 0 : i32
    %dma_start3A_82 = tpu.memref_slice %arg7[%dma_start3A_80, %dma_start3A_81] : memref<3200x16xf32, #tpu.memory_space<vmem>> -> memref<128x16xf32, #tpu.memory_space<vmem>>
    %dma_start3A_83 = arith.constant 0 : i32
    %dma_start3A_84 = tpu.memref_slice %arg5[%dma_start3A_79, %dma_start3A_83] : memref<25x128xi32, #tpu.memory_space<vmem>> -> memref<1x128xi32, #tpu.memory_space<vmem>>
    %dma_start3A_85 = tpu.memref_squeeze %dma_start3A_84 : memref<1x128xi32, #tpu.memory_space<vmem>> -> memref<128xi32, #tpu.memory_space<vmem>>
    %dma_start3A_86 = arith.constant 0 : i32
    %dma_start3A_87 = arith.constant 0 : i32
    %dma_start3A_88 = tpu.memref_slice %arg3[%dma_start3A_86, %dma_start3A_87] : memref<1048576x16xf32, #tpu.memory_space<hbm>> -> memref<1048576x16xf32, #tpu.memory_space<hbm>>
    tpu.enqueue_indirect_dma source(%dma_start3A_88 : memref<1048576x16xf32, #tpu.memory_space<hbm>>) target(%dma_start3A_82 : memref<128x16xf32, #tpu.memory_space<vmem>>) offsets(%dma_start3A_85 : memref<128xi32, #tpu.memory_space<vmem>>) semaphore(%arg12 : memref<!tpu.dma_semaphore, #tpu.memory_space<semaphore_mem>>)
    %dma_start3A_89 = arith.constant 7 : i32
    %dma_start3A_90 = arith.constant 896 : i32
    %dma_start3A_91 = arith.constant 0 : i32
    %dma_start3A_92 = tpu.memref_slice %arg7[%dma_start3A_90, %dma_start3A_91] : memref<3200x16xf32, #tpu.memory_space<vmem>> -> memref<128x16xf32, #tpu.memory_space<vmem>>
    %dma_start3A_93 = arith.constant 0 : i32
    %dma_start3A_94 = tpu.memref_slice %arg5[%dma_start3A_89, %dma_start3A_93] : memref<25x128xi32, #tpu.memory_space<vmem>> -> memref<1x128xi32, #tpu.memory_space<vmem>>
    %dma_start3A_95 = tpu.memref_squeeze %dma_start3A_94 : memref<1x128xi32, #tpu.memory_space<vmem>> -> memref<128xi32, #tpu.memory_space<vmem>>
    %dma_start3A_96 = arith.constant 0 : i32
    %dma_start3A_97 = arith.constant 0 : i32
    %dma_start3A_98 = tpu.memref_slice %arg3[%dma_start3A_96, %dma_start3A_97] : memref<1048576x16xf32, #tpu.memory_space<hbm>> -> memref<1048576x16xf32, #tpu.memory_space<hbm>>
    tpu.enqueue_indirect_dma source(%dma_start3A_98 : memref<1048576x16xf32, #tpu.memory_space<hbm>>) target(%dma_start3A_92 : memref<128x16xf32, #tpu.memory_space<vmem>>) offsets(%dma_start3A_95 : memref<128xi32, #tpu.memory_space<vmem>>) semaphore(%arg12 : memref<!tpu.dma_semaphore, #tpu.memory_space<semaphore_mem>>)
    %dma_start3A_99 = arith.constant 8 : i32
    %dma_start3A_100 = arith.constant 1024 : i32
    %dma_start3A_101 = arith.constant 0 : i32
    %dma_start3A_102 = tpu.memref_slice %arg7[%dma_start3A_100, %dma_start3A_101] : memref<3200x16xf32, #tpu.memory_space<vmem>> -> memref<128x16xf32, #tpu.memory_space<vmem>>
    %dma_start3A_103 = arith.constant 0 : i32
    %dma_start3A_104 = tpu.memref_slice %arg5[%dma_start3A_99, %dma_start3A_103] : memref<25x128xi32, #tpu.memory_space<vmem>> -> memref<1x128xi32, #tpu.memory_space<vmem>>
    %dma_start3A_105 = tpu.memref_squeeze %dma_start3A_104 : memref<1x128xi32, #tpu.memory_space<vmem>> -> memref<128xi32, #tpu.memory_space<vmem>>
    %dma_start3A_106 = arith.constant 0 : i32
    %dma_start3A_107 = arith.constant 0 : i32
    %dma_start3A_108 = tpu.memref_slice %arg3[%dma_start3A_106, %dma_start3A_107] : memref<1048576x16xf32, #tpu.memory_space<hbm>> -> memref<1048576x16xf32, #tpu.memory_space<hbm>>
    tpu.enqueue_indirect_dma source(%dma_start3A_108 : memref<1048576x16xf32, #tpu.memory_space<hbm>>) target(%dma_start3A_102 : memref<128x16xf32, #tpu.memory_space<vmem>>) offsets(%dma_start3A_105 : memref<128xi32, #tpu.memory_space<vmem>>) semaphore(%arg12 : memref<!tpu.dma_semaphore, #tpu.memory_space<semaphore_mem>>)
    %dma_start3A_109 = arith.constant 9 : i32
    %dma_start3A_110 = arith.constant 1152 : i32
    %dma_start3A_111 = arith.constant 0 : i32
    %dma_start3A_112 = tpu.memref_slice %arg7[%dma_start3A_110, %dma_start3A_111] : memref<3200x16xf32, #tpu.memory_space<vmem>> -> memref<128x16xf32, #tpu.memory_space<vmem>>
    %dma_start3A_113 = arith.constant 0 : i32
    %dma_start3A_114 = tpu.memref_slice %arg5[%dma_start3A_109, %dma_start3A_113] : memref<25x128xi32, #tpu.memory_space<vmem>> -> memref<1x128xi32, #tpu.memory_space<vmem>>
    %dma_start3A_115 = tpu.memref_squeeze %dma_start3A_114 : memref<1x128xi32, #tpu.memory_space<vmem>> -> memref<128xi32, #tpu.memory_space<vmem>>
    %dma_start3A_116 = arith.constant 0 : i32
    %dma_start3A_117 = arith.constant 0 : i32
    %dma_start3A_118 = tpu.memref_slice %arg3[%dma_start3A_116, %dma_start3A_117] : memref<1048576x16xf32, #tpu.memory_space<hbm>> -> memref<1048576x16xf32, #tpu.memory_space<hbm>>
    tpu.enqueue_indirect_dma source(%dma_start3A_118 : memref<1048576x16xf32, #tpu.memory_space<hbm>>) target(%dma_start3A_112 : memref<128x16xf32, #tpu.memory_space<vmem>>) offsets(%dma_start3A_115 : memref<128xi32, #tpu.memory_space<vmem>>) semaphore(%arg12 : memref<!tpu.dma_semaphore, #tpu.memory_space<semaphore_mem>>)
    %dma_start3A_119 = arith.constant 10 : i32
    %dma_start3A_120 = arith.constant 1280 : i32
    %dma_start3A_121 = arith.constant 0 : i32
    %dma_start3A_122 = tpu.memref_slice %arg7[%dma_start3A_120, %dma_start3A_121] : memref<3200x16xf32, #tpu.memory_space<vmem>> -> memref<128x16xf32, #tpu.memory_space<vmem>>
    %dma_start3A_123 = arith.constant 0 : i32
    %dma_start3A_124 = tpu.memref_slice %arg5[%dma_start3A_119, %dma_start3A_123] : memref<25x128xi32, #tpu.memory_space<vmem>> -> memref<1x128xi32, #tpu.memory_space<vmem>>
    %dma_start3A_125 = tpu.memref_squeeze %dma_start3A_124 : memref<1x128xi32, #tpu.memory_space<vmem>> -> memref<128xi32, #tpu.memory_space<vmem>>
    %dma_start3A_126 = arith.constant 0 : i32
    %dma_start3A_127 = arith.constant 0 : i32
    %dma_start3A_128 = tpu.memref_slice %arg3[%dma_start3A_126, %dma_start3A_127] : memref<1048576x16xf32, #tpu.memory_space<hbm>> -> memref<1048576x16xf32, #tpu.memory_space<hbm>>
    tpu.enqueue_indirect_dma source(%dma_start3A_128 : memref<1048576x16xf32, #tpu.memory_space<hbm>>) target(%dma_start3A_122 : memref<128x16xf32, #tpu.memory_space<vmem>>) offsets(%dma_start3A_125 : memref<128xi32, #tpu.memory_space<vmem>>) semaphore(%arg12 : memref<!tpu.dma_semaphore, #tpu.memory_space<semaphore_mem>>)
    %dma_start3A_129 = arith.constant 11 : i32
    %dma_start3A_130 = arith.constant 1408 : i32
    %dma_start3A_131 = arith.constant 0 : i32
    %dma_start3A_132 = tpu.memref_slice %arg7[%dma_start3A_130, %dma_start3A_131] : memref<3200x16xf32, #tpu.memory_space<vmem>> -> memref<128x16xf32, #tpu.memory_space<vmem>>
    %dma_start3A_133 = arith.constant 0 : i32
    %dma_start3A_134 = tpu.memref_slice %arg5[%dma_start3A_129, %dma_start3A_133] : memref<25x128xi32, #tpu.memory_space<vmem>> -> memref<1x128xi32, #tpu.memory_space<vmem>>
    %dma_start3A_135 = tpu.memref_squeeze %dma_start3A_134 : memref<1x128xi32, #tpu.memory_space<vmem>> -> memref<128xi32, #tpu.memory_space<vmem>>
    %dma_start3A_136 = arith.constant 0 : i32
    %dma_start3A_137 = arith.constant 0 : i32
    %dma_start3A_138 = tpu.memref_slice %arg3[%dma_start3A_136, %dma_start3A_137] : memref<1048576x16xf32, #tpu.memory_space<hbm>> -> memref<1048576x16xf32, #tpu.memory_space<hbm>>
    tpu.enqueue_indirect_dma source(%dma_start3A_138 : memref<1048576x16xf32, #tpu.memory_space<hbm>>) target(%dma_start3A_132 : memref<128x16xf32, #tpu.memory_space<vmem>>) offsets(%dma_start3A_135 : memref<128xi32, #tpu.memory_space<vmem>>) semaphore(%arg12 : memref<!tpu.dma_semaphore, #tpu.memory_space<semaphore_mem>>)
    %dma_start3A_139 = arith.constant 12 : i32
    %dma_start3A_140 = arith.constant 1536 : i32
    %dma_start3A_141 = arith.constant 0 : i32
    %dma_start3A_142 = tpu.memref_slice %arg7[%dma_start3A_140, %dma_start3A_141] : memref<3200x16xf32, #tpu.memory_space<vmem>> -> memref<128x16xf32, #tpu.memory_space<vmem>>
    %dma_start3A_143 = arith.constant 0 : i32
    %dma_start3A_144 = tpu.memref_slice %arg5[%dma_start3A_139, %dma_start3A_143] : memref<25x128xi32, #tpu.memory_space<vmem>> -> memref<1x128xi32, #tpu.memory_space<vmem>>
    %dma_start3A_145 = tpu.memref_squeeze %dma_start3A_144 : memref<1x128xi32, #tpu.memory_space<vmem>> -> memref<128xi32, #tpu.memory_space<vmem>>
    %dma_start3A_146 = arith.constant 0 : i32
    %dma_start3A_147 = arith.constant 0 : i32
    %dma_start3A_148 = tpu.memref_slice %arg3[%dma_start3A_146, %dma_start3A_147] : memref<1048576x16xf32, #tpu.memory_space<hbm>> -> memref<1048576x16xf32, #tpu.memory_space<hbm>>
    tpu.enqueue_indirect_dma source(%dma_start3A_148 : memref<1048576x16xf32, #tpu.memory_space<hbm>>) target(%dma_start3A_142 : memref<128x16xf32, #tpu.memory_space<vmem>>) offsets(%dma_start3A_145 : memref<128xi32, #tpu.memory_space<vmem>>) semaphore(%arg12 : memref<!tpu.dma_semaphore, #tpu.memory_space<semaphore_mem>>)
    %dma_start3A_149 = arith.constant 13 : i32
    %dma_start3A_150 = arith.constant 1664 : i32
    %dma_start3A_151 = arith.constant 0 : i32
    %dma_start3A_152 = tpu.memref_slice %arg7[%dma_start3A_150, %dma_start3A_151] : memref<3200x16xf32, #tpu.memory_space<vmem>> -> memref<128x16xf32, #tpu.memory_space<vmem>>
    %dma_start3A_153 = arith.constant 0 : i32
    %dma_start3A_154 = tpu.memref_slice %arg5[%dma_start3A_149, %dma_start3A_153] : memref<25x128xi32, #tpu.memory_space<vmem>> -> memref<1x128xi32, #tpu.memory_space<vmem>>
    %dma_start3A_155 = tpu.memref_squeeze %dma_start3A_154 : memref<1x128xi32, #tpu.memory_space<vmem>> -> memref<128xi32, #tpu.memory_space<vmem>>
    %dma_start3A_156 = arith.constant 0 : i32
    %dma_start3A_157 = arith.constant 0 : i32
    %dma_start3A_158 = tpu.memref_slice %arg3[%dma_start3A_156, %dma_start3A_157] : memref<1048576x16xf32, #tpu.memory_space<hbm>> -> memref<1048576x16xf32, #tpu.memory_space<hbm>>
    tpu.enqueue_indirect_dma source(%dma_start3A_158 : memref<1048576x16xf32, #tpu.memory_space<hbm>>) target(%dma_start3A_152 : memref<128x16xf32, #tpu.memory_space<vmem>>) offsets(%dma_start3A_155 : memref<128xi32, #tpu.memory_space<vmem>>) semaphore(%arg12 : memref<!tpu.dma_semaphore, #tpu.memory_space<semaphore_mem>>)
    %dma_start3A_159 = arith.constant 14 : i32
    %dma_start3A_160 = arith.constant 1792 : i32
    %dma_start3A_161 = arith.constant 0 : i32
    %dma_start3A_162 = tpu.memref_slice %arg7[%dma_start3A_160, %dma_start3A_161] : memref<3200x16xf32, #tpu.memory_space<vmem>> -> memref<128x16xf32, #tpu.memory_space<vmem>>
    %dma_start3A_163 = arith.constant 0 : i32
    %dma_start3A_164 = tpu.memref_slice %arg5[%dma_start3A_159, %dma_start3A_163] : memref<25x128xi32, #tpu.memory_space<vmem>> -> memref<1x128xi32, #tpu.memory_space<vmem>>
    %dma_start3A_165 = tpu.memref_squeeze %dma_start3A_164 : memref<1x128xi32, #tpu.memory_space<vmem>> -> memref<128xi32, #tpu.memory_space<vmem>>
    %dma_start3A_166 = arith.constant 0 : i32
    %dma_start3A_167 = arith.constant 0 : i32
    %dma_start3A_168 = tpu.memref_slice %arg3[%dma_start3A_166, %dma_start3A_167] : memref<1048576x16xf32, #tpu.memory_space<hbm>> -> memref<1048576x16xf32, #tpu.memory_space<hbm>>
    tpu.enqueue_indirect_dma source(%dma_start3A_168 : memref<1048576x16xf32, #tpu.memory_space<hbm>>) target(%dma_start3A_162 : memref<128x16xf32, #tpu.memory_space<vmem>>) offsets(%dma_start3A_165 : memref<128xi32, #tpu.memory_space<vmem>>) semaphore(%arg12 : memref<!tpu.dma_semaphore, #tpu.memory_space<semaphore_mem>>)
    %dma_start3A_169 = arith.constant 15 : i32
    %dma_start3A_170 = arith.constant 1920 : i32
    %dma_start3A_171 = arith.constant 0 : i32
    %dma_start3A_172 = tpu.memref_slice %arg7[%dma_start3A_170, %dma_start3A_171] : memref<3200x16xf32, #tpu.memory_space<vmem>> -> memref<128x16xf32, #tpu.memory_space<vmem>>
    %dma_start3A_173 = arith.constant 0 : i32
    %dma_start3A_174 = tpu.memref_slice %arg5[%dma_start3A_169, %dma_start3A_173] : memref<25x128xi32, #tpu.memory_space<vmem>> -> memref<1x128xi32, #tpu.memory_space<vmem>>
    %dma_start3A_175 = tpu.memref_squeeze %dma_start3A_174 : memref<1x128xi32, #tpu.memory_space<vmem>> -> memref<128xi32, #tpu.memory_space<vmem>>
    %dma_start3A_176 = arith.constant 0 : i32
    %dma_start3A_177 = arith.constant 0 : i32
    %dma_start3A_178 = tpu.memref_slice %arg3[%dma_start3A_176, %dma_start3A_177] : memref<1048576x16xf32, #tpu.memory_space<hbm>> -> memref<1048576x16xf32, #tpu.memory_space<hbm>>
    tpu.enqueue_indirect_dma source(%dma_start3A_178 : memref<1048576x16xf32, #tpu.memory_space<hbm>>) target(%dma_start3A_172 : memref<128x16xf32, #tpu.memory_space<vmem>>) offsets(%dma_start3A_175 : memref<128xi32, #tpu.memory_space<vmem>>) semaphore(%arg12 : memref<!tpu.dma_semaphore, #tpu.memory_space<semaphore_mem>>)
    %dma_start3A_179 = arith.constant 16 : i32
    %dma_start3A_180 = arith.constant 2048 : i32
    %dma_start3A_181 = arith.constant 0 : i32
    %dma_start3A_182 = tpu.memref_slice %arg7[%dma_start3A_180, %dma_start3A_181] : memref<3200x16xf32, #tpu.memory_space<vmem>> -> memref<128x16xf32, #tpu.memory_space<vmem>>
    %dma_start3A_183 = arith.constant 0 : i32
    %dma_start3A_184 = tpu.memref_slice %arg5[%dma_start3A_179, %dma_start3A_183] : memref<25x128xi32, #tpu.memory_space<vmem>> -> memref<1x128xi32, #tpu.memory_space<vmem>>
    %dma_start3A_185 = tpu.memref_squeeze %dma_start3A_184 : memref<1x128xi32, #tpu.memory_space<vmem>> -> memref<128xi32, #tpu.memory_space<vmem>>
    %dma_start3A_186 = arith.constant 0 : i32
    %dma_start3A_187 = arith.constant 0 : i32
    %dma_start3A_188 = tpu.memref_slice %arg3[%dma_start3A_186, %dma_start3A_187] : memref<1048576x16xf32, #tpu.memory_space<hbm>> -> memref<1048576x16xf32, #tpu.memory_space<hbm>>
    tpu.enqueue_indirect_dma source(%dma_start3A_188 : memref<1048576x16xf32, #tpu.memory_space<hbm>>) target(%dma_start3A_182 : memref<128x16xf32, #tpu.memory_space<vmem>>) offsets(%dma_start3A_185 : memref<128xi32, #tpu.memory_space<vmem>>) semaphore(%arg12 : memref<!tpu.dma_semaphore, #tpu.memory_space<semaphore_mem>>)
    %dma_start3A_189 = arith.constant 17 : i32
    %dma_start3A_190 = arith.constant 2176 : i32
    %dma_start3A_191 = arith.constant 0 : i32
    %dma_start3A_192 = tpu.memref_slice %arg7[%dma_start3A_190, %dma_start3A_191] : memref<3200x16xf32, #tpu.memory_space<vmem>> -> memref<128x16xf32, #tpu.memory_space<vmem>>
    %dma_start3A_193 = arith.constant 0 : i32
    %dma_start3A_194 = tpu.memref_slice %arg5[%dma_start3A_189, %dma_start3A_193] : memref<25x128xi32, #tpu.memory_space<vmem>> -> memref<1x128xi32, #tpu.memory_space<vmem>>
    %dma_start3A_195 = tpu.memref_squeeze %dma_start3A_194 : memref<1x128xi32, #tpu.memory_space<vmem>> -> memref<128xi32, #tpu.memory_space<vmem>>
    %dma_start3A_196 = arith.constant 0 : i32
    %dma_start3A_197 = arith.constant 0 : i32
    %dma_start3A_198 = tpu.memref_slice %arg3[%dma_start3A_196, %dma_start3A_197] : memref<1048576x16xf32, #tpu.memory_space<hbm>> -> memref<1048576x16xf32, #tpu.memory_space<hbm>>
    tpu.enqueue_indirect_dma source(%dma_start3A_198 : memref<1048576x16xf32, #tpu.memory_space<hbm>>) target(%dma_start3A_192 : memref<128x16xf32, #tpu.memory_space<vmem>>) offsets(%dma_start3A_195 : memref<128xi32, #tpu.memory_space<vmem>>) semaphore(%arg12 : memref<!tpu.dma_semaphore, #tpu.memory_space<semaphore_mem>>)
    %dma_start3A_199 = arith.constant 18 : i32
    %dma_start3A_200 = arith.constant 2304 : i32
    %dma_start3A_201 = arith.constant 0 : i32
    %dma_start3A_202 = tpu.memref_slice %arg7[%dma_start3A_200, %dma_start3A_201] : memref<3200x16xf32, #tpu.memory_space<vmem>> -> memref<128x16xf32, #tpu.memory_space<vmem>>
    %dma_start3A_203 = arith.constant 0 : i32
    %dma_start3A_204 = tpu.memref_slice %arg5[%dma_start3A_199, %dma_start3A_203] : memref<25x128xi32, #tpu.memory_space<vmem>> -> memref<1x128xi32, #tpu.memory_space<vmem>>
    %dma_start3A_205 = tpu.memref_squeeze %dma_start3A_204 : memref<1x128xi32, #tpu.memory_space<vmem>> -> memref<128xi32, #tpu.memory_space<vmem>>
    %dma_start3A_206 = arith.constant 0 : i32
    %dma_start3A_207 = arith.constant 0 : i32
    %dma_start3A_208 = tpu.memref_slice %arg3[%dma_start3A_206, %dma_start3A_207] : memref<1048576x16xf32, #tpu.memory_space<hbm>> -> memref<1048576x16xf32, #tpu.memory_space<hbm>>
    tpu.enqueue_indirect_dma source(%dma_start3A_208 : memref<1048576x16xf32, #tpu.memory_space<hbm>>) target(%dma_start3A_202 : memref<128x16xf32, #tpu.memory_space<vmem>>) offsets(%dma_start3A_205 : memref<128xi32, #tpu.memory_space<vmem>>) semaphore(%arg12 : memref<!tpu.dma_semaphore, #tpu.memory_space<semaphore_mem>>)
    %dma_start3A_209 = arith.constant 19 : i32
    %dma_start3A_210 = arith.constant 2432 : i32
    %dma_start3A_211 = arith.constant 0 : i32
    %dma_start3A_212 = tpu.memref_slice %arg7[%dma_start3A_210, %dma_start3A_211] : memref<3200x16xf32, #tpu.memory_space<vmem>> -> memref<128x16xf32, #tpu.memory_space<vmem>>
    %dma_start3A_213 = arith.constant 0 : i32
    %dma_start3A_214 = tpu.memref_slice %arg5[%dma_start3A_209, %dma_start3A_213] : memref<25x128xi32, #tpu.memory_space<vmem>> -> memref<1x128xi32, #tpu.memory_space<vmem>>
    %dma_start3A_215 = tpu.memref_squeeze %dma_start3A_214 : memref<1x128xi32, #tpu.memory_space<vmem>> -> memref<128xi32, #tpu.memory_space<vmem>>
    %dma_start3A_216 = arith.constant 0 : i32
    %dma_start3A_217 = arith.constant 0 : i32
    %dma_start3A_218 = tpu.memref_slice %arg3[%dma_start3A_216, %dma_start3A_217] : memref<1048576x16xf32, #tpu.memory_space<hbm>> -> memref<1048576x16xf32, #tpu.memory_space<hbm>>
    tpu.enqueue_indirect_dma source(%dma_start3A_218 : memref<1048576x16xf32, #tpu.memory_space<hbm>>) target(%dma_start3A_212 : memref<128x16xf32, #tpu.memory_space<vmem>>) offsets(%dma_start3A_215 : memref<128xi32, #tpu.memory_space<vmem>>) semaphore(%arg12 : memref<!tpu.dma_semaphore, #tpu.memory_space<semaphore_mem>>)
    %dma_start3A_219 = arith.constant 20 : i32
    %dma_start3A_220 = arith.constant 2560 : i32
    %dma_start3A_221 = arith.constant 0 : i32
    %dma_start3A_222 = tpu.memref_slice %arg7[%dma_start3A_220, %dma_start3A_221] : memref<3200x16xf32, #tpu.memory_space<vmem>> -> memref<128x16xf32, #tpu.memory_space<vmem>>
    %dma_start3A_223 = arith.constant 0 : i32
    %dma_start3A_224 = tpu.memref_slice %arg5[%dma_start3A_219, %dma_start3A_223] : memref<25x128xi32, #tpu.memory_space<vmem>> -> memref<1x128xi32, #tpu.memory_space<vmem>>
    %dma_start3A_225 = tpu.memref_squeeze %dma_start3A_224 : memref<1x128xi32, #tpu.memory_space<vmem>> -> memref<128xi32, #tpu.memory_space<vmem>>
    %dma_start3A_226 = arith.constant 0 : i32
    %dma_start3A_227 = arith.constant 0 : i32
    %dma_start3A_228 = tpu.memref_slice %arg3[%dma_start3A_226, %dma_start3A_227] : memref<1048576x16xf32, #tpu.memory_space<hbm>> -> memref<1048576x16xf32, #tpu.memory_space<hbm>>
    tpu.enqueue_indirect_dma source(%dma_start3A_228 : memref<1048576x16xf32, #tpu.memory_space<hbm>>) target(%dma_start3A_222 : memref<128x16xf32, #tpu.memory_space<vmem>>) offsets(%dma_start3A_225 : memref<128xi32, #tpu.memory_space<vmem>>) semaphore(%arg12 : memref<!tpu.dma_semaphore, #tpu.memory_space<semaphore_mem>>)
    %dma_start3A_229 = arith.constant 21 : i32
    %dma_start3A_230 = arith.constant 2688 : i32
    %dma_start3A_231 = arith.constant 0 : i32
    %dma_start3A_232 = tpu.memref_slice %arg7[%dma_start3A_230, %dma_start3A_231] : memref<3200x16xf32, #tpu.memory_space<vmem>> -> memref<128x16xf32, #tpu.memory_space<vmem>>
    %dma_start3A_233 = arith.constant 0 : i32
    %dma_start3A_234 = tpu.memref_slice %arg5[%dma_start3A_229, %dma_start3A_233] : memref<25x128xi32, #tpu.memory_space<vmem>> -> memref<1x128xi32, #tpu.memory_space<vmem>>
    %dma_start3A_235 = tpu.memref_squeeze %dma_start3A_234 : memref<1x128xi32, #tpu.memory_space<vmem>> -> memref<128xi32, #tpu.memory_space<vmem>>
    %dma_start3A_236 = arith.constant 0 : i32
    %dma_start3A_237 = arith.constant 0 : i32
    %dma_start3A_238 = tpu.memref_slice %arg3[%dma_start3A_236, %dma_start3A_237] : memref<1048576x16xf32, #tpu.memory_space<hbm>> -> memref<1048576x16xf32, #tpu.memory_space<hbm>>
    tpu.enqueue_indirect_dma source(%dma_start3A_238 : memref<1048576x16xf32, #tpu.memory_space<hbm>>) target(%dma_start3A_232 : memref<128x16xf32, #tpu.memory_space<vmem>>) offsets(%dma_start3A_235 : memref<128xi32, #tpu.memory_space<vmem>>) semaphore(%arg12 : memref<!tpu.dma_semaphore, #tpu.memory_space<semaphore_mem>>)
    %dma_start3A_239 = arith.constant 22 : i32
    %dma_start3A_240 = arith.constant 2816 : i32
    %dma_start3A_241 = arith.constant 0 : i32
    %dma_start3A_242 = tpu.memref_slice %arg7[%dma_start3A_240, %dma_start3A_241] : memref<3200x16xf32, #tpu.memory_space<vmem>> -> memref<128x16xf32, #tpu.memory_space<vmem>>
    %dma_start3A_243 = arith.constant 0 : i32
    %dma_start3A_244 = tpu.memref_slice %arg5[%dma_start3A_239, %dma_start3A_243] : memref<25x128xi32, #tpu.memory_space<vmem>> -> memref<1x128xi32, #tpu.memory_space<vmem>>
    %dma_start3A_245 = tpu.memref_squeeze %dma_start3A_244 : memref<1x128xi32, #tpu.memory_space<vmem>> -> memref<128xi32, #tpu.memory_space<vmem>>
    %dma_start3A_246 = arith.constant 0 : i32
    %dma_start3A_247 = arith.constant 0 : i32
    %dma_start3A_248 = tpu.memref_slice %arg3[%dma_start3A_246, %dma_start3A_247] : memref<1048576x16xf32, #tpu.memory_space<hbm>> -> memref<1048576x16xf32, #tpu.memory_space<hbm>>
    tpu.enqueue_indirect_dma source(%dma_start3A_248 : memref<1048576x16xf32, #tpu.memory_space<hbm>>) target(%dma_start3A_242 : memref<128x16xf32, #tpu.memory_space<vmem>>) offsets(%dma_start3A_245 : memref<128xi32, #tpu.memory_space<vmem>>) semaphore(%arg12 : memref<!tpu.dma_semaphore, #tpu.memory_space<semaphore_mem>>)
    %dma_start3A_249 = arith.constant 23 : i32
    %dma_start3A_250 = arith.constant 2944 : i32
    %dma_start3A_251 = arith.constant 0 : i32
    %dma_start3A_252 = tpu.memref_slice %arg7[%dma_start3A_250, %dma_start3A_251] : memref<3200x16xf32, #tpu.memory_space<vmem>> -> memref<128x16xf32, #tpu.memory_space<vmem>>
    %dma_start3A_253 = arith.constant 0 : i32
    %dma_start3A_254 = tpu.memref_slice %arg5[%dma_start3A_249, %dma_start3A_253] : memref<25x128xi32, #tpu.memory_space<vmem>> -> memref<1x128xi32, #tpu.memory_space<vmem>>
    %dma_start3A_255 = tpu.memref_squeeze %dma_start3A_254 : memref<1x128xi32, #tpu.memory_space<vmem>> -> memref<128xi32, #tpu.memory_space<vmem>>
    %dma_start3A_256 = arith.constant 0 : i32
    %dma_start3A_257 = arith.constant 0 : i32
    %dma_start3A_258 = tpu.memref_slice %arg3[%dma_start3A_256, %dma_start3A_257] : memref<1048576x16xf32, #tpu.memory_space<hbm>> -> memref<1048576x16xf32, #tpu.memory_space<hbm>>
    tpu.enqueue_indirect_dma source(%dma_start3A_258 : memref<1048576x16xf32, #tpu.memory_space<hbm>>) target(%dma_start3A_252 : memref<128x16xf32, #tpu.memory_space<vmem>>) offsets(%dma_start3A_255 : memref<128xi32, #tpu.memory_space<vmem>>) semaphore(%arg12 : memref<!tpu.dma_semaphore, #tpu.memory_space<semaphore_mem>>)
    %dma_start3A_259 = arith.constant 24 : i32
    %dma_start3A_260 = arith.constant 3072 : i32
    %dma_start3A_261 = arith.constant 0 : i32
    %dma_start3A_262 = tpu.memref_slice %arg7[%dma_start3A_260, %dma_start3A_261] : memref<3200x16xf32, #tpu.memory_space<vmem>> -> memref<128x16xf32, #tpu.memory_space<vmem>>
    %dma_start3A_263 = arith.constant 0 : i32
    %dma_start3A_264 = tpu.memref_slice %arg5[%dma_start3A_259, %dma_start3A_263] : memref<25x128xi32, #tpu.memory_space<vmem>> -> memref<1x128xi32, #tpu.memory_space<vmem>>
    %dma_start3A_265 = tpu.memref_squeeze %dma_start3A_264 : memref<1x128xi32, #tpu.memory_space<vmem>> -> memref<128xi32, #tpu.memory_space<vmem>>
    %dma_start3A_266 = arith.constant 0 : i32
    %dma_start3A_267 = arith.constant 0 : i32
    %dma_start3A_268 = tpu.memref_slice %arg3[%dma_start3A_266, %dma_start3A_267] : memref<1048576x16xf32, #tpu.memory_space<hbm>> -> memref<1048576x16xf32, #tpu.memory_space<hbm>>
    tpu.enqueue_indirect_dma source(%dma_start3A_268 : memref<1048576x16xf32, #tpu.memory_space<hbm>>) target(%dma_start3A_262 : memref<128x16xf32, #tpu.memory_space<vmem>>) offsets(%dma_start3A_265 : memref<128xi32, #tpu.memory_space<vmem>>) semaphore(%arg12 : memref<!tpu.dma_semaphore, #tpu.memory_space<semaphore_mem>>)
    %broadcast_in_dim3A = arith.constant 0.000000e+00 : f32
    %broadcast_in_dim3A_269 = vector.broadcast %broadcast_in_dim3A : f32 to vector<16xf32>
    %scan3A = arith.constant 0 : i32
    %scan3A_270 = arith.constant 16 : i32
    %scan3A_271 = arith.addi %scan3A, %scan3A_270 : i32
    %scan3A_272 = arith.constant 1 : i32
    %scan3A_273:4 = scf.for %scan3A_281 = %scan3A to %scan3A_271 step %scan3A_272 iter_args(%scan3A_282 = %broadcast_in_dim3A_269, %scan3A_283 = %broadcast_in_dim3A_269, %scan3A_284 = %broadcast_in_dim3A_269, %scan3A_285 = %broadcast_in_dim3A_269) -> (vector<16xf32>, vector<16xf32>, vector<16xf32>, vector<16xf32>)  : i32 {
      %mul3A_286 = arith.constant 2 : i32
      %mul3A_287 = arith.muli %mul3A_286, %scan3A_281 : i32
      %add3A_288 = arith.constant 1 : i32
      %add3A_289 = arith.addi %mul3A_287, %add3A_288 : i32
      %mul3A_290 = arith.constant 25 : i32
      %mul3A_291 = arith.muli %add3A_289, %mul3A_290 : i32
      %add3A_292 = arith.addi %mul3A_2, %mul3A_291 : i32
      %dma_wait3A_293 = arith.constant 0 : i32
      %dma_wait3A_294 = tpu.memref_slice %arg2[%add3A_292, %dma_wait3A_293] : memref<25600x128xi32, #tpu.memory_space<hbm>> -> memref<25x128xi32, #tpu.memory_space<hbm>>
      %dma_wait3A_295 = arith.constant 0 : i32
      %dma_wait3A_296 = tpu.memref_slice %arg2[%add3A_292, %dma_wait3A_295] : memref<25600x128xi32, #tpu.memory_space<hbm>> -> memref<25x128xi32, #tpu.memory_space<hbm>>
      tpu.wait_dma2 semaphore(%arg11 : memref<!tpu.dma_semaphore, #tpu.memory_space<semaphore_mem>>) src(%dma_wait3A_296 : memref<25x128xi32, #tpu.memory_space<hbm>>) dst(%arg6 : memref<25x128xi32, #tpu.memory_space<vmem>>)
      %dma_start3A_297 = arith.constant 0 : i32
      %dma_start3A_298 = arith.constant 0 : i32
      %dma_start3A_299 = arith.constant 0 : i32
      %dma_start3A_300 = tpu.memref_slice %arg8[%dma_start3A_298, %dma_start3A_299] : memref<3200x16xf32, #tpu.memory_space<vmem>> -> memref<128x16xf32, #tpu.memory_space<vmem>>
      %dma_start3A_301 = arith.constant 0 : i32
      %dma_start3A_302 = tpu.memref_slice %arg6[%dma_start3A_297, %dma_start3A_301] : memref<25x128xi32, #tpu.memory_space<vmem>> -> memref<1x128xi32, #tpu.memory_space<vmem>>
      %dma_start3A_303 = tpu.memref_squeeze %dma_start3A_302 : memref<1x128xi32, #tpu.memory_space<vmem>> -> memref<128xi32, #tpu.memory_space<vmem>>
      %dma_start3A_304 = arith.constant 0 : i32
      %dma_start3A_305 = arith.constant 0 : i32
      %dma_start3A_306 = tpu.memref_slice %arg3[%dma_start3A_304, %dma_start3A_305] : memref<1048576x16xf32, #tpu.memory_space<hbm>> -> memref<1048576x16xf32, #tpu.memory_space<hbm>>
      tpu.enqueue_indirect_dma source(%dma_start3A_306 : memref<1048576x16xf32, #tpu.memory_space<hbm>>) target(%dma_start3A_300 : memref<128x16xf32, #tpu.memory_space<vmem>>) offsets(%dma_start3A_303 : memref<128xi32, #tpu.memory_space<vmem>>) semaphore(%arg13 : memref<!tpu.dma_semaphore, #tpu.memory_space<semaphore_mem>>)
      %dma_start3A_307 = arith.constant 1 : i32
      %dma_start3A_308 = arith.constant 128 : i32
      %dma_start3A_309 = arith.constant 0 : i32
      %dma_start3A_310 = tpu.memref_slice %arg8[%dma_start3A_308, %dma_start3A_309] : memref<3200x16xf32, #tpu.memory_space<vmem>> -> memref<128x16xf32, #tpu.memory_space<vmem>>
      %dma_start3A_311 = arith.constant 0 : i32
      %dma_start3A_312 = tpu.memref_slice %arg6[%dma_start3A_307, %dma_start3A_311] : memref<25x128xi32, #tpu.memory_space<vmem>> -> memref<1x128xi32, #tpu.memory_space<vmem>>
      %dma_start3A_313 = tpu.memref_squeeze %dma_start3A_312 : memref<1x128xi32, #tpu.memory_space<vmem>> -> memref<128xi32, #tpu.memory_space<vmem>>
      %dma_start3A_314 = arith.constant 0 : i32
      %dma_start3A_315 = arith.constant 0 : i32
      %dma_start3A_316 = tpu.memref_slice %arg3[%dma_start3A_314, %dma_start3A_315] : memref<1048576x16xf32, #tpu.memory_space<hbm>> -> memref<1048576x16xf32, #tpu.memory_space<hbm>>
      tpu.enqueue_indirect_dma source(%dma_start3A_316 : memref<1048576x16xf32, #tpu.memory_space<hbm>>) target(%dma_start3A_310 : memref<128x16xf32, #tpu.memory_space<vmem>>) offsets(%dma_start3A_313 : memref<128xi32, #tpu.memory_space<vmem>>) semaphore(%arg13 : memref<!tpu.dma_semaphore, #tpu.memory_space<semaphore_mem>>)
      %dma_start3A_317 = arith.constant 2 : i32
      %dma_start3A_318 = arith.constant 256 : i32
      %dma_start3A_319 = arith.constant 0 : i32
      %dma_start3A_320 = tpu.memref_slice %arg8[%dma_start3A_318, %dma_start3A_319] : memref<3200x16xf32, #tpu.memory_space<vmem>> -> memref<128x16xf32, #tpu.memory_space<vmem>>
      %dma_start3A_321 = arith.constant 0 : i32
      %dma_start3A_322 = tpu.memref_slice %arg6[%dma_start3A_317, %dma_start3A_321] : memref<25x128xi32, #tpu.memory_space<vmem>> -> memref<1x128xi32, #tpu.memory_space<vmem>>
      %dma_start3A_323 = tpu.memref_squeeze %dma_start3A_322 : memref<1x128xi32, #tpu.memory_space<vmem>> -> memref<128xi32, #tpu.memory_space<vmem>>
      %dma_start3A_324 = arith.constant 0 : i32
      %dma_start3A_325 = arith.constant 0 : i32
      %dma_start3A_326 = tpu.memref_slice %arg3[%dma_start3A_324, %dma_start3A_325] : memref<1048576x16xf32, #tpu.memory_space<hbm>> -> memref<1048576x16xf32, #tpu.memory_space<hbm>>
      tpu.enqueue_indirect_dma source(%dma_start3A_326 : memref<1048576x16xf32, #tpu.memory_space<hbm>>) target(%dma_start3A_320 : memref<128x16xf32, #tpu.memory_space<vmem>>) offsets(%dma_start3A_323 : memref<128xi32, #tpu.memory_space<vmem>>) semaphore(%arg13 : memref<!tpu.dma_semaphore, #tpu.memory_space<semaphore_mem>>)
      %dma_start3A_327 = arith.constant 3 : i32
      %dma_start3A_328 = arith.constant 384 : i32
      %dma_start3A_329 = arith.constant 0 : i32
      %dma_start3A_330 = tpu.memref_slice %arg8[%dma_start3A_328, %dma_start3A_329] : memref<3200x16xf32, #tpu.memory_space<vmem>> -> memref<128x16xf32, #tpu.memory_space<vmem>>
      %dma_start3A_331 = arith.constant 0 : i32
      %dma_start3A_332 = tpu.memref_slice %arg6[%dma_start3A_327, %dma_start3A_331] : memref<25x128xi32, #tpu.memory_space<vmem>> -> memref<1x128xi32, #tpu.memory_space<vmem>>
      %dma_start3A_333 = tpu.memref_squeeze %dma_start3A_332 : memref<1x128xi32, #tpu.memory_space<vmem>> -> memref<128xi32, #tpu.memory_space<vmem>>
      %dma_start3A_334 = arith.constant 0 : i32
      %dma_start3A_335 = arith.constant 0 : i32
      %dma_start3A_336 = tpu.memref_slice %arg3[%dma_start3A_334, %dma_start3A_335] : memref<1048576x16xf32, #tpu.memory_space<hbm>> -> memref<1048576x16xf32, #tpu.memory_space<hbm>>
      tpu.enqueue_indirect_dma source(%dma_start3A_336 : memref<1048576x16xf32, #tpu.memory_space<hbm>>) target(%dma_start3A_330 : memref<128x16xf32, #tpu.memory_space<vmem>>) offsets(%dma_start3A_333 : memref<128xi32, #tpu.memory_space<vmem>>) semaphore(%arg13 : memref<!tpu.dma_semaphore, #tpu.memory_space<semaphore_mem>>)
      %dma_start3A_337 = arith.constant 4 : i32
      %dma_start3A_338 = arith.constant 512 : i32
      %dma_start3A_339 = arith.constant 0 : i32
      %dma_start3A_340 = tpu.memref_slice %arg8[%dma_start3A_338, %dma_start3A_339] : memref<3200x16xf32, #tpu.memory_space<vmem>> -> memref<128x16xf32, #tpu.memory_space<vmem>>
      %dma_start3A_341 = arith.constant 0 : i32
      %dma_start3A_342 = tpu.memref_slice %arg6[%dma_start3A_337, %dma_start3A_341] : memref<25x128xi32, #tpu.memory_space<vmem>> -> memref<1x128xi32, #tpu.memory_space<vmem>>
      %dma_start3A_343 = tpu.memref_squeeze %dma_start3A_342 : memref<1x128xi32, #tpu.memory_space<vmem>> -> memref<128xi32, #tpu.memory_space<vmem>>
      %dma_start3A_344 = arith.constant 0 : i32
      %dma_start3A_345 = arith.constant 0 : i32
      %dma_start3A_346 = tpu.memref_slice %arg3[%dma_start3A_344, %dma_start3A_345] : memref<1048576x16xf32, #tpu.memory_space<hbm>> -> memref<1048576x16xf32, #tpu.memory_space<hbm>>
      tpu.enqueue_indirect_dma source(%dma_start3A_346 : memref<1048576x16xf32, #tpu.memory_space<hbm>>) target(%dma_start3A_340 : memref<128x16xf32, #tpu.memory_space<vmem>>) offsets(%dma_start3A_343 : memref<128xi32, #tpu.memory_space<vmem>>) semaphore(%arg13 : memref<!tpu.dma_semaphore, #tpu.memory_space<semaphore_mem>>)
      %dma_start3A_347 = arith.constant 5 : i32
      %dma_start3A_348 = arith.constant 640 : i32
      %dma_start3A_349 = arith.constant 0 : i32
      %dma_start3A_350 = tpu.memref_slice %arg8[%dma_start3A_348, %dma_start3A_349] : memref<3200x16xf32, #tpu.memory_space<vmem>> -> memref<128x16xf32, #tpu.memory_space<vmem>>
      %dma_start3A_351 = arith.constant 0 : i32
      %dma_start3A_352 = tpu.memref_slice %arg6[%dma_start3A_347, %dma_start3A_351] : memref<25x128xi32, #tpu.memory_space<vmem>> -> memref<1x128xi32, #tpu.memory_space<vmem>>
      %dma_start3A_353 = tpu.memref_squeeze %dma_start3A_352 : memref<1x128xi32, #tpu.memory_space<vmem>> -> memref<128xi32, #tpu.memory_space<vmem>>
      %dma_start3A_354 = arith.constant 0 : i32
      %dma_start3A_355 = arith.constant 0 : i32
      %dma_start3A_356 = tpu.memref_slice %arg3[%dma_start3A_354, %dma_start3A_355] : memref<1048576x16xf32, #tpu.memory_space<hbm>> -> memref<1048576x16xf32, #tpu.memory_space<hbm>>
      tpu.enqueue_indirect_dma source(%dma_start3A_356 : memref<1048576x16xf32, #tpu.memory_space<hbm>>) target(%dma_start3A_350 : memref<128x16xf32, #tpu.memory_space<vmem>>) offsets(%dma_start3A_353 : memref<128xi32, #tpu.memory_space<vmem>>) semaphore(%arg13 : memref<!tpu.dma_semaphore, #tpu.memory_space<semaphore_mem>>)
      %dma_start3A_357 = arith.constant 6 : i32
      %dma_start3A_358 = arith.constant 768 : i32
      %dma_start3A_359 = arith.constant 0 : i32
      %dma_start3A_360 = tpu.memref_slice %arg8[%dma_start3A_358, %dma_start3A_359] : memref<3200x16xf32, #tpu.memory_space<vmem>> -> memref<128x16xf32, #tpu.memory_space<vmem>>
      %dma_start3A_361 = arith.constant 0 : i32
      %dma_start3A_362 = tpu.memref_slice %arg6[%dma_start3A_357, %dma_start3A_361] : memref<25x128xi32, #tpu.memory_space<vmem>> -> memref<1x128xi32, #tpu.memory_space<vmem>>
      %dma_start3A_363 = tpu.memref_squeeze %dma_start3A_362 : memref<1x128xi32, #tpu.memory_space<vmem>> -> memref<128xi32, #tpu.memory_space<vmem>>
      %dma_start3A_364 = arith.constant 0 : i32
      %dma_start3A_365 = arith.constant 0 : i32
      %dma_start3A_366 = tpu.memref_slice %arg3[%dma_start3A_364, %dma_start3A_365] : memref<1048576x16xf32, #tpu.memory_space<hbm>> -> memref<1048576x16xf32, #tpu.memory_space<hbm>>
      tpu.enqueue_indirect_dma source(%dma_start3A_366 : memref<1048576x16xf32, #tpu.memory_space<hbm>>) target(%dma_start3A_360 : memref<128x16xf32, #tpu.memory_space<vmem>>) offsets(%dma_start3A_363 : memref<128xi32, #tpu.memory_space<vmem>>) semaphore(%arg13 : memref<!tpu.dma_semaphore, #tpu.memory_space<semaphore_mem>>)
      %dma_start3A_367 = arith.constant 7 : i32
      %dma_start3A_368 = arith.constant 896 : i32
      %dma_start3A_369 = arith.constant 0 : i32
      %dma_start3A_370 = tpu.memref_slice %arg8[%dma_start3A_368, %dma_start3A_369] : memref<3200x16xf32, #tpu.memory_space<vmem>> -> memref<128x16xf32, #tpu.memory_space<vmem>>
      %dma_start3A_371 = arith.constant 0 : i32
      %dma_start3A_372 = tpu.memref_slice %arg6[%dma_start3A_367, %dma_start3A_371] : memref<25x128xi32, #tpu.memory_space<vmem>> -> memref<1x128xi32, #tpu.memory_space<vmem>>
      %dma_start3A_373 = tpu.memref_squeeze %dma_start3A_372 : memref<1x128xi32, #tpu.memory_space<vmem>> -> memref<128xi32, #tpu.memory_space<vmem>>
      %dma_start3A_374 = arith.constant 0 : i32
      %dma_start3A_375 = arith.constant 0 : i32
      %dma_start3A_376 = tpu.memref_slice %arg3[%dma_start3A_374, %dma_start3A_375] : memref<1048576x16xf32, #tpu.memory_space<hbm>> -> memref<1048576x16xf32, #tpu.memory_space<hbm>>
      tpu.enqueue_indirect_dma source(%dma_start3A_376 : memref<1048576x16xf32, #tpu.memory_space<hbm>>) target(%dma_start3A_370 : memref<128x16xf32, #tpu.memory_space<vmem>>) offsets(%dma_start3A_373 : memref<128xi32, #tpu.memory_space<vmem>>) semaphore(%arg13 : memref<!tpu.dma_semaphore, #tpu.memory_space<semaphore_mem>>)
      %dma_start3A_377 = arith.constant 8 : i32
      %dma_start3A_378 = arith.constant 1024 : i32
      %dma_start3A_379 = arith.constant 0 : i32
      %dma_start3A_380 = tpu.memref_slice %arg8[%dma_start3A_378, %dma_start3A_379] : memref<3200x16xf32, #tpu.memory_space<vmem>> -> memref<128x16xf32, #tpu.memory_space<vmem>>
      %dma_start3A_381 = arith.constant 0 : i32
      %dma_start3A_382 = tpu.memref_slice %arg6[%dma_start3A_377, %dma_start3A_381] : memref<25x128xi32, #tpu.memory_space<vmem>> -> memref<1x128xi32, #tpu.memory_space<vmem>>
      %dma_start3A_383 = tpu.memref_squeeze %dma_start3A_382 : memref<1x128xi32, #tpu.memory_space<vmem>> -> memref<128xi32, #tpu.memory_space<vmem>>
      %dma_start3A_384 = arith.constant 0 : i32
      %dma_start3A_385 = arith.constant 0 : i32
      %dma_start3A_386 = tpu.memref_slice %arg3[%dma_start3A_384, %dma_start3A_385] : memref<1048576x16xf32, #tpu.memory_space<hbm>> -> memref<1048576x16xf32, #tpu.memory_space<hbm>>
      tpu.enqueue_indirect_dma source(%dma_start3A_386 : memref<1048576x16xf32, #tpu.memory_space<hbm>>) target(%dma_start3A_380 : memref<128x16xf32, #tpu.memory_space<vmem>>) offsets(%dma_start3A_383 : memref<128xi32, #tpu.memory_space<vmem>>) semaphore(%arg13 : memref<!tpu.dma_semaphore, #tpu.memory_space<semaphore_mem>>)
      %dma_start3A_387 = arith.constant 9 : i32
      %dma_start3A_388 = arith.constant 1152 : i32
      %dma_start3A_389 = arith.constant 0 : i32
      %dma_start3A_390 = tpu.memref_slice %arg8[%dma_start3A_388, %dma_start3A_389] : memref<3200x16xf32, #tpu.memory_space<vmem>> -> memref<128x16xf32, #tpu.memory_space<vmem>>
      %dma_start3A_391 = arith.constant 0 : i32
      %dma_start3A_392 = tpu.memref_slice %arg6[%dma_start3A_387, %dma_start3A_391] : memref<25x128xi32, #tpu.memory_space<vmem>> -> memref<1x128xi32, #tpu.memory_space<vmem>>
      %dma_start3A_393 = tpu.memref_squeeze %dma_start3A_392 : memref<1x128xi32, #tpu.memory_space<vmem>> -> memref<128xi32, #tpu.memory_space<vmem>>
      %dma_start3A_394 = arith.constant 0 : i32
      %dma_start3A_395 = arith.constant 0 : i32
      %dma_start3A_396 = tpu.memref_slice %arg3[%dma_start3A_394, %dma_start3A_395] : memref<1048576x16xf32, #tpu.memory_space<hbm>> -> memref<1048576x16xf32, #tpu.memory_space<hbm>>
      tpu.enqueue_indirect_dma source(%dma_start3A_396 : memref<1048576x16xf32, #tpu.memory_space<hbm>>) target(%dma_start3A_390 : memref<128x16xf32, #tpu.memory_space<vmem>>) offsets(%dma_start3A_393 : memref<128xi32, #tpu.memory_space<vmem>>) semaphore(%arg13 : memref<!tpu.dma_semaphore, #tpu.memory_space<semaphore_mem>>)
      %dma_start3A_397 = arith.constant 10 : i32
      %dma_start3A_398 = arith.constant 1280 : i32
      %dma_start3A_399 = arith.constant 0 : i32
      %dma_start3A_400 = tpu.memref_slice %arg8[%dma_start3A_398, %dma_start3A_399] : memref<3200x16xf32, #tpu.memory_space<vmem>> -> memref<128x16xf32, #tpu.memory_space<vmem>>
      %dma_start3A_401 = arith.constant 0 : i32
      %dma_start3A_402 = tpu.memref_slice %arg6[%dma_start3A_397, %dma_start3A_401] : memref<25x128xi32, #tpu.memory_space<vmem>> -> memref<1x128xi32, #tpu.memory_space<vmem>>
      %dma_start3A_403 = tpu.memref_squeeze %dma_start3A_402 : memref<1x128xi32, #tpu.memory_space<vmem>> -> memref<128xi32, #tpu.memory_space<vmem>>
      %dma_start3A_404 = arith.constant 0 : i32
      %dma_start3A_405 = arith.constant 0 : i32
      %dma_start3A_406 = tpu.memref_slice %arg3[%dma_start3A_404, %dma_start3A_405] : memref<1048576x16xf32, #tpu.memory_space<hbm>> -> memref<1048576x16xf32, #tpu.memory_space<hbm>>
      tpu.enqueue_indirect_dma source(%dma_start3A_406 : memref<1048576x16xf32, #tpu.memory_space<hbm>>) target(%dma_start3A_400 : memref<128x16xf32, #tpu.memory_space<vmem>>) offsets(%dma_start3A_403 : memref<128xi32, #tpu.memory_space<vmem>>) semaphore(%arg13 : memref<!tpu.dma_semaphore, #tpu.memory_space<semaphore_mem>>)
      %dma_start3A_407 = arith.constant 11 : i32
      %dma_start3A_408 = arith.constant 1408 : i32
      %dma_start3A_409 = arith.constant 0 : i32
      %dma_start3A_410 = tpu.memref_slice %arg8[%dma_start3A_408, %dma_start3A_409] : memref<3200x16xf32, #tpu.memory_space<vmem>> -> memref<128x16xf32, #tpu.memory_space<vmem>>
      %dma_start3A_411 = arith.constant 0 : i32
      %dma_start3A_412 = tpu.memref_slice %arg6[%dma_start3A_407, %dma_start3A_411] : memref<25x128xi32, #tpu.memory_space<vmem>> -> memref<1x128xi32, #tpu.memory_space<vmem>>
      %dma_start3A_413 = tpu.memref_squeeze %dma_start3A_412 : memref<1x128xi32, #tpu.memory_space<vmem>> -> memref<128xi32, #tpu.memory_space<vmem>>
      %dma_start3A_414 = arith.constant 0 : i32
      %dma_start3A_415 = arith.constant 0 : i32
      %dma_start3A_416 = tpu.memref_slice %arg3[%dma_start3A_414, %dma_start3A_415] : memref<1048576x16xf32, #tpu.memory_space<hbm>> -> memref<1048576x16xf32, #tpu.memory_space<hbm>>
      tpu.enqueue_indirect_dma source(%dma_start3A_416 : memref<1048576x16xf32, #tpu.memory_space<hbm>>) target(%dma_start3A_410 : memref<128x16xf32, #tpu.memory_space<vmem>>) offsets(%dma_start3A_413 : memref<128xi32, #tpu.memory_space<vmem>>) semaphore(%arg13 : memref<!tpu.dma_semaphore, #tpu.memory_space<semaphore_mem>>)
      %dma_start3A_417 = arith.constant 12 : i32
      %dma_start3A_418 = arith.constant 1536 : i32
      %dma_start3A_419 = arith.constant 0 : i32
      %dma_start3A_420 = tpu.memref_slice %arg8[%dma_start3A_418, %dma_start3A_419] : memref<3200x16xf32, #tpu.memory_space<vmem>> -> memref<128x16xf32, #tpu.memory_space<vmem>>
      %dma_start3A_421 = arith.constant 0 : i32
      %dma_start3A_422 = tpu.memref_slice %arg6[%dma_start3A_417, %dma_start3A_421] : memref<25x128xi32, #tpu.memory_space<vmem>> -> memref<1x128xi32, #tpu.memory_space<vmem>>
      %dma_start3A_423 = tpu.memref_squeeze %dma_start3A_422 : memref<1x128xi32, #tpu.memory_space<vmem>> -> memref<128xi32, #tpu.memory_space<vmem>>
      %dma_start3A_424 = arith.constant 0 : i32
      %dma_start3A_425 = arith.constant 0 : i32
      %dma_start3A_426 = tpu.memref_slice %arg3[%dma_start3A_424, %dma_start3A_425] : memref<1048576x16xf32, #tpu.memory_space<hbm>> -> memref<1048576x16xf32, #tpu.memory_space<hbm>>
      tpu.enqueue_indirect_dma source(%dma_start3A_426 : memref<1048576x16xf32, #tpu.memory_space<hbm>>) target(%dma_start3A_420 : memref<128x16xf32, #tpu.memory_space<vmem>>) offsets(%dma_start3A_423 : memref<128xi32, #tpu.memory_space<vmem>>) semaphore(%arg13 : memref<!tpu.dma_semaphore, #tpu.memory_space<semaphore_mem>>)
      %dma_start3A_427 = arith.constant 13 : i32
      %dma_start3A_428 = arith.constant 1664 : i32
      %dma_start3A_429 = arith.constant 0 : i32
      %dma_start3A_430 = tpu.memref_slice %arg8[%dma_start3A_428, %dma_start3A_429] : memref<3200x16xf32, #tpu.memory_space<vmem>> -> memref<128x16xf32, #tpu.memory_space<vmem>>
      %dma_start3A_431 = arith.constant 0 : i32
      %dma_start3A_432 = tpu.memref_slice %arg6[%dma_start3A_427, %dma_start3A_431] : memref<25x128xi32, #tpu.memory_space<vmem>> -> memref<1x128xi32, #tpu.memory_space<vmem>>
      %dma_start3A_433 = tpu.memref_squeeze %dma_start3A_432 : memref<1x128xi32, #tpu.memory_space<vmem>> -> memref<128xi32, #tpu.memory_space<vmem>>
      %dma_start3A_434 = arith.constant 0 : i32
      %dma_start3A_435 = arith.constant 0 : i32
      %dma_start3A_436 = tpu.memref_slice %arg3[%dma_start3A_434, %dma_start3A_435] : memref<1048576x16xf32, #tpu.memory_space<hbm>> -> memref<1048576x16xf32, #tpu.memory_space<hbm>>
      tpu.enqueue_indirect_dma source(%dma_start3A_436 : memref<1048576x16xf32, #tpu.memory_space<hbm>>) target(%dma_start3A_430 : memref<128x16xf32, #tpu.memory_space<vmem>>) offsets(%dma_start3A_433 : memref<128xi32, #tpu.memory_space<vmem>>) semaphore(%arg13 : memref<!tpu.dma_semaphore, #tpu.memory_space<semaphore_mem>>)
      %dma_start3A_437 = arith.constant 14 : i32
      %dma_start3A_438 = arith.constant 1792 : i32
      %dma_start3A_439 = arith.constant 0 : i32
      %dma_start3A_440 = tpu.memref_slice %arg8[%dma_start3A_438, %dma_start3A_439] : memref<3200x16xf32, #tpu.memory_space<vmem>> -> memref<128x16xf32, #tpu.memory_space<vmem>>
      %dma_start3A_441 = arith.constant 0 : i32
      %dma_start3A_442 = tpu.memref_slice %arg6[%dma_start3A_437, %dma_start3A_441] : memref<25x128xi32, #tpu.memory_space<vmem>> -> memref<1x128xi32, #tpu.memory_space<vmem>>
      %dma_start3A_443 = tpu.memref_squeeze %dma_start3A_442 : memref<1x128xi32, #tpu.memory_space<vmem>> -> memref<128xi32, #tpu.memory_space<vmem>>
      %dma_start3A_444 = arith.constant 0 : i32
      %dma_start3A_445 = arith.constant 0 : i32
      %dma_start3A_446 = tpu.memref_slice %arg3[%dma_start3A_444, %dma_start3A_445] : memref<1048576x16xf32, #tpu.memory_space<hbm>> -> memref<1048576x16xf32, #tpu.memory_space<hbm>>
      tpu.enqueue_indirect_dma source(%dma_start3A_446 : memref<1048576x16xf32, #tpu.memory_space<hbm>>) target(%dma_start3A_440 : memref<128x16xf32, #tpu.memory_space<vmem>>) offsets(%dma_start3A_443 : memref<128xi32, #tpu.memory_space<vmem>>) semaphore(%arg13 : memref<!tpu.dma_semaphore, #tpu.memory_space<semaphore_mem>>)
      %dma_start3A_447 = arith.constant 15 : i32
      %dma_start3A_448 = arith.constant 1920 : i32
      %dma_start3A_449 = arith.constant 0 : i32
      %dma_start3A_450 = tpu.memref_slice %arg8[%dma_start3A_448, %dma_start3A_449] : memref<3200x16xf32, #tpu.memory_space<vmem>> -> memref<128x16xf32, #tpu.memory_space<vmem>>
      %dma_start3A_451 = arith.constant 0 : i32
      %dma_start3A_452 = tpu.memref_slice %arg6[%dma_start3A_447, %dma_start3A_451] : memref<25x128xi32, #tpu.memory_space<vmem>> -> memref<1x128xi32, #tpu.memory_space<vmem>>
      %dma_start3A_453 = tpu.memref_squeeze %dma_start3A_452 : memref<1x128xi32, #tpu.memory_space<vmem>> -> memref<128xi32, #tpu.memory_space<vmem>>
      %dma_start3A_454 = arith.constant 0 : i32
      %dma_start3A_455 = arith.constant 0 : i32
      %dma_start3A_456 = tpu.memref_slice %arg3[%dma_start3A_454, %dma_start3A_455] : memref<1048576x16xf32, #tpu.memory_space<hbm>> -> memref<1048576x16xf32, #tpu.memory_space<hbm>>
      tpu.enqueue_indirect_dma source(%dma_start3A_456 : memref<1048576x16xf32, #tpu.memory_space<hbm>>) target(%dma_start3A_450 : memref<128x16xf32, #tpu.memory_space<vmem>>) offsets(%dma_start3A_453 : memref<128xi32, #tpu.memory_space<vmem>>) semaphore(%arg13 : memref<!tpu.dma_semaphore, #tpu.memory_space<semaphore_mem>>)
      %dma_start3A_457 = arith.constant 16 : i32
      %dma_start3A_458 = arith.constant 2048 : i32
      %dma_start3A_459 = arith.constant 0 : i32
      %dma_start3A_460 = tpu.memref_slice %arg8[%dma_start3A_458, %dma_start3A_459] : memref<3200x16xf32, #tpu.memory_space<vmem>> -> memref<128x16xf32, #tpu.memory_space<vmem>>
      %dma_start3A_461 = arith.constant 0 : i32
      %dma_start3A_462 = tpu.memref_slice %arg6[%dma_start3A_457, %dma_start3A_461] : memref<25x128xi32, #tpu.memory_space<vmem>> -> memref<1x128xi32, #tpu.memory_space<vmem>>
      %dma_start3A_463 = tpu.memref_squeeze %dma_start3A_462 : memref<1x128xi32, #tpu.memory_space<vmem>> -> memref<128xi32, #tpu.memory_space<vmem>>
      %dma_start3A_464 = arith.constant 0 : i32
      %dma_start3A_465 = arith.constant 0 : i32
      %dma_start3A_466 = tpu.memref_slice %arg3[%dma_start3A_464, %dma_start3A_465] : memref<1048576x16xf32, #tpu.memory_space<hbm>> -> memref<1048576x16xf32, #tpu.memory_space<hbm>>
      tpu.enqueue_indirect_dma source(%dma_start3A_466 : memref<1048576x16xf32, #tpu.memory_space<hbm>>) target(%dma_start3A_460 : memref<128x16xf32, #tpu.memory_space<vmem>>) offsets(%dma_start3A_463 : memref<128xi32, #tpu.memory_space<vmem>>) semaphore(%arg13 : memref<!tpu.dma_semaphore, #tpu.memory_space<semaphore_mem>>)
      %dma_start3A_467 = arith.constant 17 : i32
      %dma_start3A_468 = arith.constant 2176 : i32
      %dma_start3A_469 = arith.constant 0 : i32
      %dma_start3A_470 = tpu.memref_slice %arg8[%dma_start3A_468, %dma_start3A_469] : memref<3200x16xf32, #tpu.memory_space<vmem>> -> memref<128x16xf32, #tpu.memory_space<vmem>>
      %dma_start3A_471 = arith.constant 0 : i32
      %dma_start3A_472 = tpu.memref_slice %arg6[%dma_start3A_467, %dma_start3A_471] : memref<25x128xi32, #tpu.memory_space<vmem>> -> memref<1x128xi32, #tpu.memory_space<vmem>>
      %dma_start3A_473 = tpu.memref_squeeze %dma_start3A_472 : memref<1x128xi32, #tpu.memory_space<vmem>> -> memref<128xi32, #tpu.memory_space<vmem>>
      %dma_start3A_474 = arith.constant 0 : i32
      %dma_start3A_475 = arith.constant 0 : i32
      %dma_start3A_476 = tpu.memref_slice %arg3[%dma_start3A_474, %dma_start3A_475] : memref<1048576x16xf32, #tpu.memory_space<hbm>> -> memref<1048576x16xf32, #tpu.memory_space<hbm>>
      tpu.enqueue_indirect_dma source(%dma_start3A_476 : memref<1048576x16xf32, #tpu.memory_space<hbm>>) target(%dma_start3A_470 : memref<128x16xf32, #tpu.memory_space<vmem>>) offsets(%dma_start3A_473 : memref<128xi32, #tpu.memory_space<vmem>>) semaphore(%arg13 : memref<!tpu.dma_semaphore, #tpu.memory_space<semaphore_mem>>)
      %dma_start3A_477 = arith.constant 18 : i32
      %dma_start3A_478 = arith.constant 2304 : i32
      %dma_start3A_479 = arith.constant 0 : i32
      %dma_start3A_480 = tpu.memref_slice %arg8[%dma_start3A_478, %dma_start3A_479] : memref<3200x16xf32, #tpu.memory_space<vmem>> -> memref<128x16xf32, #tpu.memory_space<vmem>>
      %dma_start3A_481 = arith.constant 0 : i32
      %dma_start3A_482 = tpu.memref_slice %arg6[%dma_start3A_477, %dma_start3A_481] : memref<25x128xi32, #tpu.memory_space<vmem>> -> memref<1x128xi32, #tpu.memory_space<vmem>>
      %dma_start3A_483 = tpu.memref_squeeze %dma_start3A_482 : memref<1x128xi32, #tpu.memory_space<vmem>> -> memref<128xi32, #tpu.memory_space<vmem>>
      %dma_start3A_484 = arith.constant 0 : i32
      %dma_start3A_485 = arith.constant 0 : i32
      %dma_start3A_486 = tpu.memref_slice %arg3[%dma_start3A_484, %dma_start3A_485] : memref<1048576x16xf32, #tpu.memory_space<hbm>> -> memref<1048576x16xf32, #tpu.memory_space<hbm>>
      tpu.enqueue_indirect_dma source(%dma_start3A_486 : memref<1048576x16xf32, #tpu.memory_space<hbm>>) target(%dma_start3A_480 : memref<128x16xf32, #tpu.memory_space<vmem>>) offsets(%dma_start3A_483 : memref<128xi32, #tpu.memory_space<vmem>>) semaphore(%arg13 : memref<!tpu.dma_semaphore, #tpu.memory_space<semaphore_mem>>)
      %dma_start3A_487 = arith.constant 19 : i32
      %dma_start3A_488 = arith.constant 2432 : i32
      %dma_start3A_489 = arith.constant 0 : i32
      %dma_start3A_490 = tpu.memref_slice %arg8[%dma_start3A_488, %dma_start3A_489] : memref<3200x16xf32, #tpu.memory_space<vmem>> -> memref<128x16xf32, #tpu.memory_space<vmem>>
      %dma_start3A_491 = arith.constant 0 : i32
      %dma_start3A_492 = tpu.memref_slice %arg6[%dma_start3A_487, %dma_start3A_491] : memref<25x128xi32, #tpu.memory_space<vmem>> -> memref<1x128xi32, #tpu.memory_space<vmem>>
      %dma_start3A_493 = tpu.memref_squeeze %dma_start3A_492 : memref<1x128xi32, #tpu.memory_space<vmem>> -> memref<128xi32, #tpu.memory_space<vmem>>
      %dma_start3A_494 = arith.constant 0 : i32
      %dma_start3A_495 = arith.constant 0 : i32
      %dma_start3A_496 = tpu.memref_slice %arg3[%dma_start3A_494, %dma_start3A_495] : memref<1048576x16xf32, #tpu.memory_space<hbm>> -> memref<1048576x16xf32, #tpu.memory_space<hbm>>
      tpu.enqueue_indirect_dma source(%dma_start3A_496 : memref<1048576x16xf32, #tpu.memory_space<hbm>>) target(%dma_start3A_490 : memref<128x16xf32, #tpu.memory_space<vmem>>) offsets(%dma_start3A_493 : memref<128xi32, #tpu.memory_space<vmem>>) semaphore(%arg13 : memref<!tpu.dma_semaphore, #tpu.memory_space<semaphore_mem>>)
      %dma_start3A_497 = arith.constant 20 : i32
      %dma_start3A_498 = arith.constant 2560 : i32
      %dma_start3A_499 = arith.constant 0 : i32
      %dma_start3A_500 = tpu.memref_slice %arg8[%dma_start3A_498, %dma_start3A_499] : memref<3200x16xf32, #tpu.memory_space<vmem>> -> memref<128x16xf32, #tpu.memory_space<vmem>>
      %dma_start3A_501 = arith.constant 0 : i32
      %dma_start3A_502 = tpu.memref_slice %arg6[%dma_start3A_497, %dma_start3A_501] : memref<25x128xi32, #tpu.memory_space<vmem>> -> memref<1x128xi32, #tpu.memory_space<vmem>>
      %dma_start3A_503 = tpu.memref_squeeze %dma_start3A_502 : memref<1x128xi32, #tpu.memory_space<vmem>> -> memref<128xi32, #tpu.memory_space<vmem>>
      %dma_start3A_504 = arith.constant 0 : i32
      %dma_start3A_505 = arith.constant 0 : i32
      %dma_start3A_506 = tpu.memref_slice %arg3[%dma_start3A_504, %dma_start3A_505] : memref<1048576x16xf32, #tpu.memory_space<hbm>> -> memref<1048576x16xf32, #tpu.memory_space<hbm>>
      tpu.enqueue_indirect_dma source(%dma_start3A_506 : memref<1048576x16xf32, #tpu.memory_space<hbm>>) target(%dma_start3A_500 : memref<128x16xf32, #tpu.memory_space<vmem>>) offsets(%dma_start3A_503 : memref<128xi32, #tpu.memory_space<vmem>>) semaphore(%arg13 : memref<!tpu.dma_semaphore, #tpu.memory_space<semaphore_mem>>)
      %dma_start3A_507 = arith.constant 21 : i32
      %dma_start3A_508 = arith.constant 2688 : i32
      %dma_start3A_509 = arith.constant 0 : i32
      %dma_start3A_510 = tpu.memref_slice %arg8[%dma_start3A_508, %dma_start3A_509] : memref<3200x16xf32, #tpu.memory_space<vmem>> -> memref<128x16xf32, #tpu.memory_space<vmem>>
      %dma_start3A_511 = arith.constant 0 : i32
      %dma_start3A_512 = tpu.memref_slice %arg6[%dma_start3A_507, %dma_start3A_511] : memref<25x128xi32, #tpu.memory_space<vmem>> -> memref<1x128xi32, #tpu.memory_space<vmem>>
      %dma_start3A_513 = tpu.memref_squeeze %dma_start3A_512 : memref<1x128xi32, #tpu.memory_space<vmem>> -> memref<128xi32, #tpu.memory_space<vmem>>
      %dma_start3A_514 = arith.constant 0 : i32
      %dma_start3A_515 = arith.constant 0 : i32
      %dma_start3A_516 = tpu.memref_slice %arg3[%dma_start3A_514, %dma_start3A_515] : memref<1048576x16xf32, #tpu.memory_space<hbm>> -> memref<1048576x16xf32, #tpu.memory_space<hbm>>
      tpu.enqueue_indirect_dma source(%dma_start3A_516 : memref<1048576x16xf32, #tpu.memory_space<hbm>>) target(%dma_start3A_510 : memref<128x16xf32, #tpu.memory_space<vmem>>) offsets(%dma_start3A_513 : memref<128xi32, #tpu.memory_space<vmem>>) semaphore(%arg13 : memref<!tpu.dma_semaphore, #tpu.memory_space<semaphore_mem>>)
      %dma_start3A_517 = arith.constant 22 : i32
      %dma_start3A_518 = arith.constant 2816 : i32
      %dma_start3A_519 = arith.constant 0 : i32
      %dma_start3A_520 = tpu.memref_slice %arg8[%dma_start3A_518, %dma_start3A_519] : memref<3200x16xf32, #tpu.memory_space<vmem>> -> memref<128x16xf32, #tpu.memory_space<vmem>>
      %dma_start3A_521 = arith.constant 0 : i32
      %dma_start3A_522 = tpu.memref_slice %arg6[%dma_start3A_517, %dma_start3A_521] : memref<25x128xi32, #tpu.memory_space<vmem>> -> memref<1x128xi32, #tpu.memory_space<vmem>>
      %dma_start3A_523 = tpu.memref_squeeze %dma_start3A_522 : memref<1x128xi32, #tpu.memory_space<vmem>> -> memref<128xi32, #tpu.memory_space<vmem>>
      %dma_start3A_524 = arith.constant 0 : i32
      %dma_start3A_525 = arith.constant 0 : i32
      %dma_start3A_526 = tpu.memref_slice %arg3[%dma_start3A_524, %dma_start3A_525] : memref<1048576x16xf32, #tpu.memory_space<hbm>> -> memref<1048576x16xf32, #tpu.memory_space<hbm>>
      tpu.enqueue_indirect_dma source(%dma_start3A_526 : memref<1048576x16xf32, #tpu.memory_space<hbm>>) target(%dma_start3A_520 : memref<128x16xf32, #tpu.memory_space<vmem>>) offsets(%dma_start3A_523 : memref<128xi32, #tpu.memory_space<vmem>>) semaphore(%arg13 : memref<!tpu.dma_semaphore, #tpu.memory_space<semaphore_mem>>)
      %dma_start3A_527 = arith.constant 23 : i32
      %dma_start3A_528 = arith.constant 2944 : i32
      %dma_start3A_529 = arith.constant 0 : i32
      %dma_start3A_530 = tpu.memref_slice %arg8[%dma_start3A_528, %dma_start3A_529] : memref<3200x16xf32, #tpu.memory_space<vmem>> -> memref<128x16xf32, #tpu.memory_space<vmem>>
      %dma_start3A_531 = arith.constant 0 : i32
      %dma_start3A_532 = tpu.memref_slice %arg6[%dma_start3A_527, %dma_start3A_531] : memref<25x128xi32, #tpu.memory_space<vmem>> -> memref<1x128xi32, #tpu.memory_space<vmem>>
      %dma_start3A_533 = tpu.memref_squeeze %dma_start3A_532 : memref<1x128xi32, #tpu.memory_space<vmem>> -> memref<128xi32, #tpu.memory_space<vmem>>
      %dma_start3A_534 = arith.constant 0 : i32
      %dma_start3A_535 = arith.constant 0 : i32
      %dma_start3A_536 = tpu.memref_slice %arg3[%dma_start3A_534, %dma_start3A_535] : memref<1048576x16xf32, #tpu.memory_space<hbm>> -> memref<1048576x16xf32, #tpu.memory_space<hbm>>
      tpu.enqueue_indirect_dma source(%dma_start3A_536 : memref<1048576x16xf32, #tpu.memory_space<hbm>>) target(%dma_start3A_530 : memref<128x16xf32, #tpu.memory_space<vmem>>) offsets(%dma_start3A_533 : memref<128xi32, #tpu.memory_space<vmem>>) semaphore(%arg13 : memref<!tpu.dma_semaphore, #tpu.memory_space<semaphore_mem>>)
      %dma_start3A_537 = arith.constant 24 : i32
      %dma_start3A_538 = arith.constant 3072 : i32
      %dma_start3A_539 = arith.constant 0 : i32
      %dma_start3A_540 = tpu.memref_slice %arg8[%dma_start3A_538, %dma_start3A_539] : memref<3200x16xf32, #tpu.memory_space<vmem>> -> memref<128x16xf32, #tpu.memory_space<vmem>>
      %dma_start3A_541 = arith.constant 0 : i32
      %dma_start3A_542 = tpu.memref_slice %arg6[%dma_start3A_537, %dma_start3A_541] : memref<25x128xi32, #tpu.memory_space<vmem>> -> memref<1x128xi32, #tpu.memory_space<vmem>>
      %dma_start3A_543 = tpu.memref_squeeze %dma_start3A_542 : memref<1x128xi32, #tpu.memory_space<vmem>> -> memref<128xi32, #tpu.memory_space<vmem>>
      %dma_start3A_544 = arith.constant 0 : i32
      %dma_start3A_545 = arith.constant 0 : i32
      %dma_start3A_546 = tpu.memref_slice %arg3[%dma_start3A_544, %dma_start3A_545] : memref<1048576x16xf32, #tpu.memory_space<hbm>> -> memref<1048576x16xf32, #tpu.memory_space<hbm>>
      tpu.enqueue_indirect_dma source(%dma_start3A_546 : memref<1048576x16xf32, #tpu.memory_space<hbm>>) target(%dma_start3A_540 : memref<128x16xf32, #tpu.memory_space<vmem>>) offsets(%dma_start3A_543 : memref<128xi32, #tpu.memory_space<vmem>>) semaphore(%arg13 : memref<!tpu.dma_semaphore, #tpu.memory_space<semaphore_mem>>)
      %dma_wait3A_547 = arith.constant 0 : i32
      %dma_wait3A_548 = arith.constant 0 : i32
      %dma_wait3A_549 = tpu.memref_slice %arg3[%dma_wait3A_547, %dma_wait3A_548] : memref<1048576x16xf32, #tpu.memory_space<hbm>> -> memref<3200x16xf32, #tpu.memory_space<hbm>>
      %dma_wait3A_550 = arith.constant 0 : i32
      %dma_wait3A_551 = arith.constant 0 : i32
      %dma_wait3A_552 = tpu.memref_slice %arg3[%dma_wait3A_550, %dma_wait3A_551] : memref<1048576x16xf32, #tpu.memory_space<hbm>> -> memref<3200x16xf32, #tpu.memory_space<hbm>>
      tpu.wait_dma2 semaphore(%arg12 : memref<!tpu.dma_semaphore, #tpu.memory_space<semaphore_mem>>) src(%dma_wait3A_552 : memref<3200x16xf32, #tpu.memory_space<hbm>>) dst(%arg7 : memref<3200x16xf32, #tpu.memory_space<vmem>>)
      %add3A_553 = arith.constant 1 : i32
      %add3A_554 = arith.addi %scan3A_281, %add3A_553 : i32
      %lt3A = arith.constant 16 : i32
      %lt3A_555 = arith.cmpi slt, %add3A_554, %lt3A : i32
      %convert_element_type3A = arith.extui %lt3A_555 : i1 to i32
      %cond3A = arith.constant 0 : i32
      %cond3A_556 = arith.cmpi ne, %convert_element_type3A, %cond3A : i32
      scf.if %cond3A_556 {
        %mul3A_582 = arith.constant 2 : i32
        %mul3A_583 = arith.muli %mul3A_582, %scan3A_281 : i32
        %add3A_584 = arith.constant 2 : i32
        %add3A_585 = arith.addi %mul3A_583, %add3A_584 : i32
        %mul3A_586 = arith.constant 25 : i32
        %mul3A_587 = arith.muli %add3A_585, %mul3A_586 : i32
        %add3A_588 = arith.addi %mul3A_2, %mul3A_587 : i32
        %dma_start3A_589 = arith.constant 0 : i32
        %dma_start3A_590 = tpu.memref_slice %arg2[%add3A_588, %dma_start3A_589] : memref<25600x128xi32, #tpu.memory_space<hbm>> -> memref<25x128xi32, #tpu.memory_space<hbm>>
        %dma_start3A_591 = arith.constant 0 : i32
        %dma_start3A_592 = tpu.memref_slice %arg2[%add3A_588, %dma_start3A_591] : memref<25600x128xi32, #tpu.memory_space<hbm>> -> memref<25x128xi32, #tpu.memory_space<hbm>>
        tpu.enqueue_dma source(%dma_start3A_592 : memref<25x128xi32, #tpu.memory_space<hbm>>) target(%arg5 : memref<25x128xi32, #tpu.memory_space<vmem>>) target_semaphore(%arg10 : memref<!tpu.dma_semaphore, #tpu.memory_space<semaphore_mem>>)
      } else {
      }
      %scan3A_557 = arith.constant 0 : i32
      %scan3A_558 = arith.constant 64 : i32
      %scan3A_559 = arith.addi %scan3A_557, %scan3A_558 : i32
      %scan3A_560 = arith.constant 1 : i32
      %scan3A_561:4 = scf.for %scan3A_582 = %scan3A_557 to %scan3A_559 step %scan3A_560 iter_args(%scan3A_583 = %scan3A_282, %scan3A_584 = %scan3A_283, %scan3A_585 = %scan3A_284, %scan3A_586 = %scan3A_285) -> (vector<16xf32>, vector<16xf32>, vector<16xf32>, vector<16xf32>)  : i32 {
        %add3A_587 = arith.constant 0 : i32
        %add3A_588 = arith.addi %add3A_587, %scan3A_582 : i32
        %get3A = arith.index_cast %add3A_588 : i32 to index
        %get3A_589 = arith.constant 0 : index
        %get3A_590 = tpu.vector_load %arg7[%get3A, %get3A_589] {strides = array<i32>} : memref<3200x16xf32, #tpu.memory_space<vmem>>, vector<1x16xf32>,
        %get3A_591 = vector.shape_cast %get3A_590 : vector<1x16xf32> to vector<16xf32>
        %add3A_592 = arith.addf %scan3A_583, %get3A_591 : vector<16xf32>
        %add3A_593 = arith.constant 64 : i32
        %add3A_594 = arith.addi %add3A_593, %scan3A_582 : i32
        %get3A_595 = arith.index_cast %add3A_594 : i32 to index
        %get3A_596 = arith.constant 0 : index
        %get3A_597 = tpu.vector_load %arg7[%get3A_595, %get3A_596] {strides = array<i32>} : memref<3200x16xf32, #tpu.memory_space<vmem>>, vector<1x16xf32>,
        %get3A_598 = vector.shape_cast %get3A_597 : vector<1x16xf32> to vector<16xf32>
        %add3A_599 = arith.addf %add3A_592, %get3A_598 : vector<16xf32>
        %add3A_600 = arith.constant 128 : i32
        %add3A_601 = arith.addi %add3A_600, %scan3A_582 : i32
        %get3A_602 = arith.index_cast %add3A_601 : i32 to index
        %get3A_603 = arith.constant 0 : index
        %get3A_604 = tpu.vector_load %arg7[%get3A_602, %get3A_603] {strides = array<i32>} : memref<3200x16xf32, #tpu.memory_space<vmem>>, vector<1x16xf32>,
        %get3A_605 = vector.shape_cast %get3A_604 : vector<1x16xf32> to vector<16xf32>
        %add3A_606 = arith.addf %scan3A_584, %get3A_605 : vector<16xf32>
        %add3A_607 = arith.constant 192 : i32
        %add3A_608 = arith.addi %add3A_607, %scan3A_582 : i32
        %get3A_609 = arith.index_cast %add3A_608 : i32 to index
        %get3A_610 = arith.constant 0 : index
        %get3A_611 = tpu.vector_load %arg7[%get3A_609, %get3A_610] {strides = array<i32>} : memref<3200x16xf32, #tpu.memory_space<vmem>>, vector<1x16xf32>,
        %get3A_612 = vector.shape_cast %get3A_611 : vector<1x16xf32> to vector<16xf32>
        %add3A_613 = arith.addf %add3A_606, %get3A_612 : vector<16xf32>
        %add3A_614 = arith.constant 256 : i32
        %add3A_615 = arith.addi %add3A_614, %scan3A_582 : i32
        %get3A_616 = arith.index_cast %add3A_615 : i32 to index
        %get3A_617 = arith.constant 0 : index
        %get3A_618 = tpu.vector_load %arg7[%get3A_616, %get3A_617] {strides = array<i32>} : memref<3200x16xf32, #tpu.memory_space<vmem>>, vector<1x16xf32>,
        %get3A_619 = vector.shape_cast %get3A_618 : vector<1x16xf32> to vector<16xf32>
        %add3A_620 = arith.addf %scan3A_585, %get3A_619 : vector<16xf32>
        %add3A_621 = arith.constant 320 : i32
        %add3A_622 = arith.addi %add3A_621, %scan3A_582 : i32
        %get3A_623 = arith.index_cast %add3A_622 : i32 to index
        %get3A_624 = arith.constant 0 : index
        %get3A_625 = tpu.vector_load %arg7[%get3A_623, %get3A_624] {strides = array<i32>} : memref<3200x16xf32, #tpu.memory_space<vmem>>, vector<1x16xf32>,
        %get3A_626 = vector.shape_cast %get3A_625 : vector<1x16xf32> to vector<16xf32>
        %add3A_627 = arith.addf %add3A_620, %get3A_626 : vector<16xf32>
        %add3A_628 = arith.constant 384 : i32
        %add3A_629 = arith.addi %add3A_628, %scan3A_582 : i32
        %get3A_630 = arith.index_cast %add3A_629 : i32 to index
        %get3A_631 = arith.constant 0 : index
        %get3A_632 = tpu.vector_load %arg7[%get3A_630, %get3A_631] {strides = array<i32>} : memref<3200x16xf32, #tpu.memory_space<vmem>>, vector<1x16xf32>,
        %get3A_633 = vector.shape_cast %get3A_632 : vector<1x16xf32> to vector<16xf32>
        %add3A_634 = arith.addf %scan3A_586, %get3A_633 : vector<16xf32>
        %add3A_635 = arith.constant 448 : i32
        %add3A_636 = arith.addi %add3A_635, %scan3A_582 : i32
        %get3A_637 = arith.index_cast %add3A_636 : i32 to index
        %get3A_638 = arith.constant 0 : index
        %get3A_639 = tpu.vector_load %arg7[%get3A_637, %get3A_638] {strides = array<i32>} : memref<3200x16xf32, #tpu.memory_space<vmem>>, vector<1x16xf32>,
        %get3A_640 = vector.shape_cast %get3A_639 : vector<1x16xf32> to vector<16xf32>
        %add3A_641 = arith.addf %add3A_634, %get3A_640 : vector<16xf32>
        %add3A_642 = arith.constant 512 : i32
        %add3A_643 = arith.addi %add3A_642, %scan3A_582 : i32
        %get3A_644 = arith.index_cast %add3A_643 : i32 to index
        %get3A_645 = arith.constant 0 : index
        %get3A_646 = tpu.vector_load %arg7[%get3A_644, %get3A_645] {strides = array<i32>} : memref<3200x16xf32, #tpu.memory_space<vmem>>, vector<1x16xf32>,
        %get3A_647 = vector.shape_cast %get3A_646 : vector<1x16xf32> to vector<16xf32>
        %add3A_648 = arith.addf %add3A_599, %get3A_647 : vector<16xf32>
        %add3A_649 = arith.constant 576 : i32
        %add3A_650 = arith.addi %add3A_649, %scan3A_582 : i32
        %get3A_651 = arith.index_cast %add3A_650 : i32 to index
        %get3A_652 = arith.constant 0 : index
        %get3A_653 = tpu.vector_load %arg7[%get3A_651, %get3A_652] {strides = array<i32>} : memref<3200x16xf32, #tpu.memory_space<vmem>>, vector<1x16xf32>,
        %get3A_654 = vector.shape_cast %get3A_653 : vector<1x16xf32> to vector<16xf32>
        %add3A_655 = arith.addf %add3A_648, %get3A_654 : vector<16xf32>
        %add3A_656 = arith.constant 640 : i32
        %add3A_657 = arith.addi %add3A_656, %scan3A_582 : i32
        %get3A_658 = arith.index_cast %add3A_657 : i32 to index
        %get3A_659 = arith.constant 0 : index
        %get3A_660 = tpu.vector_load %arg7[%get3A_658, %get3A_659] {strides = array<i32>} : memref<3200x16xf32, #tpu.memory_space<vmem>>, vector<1x16xf32>,
        %get3A_661 = vector.shape_cast %get3A_660 : vector<1x16xf32> to vector<16xf32>
        %add3A_662 = arith.addf %add3A_613, %get3A_661 : vector<16xf32>
        %add3A_663 = arith.constant 704 : i32
        %add3A_664 = arith.addi %add3A_663, %scan3A_582 : i32
        %get3A_665 = arith.index_cast %add3A_664 : i32 to index
        %get3A_666 = arith.constant 0 : index
        %get3A_667 = tpu.vector_load %arg7[%get3A_665, %get3A_666] {strides = array<i32>} : memref<3200x16xf32, #tpu.memory_space<vmem>>, vector<1x16xf32>,
        %get3A_668 = vector.shape_cast %get3A_667 : vector<1x16xf32> to vector<16xf32>
        %add3A_669 = arith.addf %add3A_662, %get3A_668 : vector<16xf32>
        %add3A_670 = arith.constant 768 : i32
        %add3A_671 = arith.addi %add3A_670, %scan3A_582 : i32
        %get3A_672 = arith.index_cast %add3A_671 : i32 to index
        %get3A_673 = arith.constant 0 : index
        %get3A_674 = tpu.vector_load %arg7[%get3A_672, %get3A_673] {strides = array<i32>} : memref<3200x16xf32, #tpu.memory_space<vmem>>, vector<1x16xf32>,
        %get3A_675 = vector.shape_cast %get3A_674 : vector<1x16xf32> to vector<16xf32>
        %add3A_676 = arith.addf %add3A_627, %get3A_675 : vector<16xf32>
        %add3A_677 = arith.constant 832 : i32
        %add3A_678 = arith.addi %add3A_677, %scan3A_582 : i32
        %get3A_679 = arith.index_cast %add3A_678 : i32 to index
        %get3A_680 = arith.constant 0 : index
        %get3A_681 = tpu.vector_load %arg7[%get3A_679, %get3A_680] {strides = array<i32>} : memref<3200x16xf32, #tpu.memory_space<vmem>>, vector<1x16xf32>,
        %get3A_682 = vector.shape_cast %get3A_681 : vector<1x16xf32> to vector<16xf32>
        %add3A_683 = arith.addf %add3A_676, %get3A_682 : vector<16xf32>
        %add3A_684 = arith.constant 896 : i32
        %add3A_685 = arith.addi %add3A_684, %scan3A_582 : i32
        %get3A_686 = arith.index_cast %add3A_685 : i32 to index
        %get3A_687 = arith.constant 0 : index
        %get3A_688 = tpu.vector_load %arg7[%get3A_686, %get3A_687] {strides = array<i32>} : memref<3200x16xf32, #tpu.memory_space<vmem>>, vector<1x16xf32>,
        %get3A_689 = vector.shape_cast %get3A_688 : vector<1x16xf32> to vector<16xf32>
        %add3A_690 = arith.addf %add3A_641, %get3A_689 : vector<16xf32>
        %add3A_691 = arith.constant 960 : i32
        %add3A_692 = arith.addi %add3A_691, %scan3A_582 : i32
        %get3A_693 = arith.index_cast %add3A_692 : i32 to index
        %get3A_694 = arith.constant 0 : index
        %get3A_695 = tpu.vector_load %arg7[%get3A_693, %get3A_694] {strides = array<i32>} : memref<3200x16xf32, #tpu.memory_space<vmem>>, vector<1x16xf32>,
        %get3A_696 = vector.shape_cast %get3A_695 : vector<1x16xf32> to vector<16xf32>
        %add3A_697 = arith.addf %add3A_690, %get3A_696 : vector<16xf32>
        %add3A_698 = arith.constant 1024 : i32
        %add3A_699 = arith.addi %add3A_698, %scan3A_582 : i32
        %get3A_700 = arith.index_cast %add3A_699 : i32 to index
        %get3A_701 = arith.constant 0 : index
        %get3A_702 = tpu.vector_load %arg7[%get3A_700, %get3A_701] {strides = array<i32>} : memref<3200x16xf32, #tpu.memory_space<vmem>>, vector<1x16xf32>,
        %get3A_703 = vector.shape_cast %get3A_702 : vector<1x16xf32> to vector<16xf32>
        %add3A_704 = arith.addf %add3A_655, %get3A_703 : vector<16xf32>
        %add3A_705 = arith.constant 1088 : i32
        %add3A_706 = arith.addi %add3A_705, %scan3A_582 : i32
        %get3A_707 = arith.index_cast %add3A_706 : i32 to index
        %get3A_708 = arith.constant 0 : index
        %get3A_709 = tpu.vector_load %arg7[%get3A_707, %get3A_708] {strides = array<i32>} : memref<3200x16xf32, #tpu.memory_space<vmem>>, vector<1x16xf32>,
        %get3A_710 = vector.shape_cast %get3A_709 : vector<1x16xf32> to vector<16xf32>
        %add3A_711 = arith.addf %add3A_704, %get3A_710 : vector<16xf32>
        %add3A_712 = arith.constant 1152 : i32
        %add3A_713 = arith.addi %add3A_712, %scan3A_582 : i32
        %get3A_714 = arith.index_cast %add3A_713 : i32 to index
        %get3A_715 = arith.constant 0 : index
        %get3A_716 = tpu.vector_load %arg7[%get3A_714, %get3A_715] {strides = array<i32>} : memref<3200x16xf32, #tpu.memory_space<vmem>>, vector<1x16xf32>,
        %get3A_717 = vector.shape_cast %get3A_716 : vector<1x16xf32> to vector<16xf32>
        %add3A_718 = arith.addf %add3A_669, %get3A_717 : vector<16xf32>
        %add3A_719 = arith.constant 1216 : i32
        %add3A_720 = arith.addi %add3A_719, %scan3A_582 : i32
        %get3A_721 = arith.index_cast %add3A_720 : i32 to index
        %get3A_722 = arith.constant 0 : index
        %get3A_723 = tpu.vector_load %arg7[%get3A_721, %get3A_722] {strides = array<i32>} : memref<3200x16xf32, #tpu.memory_space<vmem>>, vector<1x16xf32>,
        %get3A_724 = vector.shape_cast %get3A_723 : vector<1x16xf32> to vector<16xf32>
        %add3A_725 = arith.addf %add3A_718, %get3A_724 : vector<16xf32>
        %add3A_726 = arith.constant 1280 : i32
        %add3A_727 = arith.addi %add3A_726, %scan3A_582 : i32
        %get3A_728 = arith.index_cast %add3A_727 : i32 to index
        %get3A_729 = arith.constant 0 : index
        %get3A_730 = tpu.vector_load %arg7[%get3A_728, %get3A_729] {strides = array<i32>} : memref<3200x16xf32, #tpu.memory_space<vmem>>, vector<1x16xf32>,
        %get3A_731 = vector.shape_cast %get3A_730 : vector<1x16xf32> to vector<16xf32>
        %add3A_732 = arith.addf %add3A_683, %get3A_731 : vector<16xf32>
        %add3A_733 = arith.constant 1344 : i32
        %add3A_734 = arith.addi %add3A_733, %scan3A_582 : i32
        %get3A_735 = arith.index_cast %add3A_734 : i32 to index
        %get3A_736 = arith.constant 0 : index
        %get3A_737 = tpu.vector_load %arg7[%get3A_735, %get3A_736] {strides = array<i32>} : memref<3200x16xf32, #tpu.memory_space<vmem>>, vector<1x16xf32>,
        %get3A_738 = vector.shape_cast %get3A_737 : vector<1x16xf32> to vector<16xf32>
        %add3A_739 = arith.addf %add3A_732, %get3A_738 : vector<16xf32>
        %add3A_740 = arith.constant 1408 : i32
        %add3A_741 = arith.addi %add3A_740, %scan3A_582 : i32
        %get3A_742 = arith.index_cast %add3A_741 : i32 to index
        %get3A_743 = arith.constant 0 : index
        %get3A_744 = tpu.vector_load %arg7[%get3A_742, %get3A_743] {strides = array<i32>} : memref<3200x16xf32, #tpu.memory_space<vmem>>, vector<1x16xf32>,
        %get3A_745 = vector.shape_cast %get3A_744 : vector<1x16xf32> to vector<16xf32>
        %add3A_746 = arith.addf %add3A_697, %get3A_745 : vector<16xf32>
        %add3A_747 = arith.constant 1472 : i32
        %add3A_748 = arith.addi %add3A_747, %scan3A_582 : i32
        %get3A_749 = arith.index_cast %add3A_748 : i32 to index
        %get3A_750 = arith.constant 0 : index
        %get3A_751 = tpu.vector_load %arg7[%get3A_749, %get3A_750] {strides = array<i32>} : memref<3200x16xf32, #tpu.memory_space<vmem>>, vector<1x16xf32>,
        %get3A_752 = vector.shape_cast %get3A_751 : vector<1x16xf32> to vector<16xf32>
        %add3A_753 = arith.addf %add3A_746, %get3A_752 : vector<16xf32>
        %add3A_754 = arith.constant 1536 : i32
        %add3A_755 = arith.addi %add3A_754, %scan3A_582 : i32
        %get3A_756 = arith.index_cast %add3A_755 : i32 to index
        %get3A_757 = arith.constant 0 : index
        %get3A_758 = tpu.vector_load %arg7[%get3A_756, %get3A_757] {strides = array<i32>} : memref<3200x16xf32, #tpu.memory_space<vmem>>, vector<1x16xf32>,
        %get3A_759 = vector.shape_cast %get3A_758 : vector<1x16xf32> to vector<16xf32>
        %add3A_760 = arith.addf %add3A_711, %get3A_759 : vector<16xf32>
        %add3A_761 = arith.constant 1600 : i32
        %add3A_762 = arith.addi %add3A_761, %scan3A_582 : i32
        %get3A_763 = arith.index_cast %add3A_762 : i32 to index
        %get3A_764 = arith.constant 0 : index
        %get3A_765 = tpu.vector_load %arg7[%get3A_763, %get3A_764] {strides = array<i32>} : memref<3200x16xf32, #tpu.memory_space<vmem>>, vector<1x16xf32>,
        %get3A_766 = vector.shape_cast %get3A_765 : vector<1x16xf32> to vector<16xf32>
        %add3A_767 = arith.addf %add3A_760, %get3A_766 : vector<16xf32>
        %add3A_768 = arith.constant 1664 : i32
        %add3A_769 = arith.addi %add3A_768, %scan3A_582 : i32
        %get3A_770 = arith.index_cast %add3A_769 : i32 to index
        %get3A_771 = arith.constant 0 : index
        %get3A_772 = tpu.vector_load %arg7[%get3A_770, %get3A_771] {strides = array<i32>} : memref<3200x16xf32, #tpu.memory_space<vmem>>, vector<1x16xf32>,
        %get3A_773 = vector.shape_cast %get3A_772 : vector<1x16xf32> to vector<16xf32>
        %add3A_774 = arith.addf %add3A_725, %get3A_773 : vector<16xf32>
        %add3A_775 = arith.constant 1728 : i32
        %add3A_776 = arith.addi %add3A_775, %scan3A_582 : i32
        %get3A_777 = arith.index_cast %add3A_776 : i32 to index
        %get3A_778 = arith.constant 0 : index
        %get3A_779 = tpu.vector_load %arg7[%get3A_777, %get3A_778] {strides = array<i32>} : memref<3200x16xf32, #tpu.memory_space<vmem>>, vector<1x16xf32>,
        %get3A_780 = vector.shape_cast %get3A_779 : vector<1x16xf32> to vector<16xf32>
        %add3A_781 = arith.addf %add3A_774, %get3A_780 : vector<16xf32>
        %add3A_782 = arith.constant 1792 : i32
        %add3A_783 = arith.addi %add3A_782, %scan3A_582 : i32
        %get3A_784 = arith.index_cast %add3A_783 : i32 to index
        %get3A_785 = arith.constant 0 : index
        %get3A_786 = tpu.vector_load %arg7[%get3A_784, %get3A_785] {strides = array<i32>} : memref<3200x16xf32, #tpu.memory_space<vmem>>, vector<1x16xf32>,
        %get3A_787 = vector.shape_cast %get3A_786 : vector<1x16xf32> to vector<16xf32>
        %add3A_788 = arith.addf %add3A_739, %get3A_787 : vector<16xf32>
        %add3A_789 = arith.constant 1856 : i32
        %add3A_790 = arith.addi %add3A_789, %scan3A_582 : i32
        %get3A_791 = arith.index_cast %add3A_790 : i32 to index
        %get3A_792 = arith.constant 0 : index
        %get3A_793 = tpu.vector_load %arg7[%get3A_791, %get3A_792] {strides = array<i32>} : memref<3200x16xf32, #tpu.memory_space<vmem>>, vector<1x16xf32>,
        %get3A_794 = vector.shape_cast %get3A_793 : vector<1x16xf32> to vector<16xf32>
        %add3A_795 = arith.addf %add3A_788, %get3A_794 : vector<16xf32>
        %add3A_796 = arith.constant 1920 : i32
        %add3A_797 = arith.addi %add3A_796, %scan3A_582 : i32
        %get3A_798 = arith.index_cast %add3A_797 : i32 to index
        %get3A_799 = arith.constant 0 : index
        %get3A_800 = tpu.vector_load %arg7[%get3A_798, %get3A_799] {strides = array<i32>} : memref<3200x16xf32, #tpu.memory_space<vmem>>, vector<1x16xf32>,
        %get3A_801 = vector.shape_cast %get3A_800 : vector<1x16xf32> to vector<16xf32>
        %add3A_802 = arith.addf %add3A_753, %get3A_801 : vector<16xf32>
        %add3A_803 = arith.constant 1984 : i32
        %add3A_804 = arith.addi %add3A_803, %scan3A_582 : i32
        %get3A_805 = arith.index_cast %add3A_804 : i32 to index
        %get3A_806 = arith.constant 0 : index
        %get3A_807 = tpu.vector_load %arg7[%get3A_805, %get3A_806] {strides = array<i32>} : memref<3200x16xf32, #tpu.memory_space<vmem>>, vector<1x16xf32>,
        %get3A_808 = vector.shape_cast %get3A_807 : vector<1x16xf32> to vector<16xf32>
        %add3A_809 = arith.addf %add3A_802, %get3A_808 : vector<16xf32>
        %add3A_810 = arith.constant 2048 : i32
        %add3A_811 = arith.addi %add3A_810, %scan3A_582 : i32
        %get3A_812 = arith.index_cast %add3A_811 : i32 to index
        %get3A_813 = arith.constant 0 : index
        %get3A_814 = tpu.vector_load %arg7[%get3A_812, %get3A_813] {strides = array<i32>} : memref<3200x16xf32, #tpu.memory_space<vmem>>, vector<1x16xf32>,
        %get3A_815 = vector.shape_cast %get3A_814 : vector<1x16xf32> to vector<16xf32>
        %add3A_816 = arith.addf %add3A_767, %get3A_815 : vector<16xf32>
        %add3A_817 = arith.constant 2112 : i32
        %add3A_818 = arith.addi %add3A_817, %scan3A_582 : i32
        %get3A_819 = arith.index_cast %add3A_818 : i32 to index
        %get3A_820 = arith.constant 0 : index
        %get3A_821 = tpu.vector_load %arg7[%get3A_819, %get3A_820] {strides = array<i32>} : memref<3200x16xf32, #tpu.memory_space<vmem>>, vector<1x16xf32>,
        %get3A_822 = vector.shape_cast %get3A_821 : vector<1x16xf32> to vector<16xf32>
        %add3A_823 = arith.addf %add3A_816, %get3A_822 : vector<16xf32>
        %add3A_824 = arith.constant 2176 : i32
        %add3A_825 = arith.addi %add3A_824, %scan3A_582 : i32
        %get3A_826 = arith.index_cast %add3A_825 : i32 to index
        %get3A_827 = arith.constant 0 : index
        %get3A_828 = tpu.vector_load %arg7[%get3A_826, %get3A_827] {strides = array<i32>} : memref<3200x16xf32, #tpu.memory_space<vmem>>, vector<1x16xf32>,
        %get3A_829 = vector.shape_cast %get3A_828 : vector<1x16xf32> to vector<16xf32>
        %add3A_830 = arith.addf %add3A_781, %get3A_829 : vector<16xf32>
        %add3A_831 = arith.constant 2240 : i32
        %add3A_832 = arith.addi %add3A_831, %scan3A_582 : i32
        %get3A_833 = arith.index_cast %add3A_832 : i32 to index
        %get3A_834 = arith.constant 0 : index
        %get3A_835 = tpu.vector_load %arg7[%get3A_833, %get3A_834] {strides = array<i32>} : memref<3200x16xf32, #tpu.memory_space<vmem>>, vector<1x16xf32>,
        %get3A_836 = vector.shape_cast %get3A_835 : vector<1x16xf32> to vector<16xf32>
        %add3A_837 = arith.addf %add3A_830, %get3A_836 : vector<16xf32>
        %add3A_838 = arith.constant 2304 : i32
        %add3A_839 = arith.addi %add3A_838, %scan3A_582 : i32
        %get3A_840 = arith.index_cast %add3A_839 : i32 to index
        %get3A_841 = arith.constant 0 : index
        %get3A_842 = tpu.vector_load %arg7[%get3A_840, %get3A_841] {strides = array<i32>} : memref<3200x16xf32, #tpu.memory_space<vmem>>, vector<1x16xf32>,
        %get3A_843 = vector.shape_cast %get3A_842 : vector<1x16xf32> to vector<16xf32>
        %add3A_844 = arith.addf %add3A_795, %get3A_843 : vector<16xf32>
        %add3A_845 = arith.constant 2368 : i32
        %add3A_846 = arith.addi %add3A_845, %scan3A_582 : i32
        %get3A_847 = arith.index_cast %add3A_846 : i32 to index
        %get3A_848 = arith.constant 0 : index
        %get3A_849 = tpu.vector_load %arg7[%get3A_847, %get3A_848] {strides = array<i32>} : memref<3200x16xf32, #tpu.memory_space<vmem>>, vector<1x16xf32>,
        %get3A_850 = vector.shape_cast %get3A_849 : vector<1x16xf32> to vector<16xf32>
        %add3A_851 = arith.addf %add3A_844, %get3A_850 : vector<16xf32>
        %add3A_852 = arith.constant 2432 : i32
        %add3A_853 = arith.addi %add3A_852, %scan3A_582 : i32
        %get3A_854 = arith.index_cast %add3A_853 : i32 to index
        %get3A_855 = arith.constant 0 : index
        %get3A_856 = tpu.vector_load %arg7[%get3A_854, %get3A_855] {strides = array<i32>} : memref<3200x16xf32, #tpu.memory_space<vmem>>, vector<1x16xf32>,
        %get3A_857 = vector.shape_cast %get3A_856 : vector<1x16xf32> to vector<16xf32>
        %add3A_858 = arith.addf %add3A_809, %get3A_857 : vector<16xf32>
        %add3A_859 = arith.constant 2496 : i32
        %add3A_860 = arith.addi %add3A_859, %scan3A_582 : i32
        %get3A_861 = arith.index_cast %add3A_860 : i32 to index
        %get3A_862 = arith.constant 0 : index
        %get3A_863 = tpu.vector_load %arg7[%get3A_861, %get3A_862] {strides = array<i32>} : memref<3200x16xf32, #tpu.memory_space<vmem>>, vector<1x16xf32>,
        %get3A_864 = vector.shape_cast %get3A_863 : vector<1x16xf32> to vector<16xf32>
        %add3A_865 = arith.addf %add3A_858, %get3A_864 : vector<16xf32>
        %add3A_866 = arith.constant 2560 : i32
        %add3A_867 = arith.addi %add3A_866, %scan3A_582 : i32
        %get3A_868 = arith.index_cast %add3A_867 : i32 to index
        %get3A_869 = arith.constant 0 : index
        %get3A_870 = tpu.vector_load %arg7[%get3A_868, %get3A_869] {strides = array<i32>} : memref<3200x16xf32, #tpu.memory_space<vmem>>, vector<1x16xf32>,
        %get3A_871 = vector.shape_cast %get3A_870 : vector<1x16xf32> to vector<16xf32>
        %add3A_872 = arith.addf %add3A_823, %get3A_871 : vector<16xf32>
        %add3A_873 = arith.constant 2624 : i32
        %add3A_874 = arith.addi %add3A_873, %scan3A_582 : i32
        %get3A_875 = arith.index_cast %add3A_874 : i32 to index
        %get3A_876 = arith.constant 0 : index
        %get3A_877 = tpu.vector_load %arg7[%get3A_875, %get3A_876] {strides = array<i32>} : memref<3200x16xf32, #tpu.memory_space<vmem>>, vector<1x16xf32>,
        %get3A_878 = vector.shape_cast %get3A_877 : vector<1x16xf32> to vector<16xf32>
        %add3A_879 = arith.addf %add3A_872, %get3A_878 : vector<16xf32>
        %add3A_880 = arith.constant 2688 : i32
        %add3A_881 = arith.addi %add3A_880, %scan3A_582 : i32
        %get3A_882 = arith.index_cast %add3A_881 : i32 to index
        %get3A_883 = arith.constant 0 : index
        %get3A_884 = tpu.vector_load %arg7[%get3A_882, %get3A_883] {strides = array<i32>} : memref<3200x16xf32, #tpu.memory_space<vmem>>, vector<1x16xf32>,
        %get3A_885 = vector.shape_cast %get3A_884 : vector<1x16xf32> to vector<16xf32>
        %add3A_886 = arith.addf %add3A_837, %get3A_885 : vector<16xf32>
        %add3A_887 = arith.constant 2752 : i32
        %add3A_888 = arith.addi %add3A_887, %scan3A_582 : i32
        %get3A_889 = arith.index_cast %add3A_888 : i32 to index
        %get3A_890 = arith.constant 0 : index
        %get3A_891 = tpu.vector_load %arg7[%get3A_889, %get3A_890] {strides = array<i32>} : memref<3200x16xf32, #tpu.memory_space<vmem>>, vector<1x16xf32>,
        %get3A_892 = vector.shape_cast %get3A_891 : vector<1x16xf32> to vector<16xf32>
        %add3A_893 = arith.addf %add3A_886, %get3A_892 : vector<16xf32>
        %add3A_894 = arith.constant 2816 : i32
        %add3A_895 = arith.addi %add3A_894, %scan3A_582 : i32
        %get3A_896 = arith.index_cast %add3A_895 : i32 to index
        %get3A_897 = arith.constant 0 : index
        %get3A_898 = tpu.vector_load %arg7[%get3A_896, %get3A_897] {strides = array<i32>} : memref<3200x16xf32, #tpu.memory_space<vmem>>, vector<1x16xf32>,
        %get3A_899 = vector.shape_cast %get3A_898 : vector<1x16xf32> to vector<16xf32>
        %add3A_900 = arith.addf %add3A_851, %get3A_899 : vector<16xf32>
        %add3A_901 = arith.constant 2880 : i32
        %add3A_902 = arith.addi %add3A_901, %scan3A_582 : i32
        %get3A_903 = arith.index_cast %add3A_902 : i32 to index
        %get3A_904 = arith.constant 0 : index
        %get3A_905 = tpu.vector_load %arg7[%get3A_903, %get3A_904] {strides = array<i32>} : memref<3200x16xf32, #tpu.memory_space<vmem>>, vector<1x16xf32>,
        %get3A_906 = vector.shape_cast %get3A_905 : vector<1x16xf32> to vector<16xf32>
        %add3A_907 = arith.addf %add3A_900, %get3A_906 : vector<16xf32>
        %add3A_908 = arith.constant 2944 : i32
        %add3A_909 = arith.addi %add3A_908, %scan3A_582 : i32
        %get3A_910 = arith.index_cast %add3A_909 : i32 to index
        %get3A_911 = arith.constant 0 : index
        %get3A_912 = tpu.vector_load %arg7[%get3A_910, %get3A_911] {strides = array<i32>} : memref<3200x16xf32, #tpu.memory_space<vmem>>, vector<1x16xf32>,
        %get3A_913 = vector.shape_cast %get3A_912 : vector<1x16xf32> to vector<16xf32>
        %add3A_914 = arith.addf %add3A_865, %get3A_913 : vector<16xf32>
        %add3A_915 = arith.constant 3008 : i32
        %add3A_916 = arith.addi %add3A_915, %scan3A_582 : i32
        %get3A_917 = arith.index_cast %add3A_916 : i32 to index
        %get3A_918 = arith.constant 0 : index
        %get3A_919 = tpu.vector_load %arg7[%get3A_917, %get3A_918] {strides = array<i32>} : memref<3200x16xf32, #tpu.memory_space<vmem>>, vector<1x16xf32>,
        %get3A_920 = vector.shape_cast %get3A_919 : vector<1x16xf32> to vector<16xf32>
        %add3A_921 = arith.addf %add3A_914, %get3A_920 : vector<16xf32>
        %add3A_922 = arith.constant 3072 : i32
        %add3A_923 = arith.addi %add3A_922, %scan3A_582 : i32
        %get3A_924 = arith.index_cast %add3A_923 : i32 to index
        %get3A_925 = arith.constant 0 : index
        %get3A_926 = tpu.vector_load %arg7[%get3A_924, %get3A_925] {strides = array<i32>} : memref<3200x16xf32, #tpu.memory_space<vmem>>, vector<1x16xf32>,
        %get3A_927 = vector.shape_cast %get3A_926 : vector<1x16xf32> to vector<16xf32>
        %add3A_928 = arith.addf %add3A_879, %get3A_927 : vector<16xf32>
        %add3A_929 = arith.constant 3136 : i32
        %add3A_930 = arith.addi %add3A_929, %scan3A_582 : i32
        %get3A_931 = arith.index_cast %add3A_930 : i32 to index
        %get3A_932 = arith.constant 0 : index
        %get3A_933 = tpu.vector_load %arg7[%get3A_931, %get3A_932] {strides = array<i32>} : memref<3200x16xf32, #tpu.memory_space<vmem>>, vector<1x16xf32>,
        %get3A_934 = vector.shape_cast %get3A_933 : vector<1x16xf32> to vector<16xf32>
        %add3A_935 = arith.addf %add3A_928, %get3A_934 : vector<16xf32>
        scf.yield %add3A_935, %add3A_893, %add3A_907, %add3A_921 : vector<16xf32>, vector<16xf32>, vector<16xf32>, vector<16xf32>
      }
      %scan3A_562 = arith.constant 64 : i32
      %add3A_563 = arith.constant 1 : i32
      %add3A_564 = arith.addi %scan3A_281, %add3A_563 : i32
      %lt3A_565 = arith.constant 16 : i32
      %lt3A_566 = arith.cmpi slt, %add3A_564, %lt3A_565 : i32
      %convert_element_type3A_567 = arith.extui %lt3A_566 : i1 to i32
      %cond3A_568 = arith.constant 0 : i32
      %cond3A_569 = arith.cmpi ne, %convert_element_type3A_567, %cond3A_568 : i32
      scf.if %cond3A_569 {
        %mul3A_582 = arith.constant 2 : i32
        %mul3A_583 = arith.muli %mul3A_582, %scan3A_281 : i32
        %add3A_584 = arith.constant 2 : i32
        %add3A_585 = arith.addi %mul3A_583, %add3A_584 : i32
        %mul3A_586 = arith.constant 25 : i32
        %mul3A_587 = arith.muli %add3A_585, %mul3A_586 : i32
        %add3A_588 = arith.addi %mul3A_2, %mul3A_587 : i32
        %dma_wait3A_589 = arith.constant 0 : i32
        %dma_wait3A_590 = tpu.memref_slice %arg2[%add3A_588, %dma_wait3A_589] : memref<25600x128xi32, #tpu.memory_space<hbm>> -> memref<25x128xi32, #tpu.memory_space<hbm>>
        %dma_wait3A_591 = arith.constant 0 : i32
        %dma_wait3A_592 = tpu.memref_slice %arg2[%add3A_588, %dma_wait3A_591] : memref<25600x128xi32, #tpu.memory_space<hbm>> -> memref<25x128xi32, #tpu.memory_space<hbm>>
        tpu.wait_dma2 semaphore(%arg10 : memref<!tpu.dma_semaphore, #tpu.memory_space<semaphore_mem>>) src(%dma_wait3A_592 : memref<25x128xi32, #tpu.memory_space<hbm>>) dst(%arg5 : memref<25x128xi32, #tpu.memory_space<vmem>>)
        %dma_start3A_593 = arith.constant 0 : i32
        %dma_start3A_594 = arith.constant 0 : i32
        %dma_start3A_595 = arith.constant 0 : i32
        %dma_start3A_596 = tpu.memref_slice %arg7[%dma_start3A_594, %dma_start3A_595] : memref<3200x16xf32, #tpu.memory_space<vmem>> -> memref<128x16xf32, #tpu.memory_space<vmem>>
        %dma_start3A_597 = arith.constant 0 : i32
        %dma_start3A_598 = tpu.memref_slice %arg5[%dma_start3A_593, %dma_start3A_597] : memref<25x128xi32, #tpu.memory_space<vmem>> -> memref<1x128xi32, #tpu.memory_space<vmem>>
        %dma_start3A_599 = tpu.memref_squeeze %dma_start3A_598 : memref<1x128xi32, #tpu.memory_space<vmem>> -> memref<128xi32, #tpu.memory_space<vmem>>
        %dma_start3A_600 = arith.constant 0 : i32
        %dma_start3A_601 = arith.constant 0 : i32
        %dma_start3A_602 = tpu.memref_slice %arg3[%dma_start3A_600, %dma_start3A_601] : memref<1048576x16xf32, #tpu.memory_space<hbm>> -> memref<1048576x16xf32, #tpu.memory_space<hbm>>
        tpu.enqueue_indirect_dma source(%dma_start3A_602 : memref<1048576x16xf32, #tpu.memory_space<hbm>>) target(%dma_start3A_596 : memref<128x16xf32, #tpu.memory_space<vmem>>) offsets(%dma_start3A_599 : memref<128xi32, #tpu.memory_space<vmem>>) semaphore(%arg12 : memref<!tpu.dma_semaphore, #tpu.memory_space<semaphore_mem>>)
        %dma_start3A_603 = arith.constant 1 : i32
        %dma_start3A_604 = arith.constant 128 : i32
        %dma_start3A_605 = arith.constant 0 : i32
        %dma_start3A_606 = tpu.memref_slice %arg7[%dma_start3A_604, %dma_start3A_605] : memref<3200x16xf32, #tpu.memory_space<vmem>> -> memref<128x16xf32, #tpu.memory_space<vmem>>
        %dma_start3A_607 = arith.constant 0 : i32
        %dma_start3A_608 = tpu.memref_slice %arg5[%dma_start3A_603, %dma_start3A_607] : memref<25x128xi32, #tpu.memory_space<vmem>> -> memref<1x128xi32, #tpu.memory_space<vmem>>
        %dma_start3A_609 = tpu.memref_squeeze %dma_start3A_608 : memref<1x128xi32, #tpu.memory_space<vmem>> -> memref<128xi32, #tpu.memory_space<vmem>>
        %dma_start3A_610 = arith.constant 0 : i32
        %dma_start3A_611 = arith.constant 0 : i32
        %dma_start3A_612 = tpu.memref_slice %arg3[%dma_start3A_610, %dma_start3A_611] : memref<1048576x16xf32, #tpu.memory_space<hbm>> -> memref<1048576x16xf32, #tpu.memory_space<hbm>>
        tpu.enqueue_indirect_dma source(%dma_start3A_612 : memref<1048576x16xf32, #tpu.memory_space<hbm>>) target(%dma_start3A_606 : memref<128x16xf32, #tpu.memory_space<vmem>>) offsets(%dma_start3A_609 : memref<128xi32, #tpu.memory_space<vmem>>) semaphore(%arg12 : memref<!tpu.dma_semaphore, #tpu.memory_space<semaphore_mem>>)
        %dma_start3A_613 = arith.constant 2 : i32
        %dma_start3A_614 = arith.constant 256 : i32
        %dma_start3A_615 = arith.constant 0 : i32
        %dma_start3A_616 = tpu.memref_slice %arg7[%dma_start3A_614, %dma_start3A_615] : memref<3200x16xf32, #tpu.memory_space<vmem>> -> memref<128x16xf32, #tpu.memory_space<vmem>>
        %dma_start3A_617 = arith.constant 0 : i32
        %dma_start3A_618 = tpu.memref_slice %arg5[%dma_start3A_613, %dma_start3A_617] : memref<25x128xi32, #tpu.memory_space<vmem>> -> memref<1x128xi32, #tpu.memory_space<vmem>>
        %dma_start3A_619 = tpu.memref_squeeze %dma_start3A_618 : memref<1x128xi32, #tpu.memory_space<vmem>> -> memref<128xi32, #tpu.memory_space<vmem>>
        %dma_start3A_620 = arith.constant 0 : i32
        %dma_start3A_621 = arith.constant 0 : i32
        %dma_start3A_622 = tpu.memref_slice %arg3[%dma_start3A_620, %dma_start3A_621] : memref<1048576x16xf32, #tpu.memory_space<hbm>> -> memref<1048576x16xf32, #tpu.memory_space<hbm>>
        tpu.enqueue_indirect_dma source(%dma_start3A_622 : memref<1048576x16xf32, #tpu.memory_space<hbm>>) target(%dma_start3A_616 : memref<128x16xf32, #tpu.memory_space<vmem>>) offsets(%dma_start3A_619 : memref<128xi32, #tpu.memory_space<vmem>>) semaphore(%arg12 : memref<!tpu.dma_semaphore, #tpu.memory_space<semaphore_mem>>)
        %dma_start3A_623 = arith.constant 3 : i32
        %dma_start3A_624 = arith.constant 384 : i32
        %dma_start3A_625 = arith.constant 0 : i32
        %dma_start3A_626 = tpu.memref_slice %arg7[%dma_start3A_624, %dma_start3A_625] : memref<3200x16xf32, #tpu.memory_space<vmem>> -> memref<128x16xf32, #tpu.memory_space<vmem>>
        %dma_start3A_627 = arith.constant 0 : i32
        %dma_start3A_628 = tpu.memref_slice %arg5[%dma_start3A_623, %dma_start3A_627] : memref<25x128xi32, #tpu.memory_space<vmem>> -> memref<1x128xi32, #tpu.memory_space<vmem>>
        %dma_start3A_629 = tpu.memref_squeeze %dma_start3A_628 : memref<1x128xi32, #tpu.memory_space<vmem>> -> memref<128xi32, #tpu.memory_space<vmem>>
        %dma_start3A_630 = arith.constant 0 : i32
        %dma_start3A_631 = arith.constant 0 : i32
        %dma_start3A_632 = tpu.memref_slice %arg3[%dma_start3A_630, %dma_start3A_631] : memref<1048576x16xf32, #tpu.memory_space<hbm>> -> memref<1048576x16xf32, #tpu.memory_space<hbm>>
        tpu.enqueue_indirect_dma source(%dma_start3A_632 : memref<1048576x16xf32, #tpu.memory_space<hbm>>) target(%dma_start3A_626 : memref<128x16xf32, #tpu.memory_space<vmem>>) offsets(%dma_start3A_629 : memref<128xi32, #tpu.memory_space<vmem>>) semaphore(%arg12 : memref<!tpu.dma_semaphore, #tpu.memory_space<semaphore_mem>>)
        %dma_start3A_633 = arith.constant 4 : i32
        %dma_start3A_634 = arith.constant 512 : i32
        %dma_start3A_635 = arith.constant 0 : i32
        %dma_start3A_636 = tpu.memref_slice %arg7[%dma_start3A_634, %dma_start3A_635] : memref<3200x16xf32, #tpu.memory_space<vmem>> -> memref<128x16xf32, #tpu.memory_space<vmem>>
        %dma_start3A_637 = arith.constant 0 : i32
        %dma_start3A_638 = tpu.memref_slice %arg5[%dma_start3A_633, %dma_start3A_637] : memref<25x128xi32, #tpu.memory_space<vmem>> -> memref<1x128xi32, #tpu.memory_space<vmem>>
        %dma_start3A_639 = tpu.memref_squeeze %dma_start3A_638 : memref<1x128xi32, #tpu.memory_space<vmem>> -> memref<128xi32, #tpu.memory_space<vmem>>
        %dma_start3A_640 = arith.constant 0 : i32
        %dma_start3A_641 = arith.constant 0 : i32
        %dma_start3A_642 = tpu.memref_slice %arg3[%dma_start3A_640, %dma_start3A_641] : memref<1048576x16xf32, #tpu.memory_space<hbm>> -> memref<1048576x16xf32, #tpu.memory_space<hbm>>
        tpu.enqueue_indirect_dma source(%dma_start3A_642 : memref<1048576x16xf32, #tpu.memory_space<hbm>>) target(%dma_start3A_636 : memref<128x16xf32, #tpu.memory_space<vmem>>) offsets(%dma_start3A_639 : memref<128xi32, #tpu.memory_space<vmem>>) semaphore(%arg12 : memref<!tpu.dma_semaphore, #tpu.memory_space<semaphore_mem>>)
        %dma_start3A_643 = arith.constant 5 : i32
        %dma_start3A_644 = arith.constant 640 : i32
        %dma_start3A_645 = arith.constant 0 : i32
        %dma_start3A_646 = tpu.memref_slice %arg7[%dma_start3A_644, %dma_start3A_645] : memref<3200x16xf32, #tpu.memory_space<vmem>> -> memref<128x16xf32, #tpu.memory_space<vmem>>
        %dma_start3A_647 = arith.constant 0 : i32
        %dma_start3A_648 = tpu.memref_slice %arg5[%dma_start3A_643, %dma_start3A_647] : memref<25x128xi32, #tpu.memory_space<vmem>> -> memref<1x128xi32, #tpu.memory_space<vmem>>
        %dma_start3A_649 = tpu.memref_squeeze %dma_start3A_648 : memref<1x128xi32, #tpu.memory_space<vmem>> -> memref<128xi32, #tpu.memory_space<vmem>>
        %dma_start3A_650 = arith.constant 0 : i32
        %dma_start3A_651 = arith.constant 0 : i32
        %dma_start3A_652 = tpu.memref_slice %arg3[%dma_start3A_650, %dma_start3A_651] : memref<1048576x16xf32, #tpu.memory_space<hbm>> -> memref<1048576x16xf32, #tpu.memory_space<hbm>>
        tpu.enqueue_indirect_dma source(%dma_start3A_652 : memref<1048576x16xf32, #tpu.memory_space<hbm>>) target(%dma_start3A_646 : memref<128x16xf32, #tpu.memory_space<vmem>>) offsets(%dma_start3A_649 : memref<128xi32, #tpu.memory_space<vmem>>) semaphore(%arg12 : memref<!tpu.dma_semaphore, #tpu.memory_space<semaphore_mem>>)
        %dma_start3A_653 = arith.constant 6 : i32
        %dma_start3A_654 = arith.constant 768 : i32
        %dma_start3A_655 = arith.constant 0 : i32
        %dma_start3A_656 = tpu.memref_slice %arg7[%dma_start3A_654, %dma_start3A_655] : memref<3200x16xf32, #tpu.memory_space<vmem>> -> memref<128x16xf32, #tpu.memory_space<vmem>>
        %dma_start3A_657 = arith.constant 0 : i32
        %dma_start3A_658 = tpu.memref_slice %arg5[%dma_start3A_653, %dma_start3A_657] : memref<25x128xi32, #tpu.memory_space<vmem>> -> memref<1x128xi32, #tpu.memory_space<vmem>>
        %dma_start3A_659 = tpu.memref_squeeze %dma_start3A_658 : memref<1x128xi32, #tpu.memory_space<vmem>> -> memref<128xi32, #tpu.memory_space<vmem>>
        %dma_start3A_660 = arith.constant 0 : i32
        %dma_start3A_661 = arith.constant 0 : i32
        %dma_start3A_662 = tpu.memref_slice %arg3[%dma_start3A_660, %dma_start3A_661] : memref<1048576x16xf32, #tpu.memory_space<hbm>> -> memref<1048576x16xf32, #tpu.memory_space<hbm>>
        tpu.enqueue_indirect_dma source(%dma_start3A_662 : memref<1048576x16xf32, #tpu.memory_space<hbm>>) target(%dma_start3A_656 : memref<128x16xf32, #tpu.memory_space<vmem>>) offsets(%dma_start3A_659 : memref<128xi32, #tpu.memory_space<vmem>>) semaphore(%arg12 : memref<!tpu.dma_semaphore, #tpu.memory_space<semaphore_mem>>)
        %dma_start3A_663 = arith.constant 7 : i32
        %dma_start3A_664 = arith.constant 896 : i32
        %dma_start3A_665 = arith.constant 0 : i32
        %dma_start3A_666 = tpu.memref_slice %arg7[%dma_start3A_664, %dma_start3A_665] : memref<3200x16xf32, #tpu.memory_space<vmem>> -> memref<128x16xf32, #tpu.memory_space<vmem>>
        %dma_start3A_667 = arith.constant 0 : i32
        %dma_start3A_668 = tpu.memref_slice %arg5[%dma_start3A_663, %dma_start3A_667] : memref<25x128xi32, #tpu.memory_space<vmem>> -> memref<1x128xi32, #tpu.memory_space<vmem>>
        %dma_start3A_669 = tpu.memref_squeeze %dma_start3A_668 : memref<1x128xi32, #tpu.memory_space<vmem>> -> memref<128xi32, #tpu.memory_space<vmem>>
        %dma_start3A_670 = arith.constant 0 : i32
        %dma_start3A_671 = arith.constant 0 : i32
        %dma_start3A_672 = tpu.memref_slice %arg3[%dma_start3A_670, %dma_start3A_671] : memref<1048576x16xf32, #tpu.memory_space<hbm>> -> memref<1048576x16xf32, #tpu.memory_space<hbm>>
        tpu.enqueue_indirect_dma source(%dma_start3A_672 : memref<1048576x16xf32, #tpu.memory_space<hbm>>) target(%dma_start3A_666 : memref<128x16xf32, #tpu.memory_space<vmem>>) offsets(%dma_start3A_669 : memref<128xi32, #tpu.memory_space<vmem>>) semaphore(%arg12 : memref<!tpu.dma_semaphore, #tpu.memory_space<semaphore_mem>>)
        %dma_start3A_673 = arith.constant 8 : i32
        %dma_start3A_674 = arith.constant 1024 : i32
        %dma_start3A_675 = arith.constant 0 : i32
        %dma_start3A_676 = tpu.memref_slice %arg7[%dma_start3A_674, %dma_start3A_675] : memref<3200x16xf32, #tpu.memory_space<vmem>> -> memref<128x16xf32, #tpu.memory_space<vmem>>
        %dma_start3A_677 = arith.constant 0 : i32
        %dma_start3A_678 = tpu.memref_slice %arg5[%dma_start3A_673, %dma_start3A_677] : memref<25x128xi32, #tpu.memory_space<vmem>> -> memref<1x128xi32, #tpu.memory_space<vmem>>
        %dma_start3A_679 = tpu.memref_squeeze %dma_start3A_678 : memref<1x128xi32, #tpu.memory_space<vmem>> -> memref<128xi32, #tpu.memory_space<vmem>>
        %dma_start3A_680 = arith.constant 0 : i32
        %dma_start3A_681 = arith.constant 0 : i32
        %dma_start3A_682 = tpu.memref_slice %arg3[%dma_start3A_680, %dma_start3A_681] : memref<1048576x16xf32, #tpu.memory_space<hbm>> -> memref<1048576x16xf32, #tpu.memory_space<hbm>>
        tpu.enqueue_indirect_dma source(%dma_start3A_682 : memref<1048576x16xf32, #tpu.memory_space<hbm>>) target(%dma_start3A_676 : memref<128x16xf32, #tpu.memory_space<vmem>>) offsets(%dma_start3A_679 : memref<128xi32, #tpu.memory_space<vmem>>) semaphore(%arg12 : memref<!tpu.dma_semaphore, #tpu.memory_space<semaphore_mem>>)
        %dma_start3A_683 = arith.constant 9 : i32
        %dma_start3A_684 = arith.constant 1152 : i32
        %dma_start3A_685 = arith.constant 0 : i32
        %dma_start3A_686 = tpu.memref_slice %arg7[%dma_start3A_684, %dma_start3A_685] : memref<3200x16xf32, #tpu.memory_space<vmem>> -> memref<128x16xf32, #tpu.memory_space<vmem>>
        %dma_start3A_687 = arith.constant 0 : i32
        %dma_start3A_688 = tpu.memref_slice %arg5[%dma_start3A_683, %dma_start3A_687] : memref<25x128xi32, #tpu.memory_space<vmem>> -> memref<1x128xi32, #tpu.memory_space<vmem>>
        %dma_start3A_689 = tpu.memref_squeeze %dma_start3A_688 : memref<1x128xi32, #tpu.memory_space<vmem>> -> memref<128xi32, #tpu.memory_space<vmem>>
        %dma_start3A_690 = arith.constant 0 : i32
        %dma_start3A_691 = arith.constant 0 : i32
        %dma_start3A_692 = tpu.memref_slice %arg3[%dma_start3A_690, %dma_start3A_691] : memref<1048576x16xf32, #tpu.memory_space<hbm>> -> memref<1048576x16xf32, #tpu.memory_space<hbm>>
        tpu.enqueue_indirect_dma source(%dma_start3A_692 : memref<1048576x16xf32, #tpu.memory_space<hbm>>) target(%dma_start3A_686 : memref<128x16xf32, #tpu.memory_space<vmem>>) offsets(%dma_start3A_689 : memref<128xi32, #tpu.memory_space<vmem>>) semaphore(%arg12 : memref<!tpu.dma_semaphore, #tpu.memory_space<semaphore_mem>>)
        %dma_start3A_693 = arith.constant 10 : i32
        %dma_start3A_694 = arith.constant 1280 : i32
        %dma_start3A_695 = arith.constant 0 : i32
        %dma_start3A_696 = tpu.memref_slice %arg7[%dma_start3A_694, %dma_start3A_695] : memref<3200x16xf32, #tpu.memory_space<vmem>> -> memref<128x16xf32, #tpu.memory_space<vmem>>
        %dma_start3A_697 = arith.constant 0 : i32
        %dma_start3A_698 = tpu.memref_slice %arg5[%dma_start3A_693, %dma_start3A_697] : memref<25x128xi32, #tpu.memory_space<vmem>> -> memref<1x128xi32, #tpu.memory_space<vmem>>
        %dma_start3A_699 = tpu.memref_squeeze %dma_start3A_698 : memref<1x128xi32, #tpu.memory_space<vmem>> -> memref<128xi32, #tpu.memory_space<vmem>>
        %dma_start3A_700 = arith.constant 0 : i32
        %dma_start3A_701 = arith.constant 0 : i32
        %dma_start3A_702 = tpu.memref_slice %arg3[%dma_start3A_700, %dma_start3A_701] : memref<1048576x16xf32, #tpu.memory_space<hbm>> -> memref<1048576x16xf32, #tpu.memory_space<hbm>>
        tpu.enqueue_indirect_dma source(%dma_start3A_702 : memref<1048576x16xf32, #tpu.memory_space<hbm>>) target(%dma_start3A_696 : memref<128x16xf32, #tpu.memory_space<vmem>>) offsets(%dma_start3A_699 : memref<128xi32, #tpu.memory_space<vmem>>) semaphore(%arg12 : memref<!tpu.dma_semaphore, #tpu.memory_space<semaphore_mem>>)
        %dma_start3A_703 = arith.constant 11 : i32
        %dma_start3A_704 = arith.constant 1408 : i32
        %dma_start3A_705 = arith.constant 0 : i32
        %dma_start3A_706 = tpu.memref_slice %arg7[%dma_start3A_704, %dma_start3A_705] : memref<3200x16xf32, #tpu.memory_space<vmem>> -> memref<128x16xf32, #tpu.memory_space<vmem>>
        %dma_start3A_707 = arith.constant 0 : i32
        %dma_start3A_708 = tpu.memref_slice %arg5[%dma_start3A_703, %dma_start3A_707] : memref<25x128xi32, #tpu.memory_space<vmem>> -> memref<1x128xi32, #tpu.memory_space<vmem>>
        %dma_start3A_709 = tpu.memref_squeeze %dma_start3A_708 : memref<1x128xi32, #tpu.memory_space<vmem>> -> memref<128xi32, #tpu.memory_space<vmem>>
        %dma_start3A_710 = arith.constant 0 : i32
        %dma_start3A_711 = arith.constant 0 : i32
        %dma_start3A_712 = tpu.memref_slice %arg3[%dma_start3A_710, %dma_start3A_711] : memref<1048576x16xf32, #tpu.memory_space<hbm>> -> memref<1048576x16xf32, #tpu.memory_space<hbm>>
        tpu.enqueue_indirect_dma source(%dma_start3A_712 : memref<1048576x16xf32, #tpu.memory_space<hbm>>) target(%dma_start3A_706 : memref<128x16xf32, #tpu.memory_space<vmem>>) offsets(%dma_start3A_709 : memref<128xi32, #tpu.memory_space<vmem>>) semaphore(%arg12 : memref<!tpu.dma_semaphore, #tpu.memory_space<semaphore_mem>>)
        %dma_start3A_713 = arith.constant 12 : i32
        %dma_start3A_714 = arith.constant 1536 : i32
        %dma_start3A_715 = arith.constant 0 : i32
        %dma_start3A_716 = tpu.memref_slice %arg7[%dma_start3A_714, %dma_start3A_715] : memref<3200x16xf32, #tpu.memory_space<vmem>> -> memref<128x16xf32, #tpu.memory_space<vmem>>
        %dma_start3A_717 = arith.constant 0 : i32
        %dma_start3A_718 = tpu.memref_slice %arg5[%dma_start3A_713, %dma_start3A_717] : memref<25x128xi32, #tpu.memory_space<vmem>> -> memref<1x128xi32, #tpu.memory_space<vmem>>
        %dma_start3A_719 = tpu.memref_squeeze %dma_start3A_718 : memref<1x128xi32, #tpu.memory_space<vmem>> -> memref<128xi32, #tpu.memory_space<vmem>>
        %dma_start3A_720 = arith.constant 0 : i32
        %dma_start3A_721 = arith.constant 0 : i32
        %dma_start3A_722 = tpu.memref_slice %arg3[%dma_start3A_720, %dma_start3A_721] : memref<1048576x16xf32, #tpu.memory_space<hbm>> -> memref<1048576x16xf32, #tpu.memory_space<hbm>>
        tpu.enqueue_indirect_dma source(%dma_start3A_722 : memref<1048576x16xf32, #tpu.memory_space<hbm>>) target(%dma_start3A_716 : memref<128x16xf32, #tpu.memory_space<vmem>>) offsets(%dma_start3A_719 : memref<128xi32, #tpu.memory_space<vmem>>) semaphore(%arg12 : memref<!tpu.dma_semaphore, #tpu.memory_space<semaphore_mem>>)
        %dma_start3A_723 = arith.constant 13 : i32
        %dma_start3A_724 = arith.constant 1664 : i32
        %dma_start3A_725 = arith.constant 0 : i32
        %dma_start3A_726 = tpu.memref_slice %arg7[%dma_start3A_724, %dma_start3A_725] : memref<3200x16xf32, #tpu.memory_space<vmem>> -> memref<128x16xf32, #tpu.memory_space<vmem>>
        %dma_start3A_727 = arith.constant 0 : i32
        %dma_start3A_728 = tpu.memref_slice %arg5[%dma_start3A_723, %dma_start3A_727] : memref<25x128xi32, #tpu.memory_space<vmem>> -> memref<1x128xi32, #tpu.memory_space<vmem>>
        %dma_start3A_729 = tpu.memref_squeeze %dma_start3A_728 : memref<1x128xi32, #tpu.memory_space<vmem>> -> memref<128xi32, #tpu.memory_space<vmem>>
        %dma_start3A_730 = arith.constant 0 : i32
        %dma_start3A_731 = arith.constant 0 : i32
        %dma_start3A_732 = tpu.memref_slice %arg3[%dma_start3A_730, %dma_start3A_731] : memref<1048576x16xf32, #tpu.memory_space<hbm>> -> memref<1048576x16xf32, #tpu.memory_space<hbm>>
        tpu.enqueue_indirect_dma source(%dma_start3A_732 : memref<1048576x16xf32, #tpu.memory_space<hbm>>) target(%dma_start3A_726 : memref<128x16xf32, #tpu.memory_space<vmem>>) offsets(%dma_start3A_729 : memref<128xi32, #tpu.memory_space<vmem>>) semaphore(%arg12 : memref<!tpu.dma_semaphore, #tpu.memory_space<semaphore_mem>>)
        %dma_start3A_733 = arith.constant 14 : i32
        %dma_start3A_734 = arith.constant 1792 : i32
        %dma_start3A_735 = arith.constant 0 : i32
        %dma_start3A_736 = tpu.memref_slice %arg7[%dma_start3A_734, %dma_start3A_735] : memref<3200x16xf32, #tpu.memory_space<vmem>> -> memref<128x16xf32, #tpu.memory_space<vmem>>
        %dma_start3A_737 = arith.constant 0 : i32
        %dma_start3A_738 = tpu.memref_slice %arg5[%dma_start3A_733, %dma_start3A_737] : memref<25x128xi32, #tpu.memory_space<vmem>> -> memref<1x128xi32, #tpu.memory_space<vmem>>
        %dma_start3A_739 = tpu.memref_squeeze %dma_start3A_738 : memref<1x128xi32, #tpu.memory_space<vmem>> -> memref<128xi32, #tpu.memory_space<vmem>>
        %dma_start3A_740 = arith.constant 0 : i32
        %dma_start3A_741 = arith.constant 0 : i32
        %dma_start3A_742 = tpu.memref_slice %arg3[%dma_start3A_740, %dma_start3A_741] : memref<1048576x16xf32, #tpu.memory_space<hbm>> -> memref<1048576x16xf32, #tpu.memory_space<hbm>>
        tpu.enqueue_indirect_dma source(%dma_start3A_742 : memref<1048576x16xf32, #tpu.memory_space<hbm>>) target(%dma_start3A_736 : memref<128x16xf32, #tpu.memory_space<vmem>>) offsets(%dma_start3A_739 : memref<128xi32, #tpu.memory_space<vmem>>) semaphore(%arg12 : memref<!tpu.dma_semaphore, #tpu.memory_space<semaphore_mem>>)
        %dma_start3A_743 = arith.constant 15 : i32
        %dma_start3A_744 = arith.constant 1920 : i32
        %dma_start3A_745 = arith.constant 0 : i32
        %dma_start3A_746 = tpu.memref_slice %arg7[%dma_start3A_744, %dma_start3A_745] : memref<3200x16xf32, #tpu.memory_space<vmem>> -> memref<128x16xf32, #tpu.memory_space<vmem>>
        %dma_start3A_747 = arith.constant 0 : i32
        %dma_start3A_748 = tpu.memref_slice %arg5[%dma_start3A_743, %dma_start3A_747] : memref<25x128xi32, #tpu.memory_space<vmem>> -> memref<1x128xi32, #tpu.memory_space<vmem>>
        %dma_start3A_749 = tpu.memref_squeeze %dma_start3A_748 : memref<1x128xi32, #tpu.memory_space<vmem>> -> memref<128xi32, #tpu.memory_space<vmem>>
        %dma_start3A_750 = arith.constant 0 : i32
        %dma_start3A_751 = arith.constant 0 : i32
        %dma_start3A_752 = tpu.memref_slice %arg3[%dma_start3A_750, %dma_start3A_751] : memref<1048576x16xf32, #tpu.memory_space<hbm>> -> memref<1048576x16xf32, #tpu.memory_space<hbm>>
        tpu.enqueue_indirect_dma source(%dma_start3A_752 : memref<1048576x16xf32, #tpu.memory_space<hbm>>) target(%dma_start3A_746 : memref<128x16xf32, #tpu.memory_space<vmem>>) offsets(%dma_start3A_749 : memref<128xi32, #tpu.memory_space<vmem>>) semaphore(%arg12 : memref<!tpu.dma_semaphore, #tpu.memory_space<semaphore_mem>>)
        %dma_start3A_753 = arith.constant 16 : i32
        %dma_start3A_754 = arith.constant 2048 : i32
        %dma_start3A_755 = arith.constant 0 : i32
        %dma_start3A_756 = tpu.memref_slice %arg7[%dma_start3A_754, %dma_start3A_755] : memref<3200x16xf32, #tpu.memory_space<vmem>> -> memref<128x16xf32, #tpu.memory_space<vmem>>
        %dma_start3A_757 = arith.constant 0 : i32
        %dma_start3A_758 = tpu.memref_slice %arg5[%dma_start3A_753, %dma_start3A_757] : memref<25x128xi32, #tpu.memory_space<vmem>> -> memref<1x128xi32, #tpu.memory_space<vmem>>
        %dma_start3A_759 = tpu.memref_squeeze %dma_start3A_758 : memref<1x128xi32, #tpu.memory_space<vmem>> -> memref<128xi32, #tpu.memory_space<vmem>>
        %dma_start3A_760 = arith.constant 0 : i32
        %dma_start3A_761 = arith.constant 0 : i32
        %dma_start3A_762 = tpu.memref_slice %arg3[%dma_start3A_760, %dma_start3A_761] : memref<1048576x16xf32, #tpu.memory_space<hbm>> -> memref<1048576x16xf32, #tpu.memory_space<hbm>>
        tpu.enqueue_indirect_dma source(%dma_start3A_762 : memref<1048576x16xf32, #tpu.memory_space<hbm>>) target(%dma_start3A_756 : memref<128x16xf32, #tpu.memory_space<vmem>>) offsets(%dma_start3A_759 : memref<128xi32, #tpu.memory_space<vmem>>) semaphore(%arg12 : memref<!tpu.dma_semaphore, #tpu.memory_space<semaphore_mem>>)
        %dma_start3A_763 = arith.constant 17 : i32
        %dma_start3A_764 = arith.constant 2176 : i32
        %dma_start3A_765 = arith.constant 0 : i32
        %dma_start3A_766 = tpu.memref_slice %arg7[%dma_start3A_764, %dma_start3A_765] : memref<3200x16xf32, #tpu.memory_space<vmem>> -> memref<128x16xf32, #tpu.memory_space<vmem>>
        %dma_start3A_767 = arith.constant 0 : i32
        %dma_start3A_768 = tpu.memref_slice %arg5[%dma_start3A_763, %dma_start3A_767] : memref<25x128xi32, #tpu.memory_space<vmem>> -> memref<1x128xi32, #tpu.memory_space<vmem>>
        %dma_start3A_769 = tpu.memref_squeeze %dma_start3A_768 : memref<1x128xi32, #tpu.memory_space<vmem>> -> memref<128xi32, #tpu.memory_space<vmem>>
        %dma_start3A_770 = arith.constant 0 : i32
        %dma_start3A_771 = arith.constant 0 : i32
        %dma_start3A_772 = tpu.memref_slice %arg3[%dma_start3A_770, %dma_start3A_771] : memref<1048576x16xf32, #tpu.memory_space<hbm>> -> memref<1048576x16xf32, #tpu.memory_space<hbm>>
        tpu.enqueue_indirect_dma source(%dma_start3A_772 : memref<1048576x16xf32, #tpu.memory_space<hbm>>) target(%dma_start3A_766 : memref<128x16xf32, #tpu.memory_space<vmem>>) offsets(%dma_start3A_769 : memref<128xi32, #tpu.memory_space<vmem>>) semaphore(%arg12 : memref<!tpu.dma_semaphore, #tpu.memory_space<semaphore_mem>>)
        %dma_start3A_773 = arith.constant 18 : i32
        %dma_start3A_774 = arith.constant 2304 : i32
        %dma_start3A_775 = arith.constant 0 : i32
        %dma_start3A_776 = tpu.memref_slice %arg7[%dma_start3A_774, %dma_start3A_775] : memref<3200x16xf32, #tpu.memory_space<vmem>> -> memref<128x16xf32, #tpu.memory_space<vmem>>
        %dma_start3A_777 = arith.constant 0 : i32
        %dma_start3A_778 = tpu.memref_slice %arg5[%dma_start3A_773, %dma_start3A_777] : memref<25x128xi32, #tpu.memory_space<vmem>> -> memref<1x128xi32, #tpu.memory_space<vmem>>
        %dma_start3A_779 = tpu.memref_squeeze %dma_start3A_778 : memref<1x128xi32, #tpu.memory_space<vmem>> -> memref<128xi32, #tpu.memory_space<vmem>>
        %dma_start3A_780 = arith.constant 0 : i32
        %dma_start3A_781 = arith.constant 0 : i32
        %dma_start3A_782 = tpu.memref_slice %arg3[%dma_start3A_780, %dma_start3A_781] : memref<1048576x16xf32, #tpu.memory_space<hbm>> -> memref<1048576x16xf32, #tpu.memory_space<hbm>>
        tpu.enqueue_indirect_dma source(%dma_start3A_782 : memref<1048576x16xf32, #tpu.memory_space<hbm>>) target(%dma_start3A_776 : memref<128x16xf32, #tpu.memory_space<vmem>>) offsets(%dma_start3A_779 : memref<128xi32, #tpu.memory_space<vmem>>) semaphore(%arg12 : memref<!tpu.dma_semaphore, #tpu.memory_space<semaphore_mem>>)
        %dma_start3A_783 = arith.constant 19 : i32
        %dma_start3A_784 = arith.constant 2432 : i32
        %dma_start3A_785 = arith.constant 0 : i32
        %dma_start3A_786 = tpu.memref_slice %arg7[%dma_start3A_784, %dma_start3A_785] : memref<3200x16xf32, #tpu.memory_space<vmem>> -> memref<128x16xf32, #tpu.memory_space<vmem>>
        %dma_start3A_787 = arith.constant 0 : i32
        %dma_start3A_788 = tpu.memref_slice %arg5[%dma_start3A_783, %dma_start3A_787] : memref<25x128xi32, #tpu.memory_space<vmem>> -> memref<1x128xi32, #tpu.memory_space<vmem>>
        %dma_start3A_789 = tpu.memref_squeeze %dma_start3A_788 : memref<1x128xi32, #tpu.memory_space<vmem>> -> memref<128xi32, #tpu.memory_space<vmem>>
        %dma_start3A_790 = arith.constant 0 : i32
        %dma_start3A_791 = arith.constant 0 : i32
        %dma_start3A_792 = tpu.memref_slice %arg3[%dma_start3A_790, %dma_start3A_791] : memref<1048576x16xf32, #tpu.memory_space<hbm>> -> memref<1048576x16xf32, #tpu.memory_space<hbm>>
        tpu.enqueue_indirect_dma source(%dma_start3A_792 : memref<1048576x16xf32, #tpu.memory_space<hbm>>) target(%dma_start3A_786 : memref<128x16xf32, #tpu.memory_space<vmem>>) offsets(%dma_start3A_789 : memref<128xi32, #tpu.memory_space<vmem>>) semaphore(%arg12 : memref<!tpu.dma_semaphore, #tpu.memory_space<semaphore_mem>>)
        %dma_start3A_793 = arith.constant 20 : i32
        %dma_start3A_794 = arith.constant 2560 : i32
        %dma_start3A_795 = arith.constant 0 : i32
        %dma_start3A_796 = tpu.memref_slice %arg7[%dma_start3A_794, %dma_start3A_795] : memref<3200x16xf32, #tpu.memory_space<vmem>> -> memref<128x16xf32, #tpu.memory_space<vmem>>
        %dma_start3A_797 = arith.constant 0 : i32
        %dma_start3A_798 = tpu.memref_slice %arg5[%dma_start3A_793, %dma_start3A_797] : memref<25x128xi32, #tpu.memory_space<vmem>> -> memref<1x128xi32, #tpu.memory_space<vmem>>
        %dma_start3A_799 = tpu.memref_squeeze %dma_start3A_798 : memref<1x128xi32, #tpu.memory_space<vmem>> -> memref<128xi32, #tpu.memory_space<vmem>>
        %dma_start3A_800 = arith.constant 0 : i32
        %dma_start3A_801 = arith.constant 0 : i32
        %dma_start3A_802 = tpu.memref_slice %arg3[%dma_start3A_800, %dma_start3A_801] : memref<1048576x16xf32, #tpu.memory_space<hbm>> -> memref<1048576x16xf32, #tpu.memory_space<hbm>>
        tpu.enqueue_indirect_dma source(%dma_start3A_802 : memref<1048576x16xf32, #tpu.memory_space<hbm>>) target(%dma_start3A_796 : memref<128x16xf32, #tpu.memory_space<vmem>>) offsets(%dma_start3A_799 : memref<128xi32, #tpu.memory_space<vmem>>) semaphore(%arg12 : memref<!tpu.dma_semaphore, #tpu.memory_space<semaphore_mem>>)
        %dma_start3A_803 = arith.constant 21 : i32
        %dma_start3A_804 = arith.constant 2688 : i32
        %dma_start3A_805 = arith.constant 0 : i32
        %dma_start3A_806 = tpu.memref_slice %arg7[%dma_start3A_804, %dma_start3A_805] : memref<3200x16xf32, #tpu.memory_space<vmem>> -> memref<128x16xf32, #tpu.memory_space<vmem>>
        %dma_start3A_807 = arith.constant 0 : i32
        %dma_start3A_808 = tpu.memref_slice %arg5[%dma_start3A_803, %dma_start3A_807] : memref<25x128xi32, #tpu.memory_space<vmem>> -> memref<1x128xi32, #tpu.memory_space<vmem>>
        %dma_start3A_809 = tpu.memref_squeeze %dma_start3A_808 : memref<1x128xi32, #tpu.memory_space<vmem>> -> memref<128xi32, #tpu.memory_space<vmem>>
        %dma_start3A_810 = arith.constant 0 : i32
        %dma_start3A_811 = arith.constant 0 : i32
        %dma_start3A_812 = tpu.memref_slice %arg3[%dma_start3A_810, %dma_start3A_811] : memref<1048576x16xf32, #tpu.memory_space<hbm>> -> memref<1048576x16xf32, #tpu.memory_space<hbm>>
        tpu.enqueue_indirect_dma source(%dma_start3A_812 : memref<1048576x16xf32, #tpu.memory_space<hbm>>) target(%dma_start3A_806 : memref<128x16xf32, #tpu.memory_space<vmem>>) offsets(%dma_start3A_809 : memref<128xi32, #tpu.memory_space<vmem>>) semaphore(%arg12 : memref<!tpu.dma_semaphore, #tpu.memory_space<semaphore_mem>>)
        %dma_start3A_813 = arith.constant 22 : i32
        %dma_start3A_814 = arith.constant 2816 : i32
        %dma_start3A_815 = arith.constant 0 : i32
        %dma_start3A_816 = tpu.memref_slice %arg7[%dma_start3A_814, %dma_start3A_815] : memref<3200x16xf32, #tpu.memory_space<vmem>> -> memref<128x16xf32, #tpu.memory_space<vmem>>
        %dma_start3A_817 = arith.constant 0 : i32
        %dma_start3A_818 = tpu.memref_slice %arg5[%dma_start3A_813, %dma_start3A_817] : memref<25x128xi32, #tpu.memory_space<vmem>> -> memref<1x128xi32, #tpu.memory_space<vmem>>
        %dma_start3A_819 = tpu.memref_squeeze %dma_start3A_818 : memref<1x128xi32, #tpu.memory_space<vmem>> -> memref<128xi32, #tpu.memory_space<vmem>>
        %dma_start3A_820 = arith.constant 0 : i32
        %dma_start3A_821 = arith.constant 0 : i32
        %dma_start3A_822 = tpu.memref_slice %arg3[%dma_start3A_820, %dma_start3A_821] : memref<1048576x16xf32, #tpu.memory_space<hbm>> -> memref<1048576x16xf32, #tpu.memory_space<hbm>>
        tpu.enqueue_indirect_dma source(%dma_start3A_822 : memref<1048576x16xf32, #tpu.memory_space<hbm>>) target(%dma_start3A_816 : memref<128x16xf32, #tpu.memory_space<vmem>>) offsets(%dma_start3A_819 : memref<128xi32, #tpu.memory_space<vmem>>) semaphore(%arg12 : memref<!tpu.dma_semaphore, #tpu.memory_space<semaphore_mem>>)
        %dma_start3A_823 = arith.constant 23 : i32
        %dma_start3A_824 = arith.constant 2944 : i32
        %dma_start3A_825 = arith.constant 0 : i32
        %dma_start3A_826 = tpu.memref_slice %arg7[%dma_start3A_824, %dma_start3A_825] : memref<3200x16xf32, #tpu.memory_space<vmem>> -> memref<128x16xf32, #tpu.memory_space<vmem>>
        %dma_start3A_827 = arith.constant 0 : i32
        %dma_start3A_828 = tpu.memref_slice %arg5[%dma_start3A_823, %dma_start3A_827] : memref<25x128xi32, #tpu.memory_space<vmem>> -> memref<1x128xi32, #tpu.memory_space<vmem>>
        %dma_start3A_829 = tpu.memref_squeeze %dma_start3A_828 : memref<1x128xi32, #tpu.memory_space<vmem>> -> memref<128xi32, #tpu.memory_space<vmem>>
        %dma_start3A_830 = arith.constant 0 : i32
        %dma_start3A_831 = arith.constant 0 : i32
        %dma_start3A_832 = tpu.memref_slice %arg3[%dma_start3A_830, %dma_start3A_831] : memref<1048576x16xf32, #tpu.memory_space<hbm>> -> memref<1048576x16xf32, #tpu.memory_space<hbm>>
        tpu.enqueue_indirect_dma source(%dma_start3A_832 : memref<1048576x16xf32, #tpu.memory_space<hbm>>) target(%dma_start3A_826 : memref<128x16xf32, #tpu.memory_space<vmem>>) offsets(%dma_start3A_829 : memref<128xi32, #tpu.memory_space<vmem>>) semaphore(%arg12 : memref<!tpu.dma_semaphore, #tpu.memory_space<semaphore_mem>>)
        %dma_start3A_833 = arith.constant 24 : i32
        %dma_start3A_834 = arith.constant 3072 : i32
        %dma_start3A_835 = arith.constant 0 : i32
        %dma_start3A_836 = tpu.memref_slice %arg7[%dma_start3A_834, %dma_start3A_835] : memref<3200x16xf32, #tpu.memory_space<vmem>> -> memref<128x16xf32, #tpu.memory_space<vmem>>
        %dma_start3A_837 = arith.constant 0 : i32
        %dma_start3A_838 = tpu.memref_slice %arg5[%dma_start3A_833, %dma_start3A_837] : memref<25x128xi32, #tpu.memory_space<vmem>> -> memref<1x128xi32, #tpu.memory_space<vmem>>
        %dma_start3A_839 = tpu.memref_squeeze %dma_start3A_838 : memref<1x128xi32, #tpu.memory_space<vmem>> -> memref<128xi32, #tpu.memory_space<vmem>>
        %dma_start3A_840 = arith.constant 0 : i32
        %dma_start3A_841 = arith.constant 0 : i32
        %dma_start3A_842 = tpu.memref_slice %arg3[%dma_start3A_840, %dma_start3A_841] : memref<1048576x16xf32, #tpu.memory_space<hbm>> -> memref<1048576x16xf32, #tpu.memory_space<hbm>>
        tpu.enqueue_indirect_dma source(%dma_start3A_842 : memref<1048576x16xf32, #tpu.memory_space<hbm>>) target(%dma_start3A_836 : memref<128x16xf32, #tpu.memory_space<vmem>>) offsets(%dma_start3A_839 : memref<128xi32, #tpu.memory_space<vmem>>) semaphore(%arg12 : memref<!tpu.dma_semaphore, #tpu.memory_space<semaphore_mem>>)
        %mul3A_843 = arith.constant 2 : i32
        %mul3A_844 = arith.muli %mul3A_843, %scan3A_281 : i32
        %add3A_845 = arith.constant 3 : i32
        %add3A_846 = arith.addi %mul3A_844, %add3A_845 : i32
        %mul3A_847 = arith.constant 25 : i32
        %mul3A_848 = arith.muli %add3A_846, %mul3A_847 : i32
        %add3A_849 = arith.addi %mul3A_2, %mul3A_848 : i32
        %dma_start3A_850 = arith.constant 0 : i32
        %dma_start3A_851 = tpu.memref_slice %arg2[%add3A_849, %dma_start3A_850] : memref<25600x128xi32, #tpu.memory_space<hbm>> -> memref<25x128xi32, #tpu.memory_space<hbm>>
        %dma_start3A_852 = arith.constant 0 : i32
        %dma_start3A_853 = tpu.memref_slice %arg2[%add3A_849, %dma_start3A_852] : memref<25600x128xi32, #tpu.memory_space<hbm>> -> memref<25x128xi32, #tpu.memory_space<hbm>>
        tpu.enqueue_dma source(%dma_start3A_853 : memref<25x128xi32, #tpu.memory_space<hbm>>) target(%arg6 : memref<25x128xi32, #tpu.memory_space<vmem>>) target_semaphore(%arg11 : memref<!tpu.dma_semaphore, #tpu.memory_space<semaphore_mem>>)
      } else {
      }
      %dma_wait3A_570 = arith.constant 0 : i32
      %dma_wait3A_571 = arith.constant 0 : i32
      %dma_wait3A_572 = tpu.memref_slice %arg3[%dma_wait3A_570, %dma_wait3A_571] : memref<1048576x16xf32, #tpu.memory_space<hbm>> -> memref<3200x16xf32, #tpu.memory_space<hbm>>
      %dma_wait3A_573 = arith.constant 0 : i32
      %dma_wait3A_574 = arith.constant 0 : i32
      %dma_wait3A_575 = tpu.memref_slice %arg3[%dma_wait3A_573, %dma_wait3A_574] : memref<1048576x16xf32, #tpu.memory_space<hbm>> -> memref<3200x16xf32, #tpu.memory_space<hbm>>
      tpu.wait_dma2 semaphore(%arg13 : memref<!tpu.dma_semaphore, #tpu.memory_space<semaphore_mem>>) src(%dma_wait3A_575 : memref<3200x16xf32, #tpu.memory_space<hbm>>) dst(%arg8 : memref<3200x16xf32, #tpu.memory_space<vmem>>)
      %scan3A_576 = arith.constant 0 : i32
      %scan3A_577 = arith.constant 64 : i32
      %scan3A_578 = arith.addi %scan3A_576, %scan3A_577 : i32
      %scan3A_579 = arith.constant 1 : i32
      %scan3A_580:4 = scf.for %scan3A_582 = %scan3A_576 to %scan3A_578 step %scan3A_579 iter_args(%scan3A_583 = %scan3A_561#0, %scan3A_584 = %scan3A_561#1, %scan3A_585 = %scan3A_561#2, %scan3A_586 = %scan3A_561#3) -> (vector<16xf32>, vector<16xf32>, vector<16xf32>, vector<16xf32>)  : i32 {
        %add3A_587 = arith.constant 0 : i32
        %add3A_588 = arith.addi %add3A_587, %scan3A_582 : i32
        %get3A = arith.index_cast %add3A_588 : i32 to index
        %get3A_589 = arith.constant 0 : index
        %get3A_590 = tpu.vector_load %arg8[%get3A, %get3A_589] {strides = array<i32>} : memref<3200x16xf32, #tpu.memory_space<vmem>>, vector<1x16xf32>,
        %get3A_591 = vector.shape_cast %get3A_590 : vector<1x16xf32> to vector<16xf32>
        %add3A_592 = arith.addf %scan3A_583, %get3A_591 : vector<16xf32>
        %add3A_593 = arith.constant 64 : i32
        %add3A_594 = arith.addi %add3A_593, %scan3A_582 : i32
        %get3A_595 = arith.index_cast %add3A_594 : i32 to index
        %get3A_596 = arith.constant 0 : index
        %get3A_597 = tpu.vector_load %arg8[%get3A_595, %get3A_596] {strides = array<i32>} : memref<3200x16xf32, #tpu.memory_space<vmem>>, vector<1x16xf32>,
        %get3A_598 = vector.shape_cast %get3A_597 : vector<1x16xf32> to vector<16xf32>
        %add3A_599 = arith.addf %add3A_592, %get3A_598 : vector<16xf32>
        %add3A_600 = arith.constant 128 : i32
        %add3A_601 = arith.addi %add3A_600, %scan3A_582 : i32
        %get3A_602 = arith.index_cast %add3A_601 : i32 to index
        %get3A_603 = arith.constant 0 : index
        %get3A_604 = tpu.vector_load %arg8[%get3A_602, %get3A_603] {strides = array<i32>} : memref<3200x16xf32, #tpu.memory_space<vmem>>, vector<1x16xf32>,
        %get3A_605 = vector.shape_cast %get3A_604 : vector<1x16xf32> to vector<16xf32>
        %add3A_606 = arith.addf %scan3A_584, %get3A_605 : vector<16xf32>
        %add3A_607 = arith.constant 192 : i32
        %add3A_608 = arith.addi %add3A_607, %scan3A_582 : i32
        %get3A_609 = arith.index_cast %add3A_608 : i32 to index
        %get3A_610 = arith.constant 0 : index
        %get3A_611 = tpu.vector_load %arg8[%get3A_609, %get3A_610] {strides = array<i32>} : memref<3200x16xf32, #tpu.memory_space<vmem>>, vector<1x16xf32>,
        %get3A_612 = vector.shape_cast %get3A_611 : vector<1x16xf32> to vector<16xf32>
        %add3A_613 = arith.addf %add3A_606, %get3A_612 : vector<16xf32>
        %add3A_614 = arith.constant 256 : i32
        %add3A_615 = arith.addi %add3A_614, %scan3A_582 : i32
        %get3A_616 = arith.index_cast %add3A_615 : i32 to index
        %get3A_617 = arith.constant 0 : index
        %get3A_618 = tpu.vector_load %arg8[%get3A_616, %get3A_617] {strides = array<i32>} : memref<3200x16xf32, #tpu.memory_space<vmem>>, vector<1x16xf32>,
        %get3A_619 = vector.shape_cast %get3A_618 : vector<1x16xf32> to vector<16xf32>
        %add3A_620 = arith.addf %scan3A_585, %get3A_619 : vector<16xf32>
        %add3A_621 = arith.constant 320 : i32
        %add3A_622 = arith.addi %add3A_621, %scan3A_582 : i32
        %get3A_623 = arith.index_cast %add3A_622 : i32 to index
        %get3A_624 = arith.constant 0 : index
        %get3A_625 = tpu.vector_load %arg8[%get3A_623, %get3A_624] {strides = array<i32>} : memref<3200x16xf32, #tpu.memory_space<vmem>>, vector<1x16xf32>,
        %get3A_626 = vector.shape_cast %get3A_625 : vector<1x16xf32> to vector<16xf32>
        %add3A_627 = arith.addf %add3A_620, %get3A_626 : vector<16xf32>
        %add3A_628 = arith.constant 384 : i32
        %add3A_629 = arith.addi %add3A_628, %scan3A_582 : i32
        %get3A_630 = arith.index_cast %add3A_629 : i32 to index
        %get3A_631 = arith.constant 0 : index
        %get3A_632 = tpu.vector_load %arg8[%get3A_630, %get3A_631] {strides = array<i32>} : memref<3200x16xf32, #tpu.memory_space<vmem>>, vector<1x16xf32>,
        %get3A_633 = vector.shape_cast %get3A_632 : vector<1x16xf32> to vector<16xf32>
        %add3A_634 = arith.addf %scan3A_586, %get3A_633 : vector<16xf32>
        %add3A_635 = arith.constant 448 : i32
        %add3A_636 = arith.addi %add3A_635, %scan3A_582 : i32
        %get3A_637 = arith.index_cast %add3A_636 : i32 to index
        %get3A_638 = arith.constant 0 : index
        %get3A_639 = tpu.vector_load %arg8[%get3A_637, %get3A_638] {strides = array<i32>} : memref<3200x16xf32, #tpu.memory_space<vmem>>, vector<1x16xf32>,
        %get3A_640 = vector.shape_cast %get3A_639 : vector<1x16xf32> to vector<16xf32>
        %add3A_641 = arith.addf %add3A_634, %get3A_640 : vector<16xf32>
        %add3A_642 = arith.constant 512 : i32
        %add3A_643 = arith.addi %add3A_642, %scan3A_582 : i32
        %get3A_644 = arith.index_cast %add3A_643 : i32 to index
        %get3A_645 = arith.constant 0 : index
        %get3A_646 = tpu.vector_load %arg8[%get3A_644, %get3A_645] {strides = array<i32>} : memref<3200x16xf32, #tpu.memory_space<vmem>>, vector<1x16xf32>,
        %get3A_647 = vector.shape_cast %get3A_646 : vector<1x16xf32> to vector<16xf32>
        %add3A_648 = arith.addf %add3A_599, %get3A_647 : vector<16xf32>
        %add3A_649 = arith.constant 576 : i32
        %add3A_650 = arith.addi %add3A_649, %scan3A_582 : i32
        %get3A_651 = arith.index_cast %add3A_650 : i32 to index
        %get3A_652 = arith.constant 0 : index
        %get3A_653 = tpu.vector_load %arg8[%get3A_651, %get3A_652] {strides = array<i32>} : memref<3200x16xf32, #tpu.memory_space<vmem>>, vector<1x16xf32>,
        %get3A_654 = vector.shape_cast %get3A_653 : vector<1x16xf32> to vector<16xf32>
        %add3A_655 = arith.addf %add3A_648, %get3A_654 : vector<16xf32>
        %add3A_656 = arith.constant 640 : i32
        %add3A_657 = arith.addi %add3A_656, %scan3A_582 : i32
        %get3A_658 = arith.index_cast %add3A_657 : i32 to index
        %get3A_659 = arith.constant 0 : index
        %get3A_660 = tpu.vector_load %arg8[%get3A_658, %get3A_659] {strides = array<i32>} : memref<3200x16xf32, #tpu.memory_space<vmem>>, vector<1x16xf32>,
        %get3A_661 = vector.shape_cast %get3A_660 : vector<1x16xf32> to vector<16xf32>
        %add3A_662 = arith.addf %add3A_613, %get3A_661 : vector<16xf32>
        %add3A_663 = arith.constant 704 : i32
        %add3A_664 = arith.addi %add3A_663, %scan3A_582 : i32
        %get3A_665 = arith.index_cast %add3A_664 : i32 to index
        %get3A_666 = arith.constant 0 : index
        %get3A_667 = tpu.vector_load %arg8[%get3A_665, %get3A_666] {strides = array<i32>} : memref<3200x16xf32, #tpu.memory_space<vmem>>, vector<1x16xf32>,
        %get3A_668 = vector.shape_cast %get3A_667 : vector<1x16xf32> to vector<16xf32>
        %add3A_669 = arith.addf %add3A_662, %get3A_668 : vector<16xf32>
        %add3A_670 = arith.constant 768 : i32
        %add3A_671 = arith.addi %add3A_670, %scan3A_582 : i32
        %get3A_672 = arith.index_cast %add3A_671 : i32 to index
        %get3A_673 = arith.constant 0 : index
        %get3A_674 = tpu.vector_load %arg8[%get3A_672, %get3A_673] {strides = array<i32>} : memref<3200x16xf32, #tpu.memory_space<vmem>>, vector<1x16xf32>,
        %get3A_675 = vector.shape_cast %get3A_674 : vector<1x16xf32> to vector<16xf32>
        %add3A_676 = arith.addf %add3A_627, %get3A_675 : vector<16xf32>
        %add3A_677 = arith.constant 832 : i32
        %add3A_678 = arith.addi %add3A_677, %scan3A_582 : i32
        %get3A_679 = arith.index_cast %add3A_678 : i32 to index
        %get3A_680 = arith.constant 0 : index
        %get3A_681 = tpu.vector_load %arg8[%get3A_679, %get3A_680] {strides = array<i32>} : memref<3200x16xf32, #tpu.memory_space<vmem>>, vector<1x16xf32>,
        %get3A_682 = vector.shape_cast %get3A_681 : vector<1x16xf32> to vector<16xf32>
        %add3A_683 = arith.addf %add3A_676, %get3A_682 : vector<16xf32>
        %add3A_684 = arith.constant 896 : i32
        %add3A_685 = arith.addi %add3A_684, %scan3A_582 : i32
        %get3A_686 = arith.index_cast %add3A_685 : i32 to index
        %get3A_687 = arith.constant 0 : index
        %get3A_688 = tpu.vector_load %arg8[%get3A_686, %get3A_687] {strides = array<i32>} : memref<3200x16xf32, #tpu.memory_space<vmem>>, vector<1x16xf32>,
        %get3A_689 = vector.shape_cast %get3A_688 : vector<1x16xf32> to vector<16xf32>
        %add3A_690 = arith.addf %add3A_641, %get3A_689 : vector<16xf32>
        %add3A_691 = arith.constant 960 : i32
        %add3A_692 = arith.addi %add3A_691, %scan3A_582 : i32
        %get3A_693 = arith.index_cast %add3A_692 : i32 to index
        %get3A_694 = arith.constant 0 : index
        %get3A_695 = tpu.vector_load %arg8[%get3A_693, %get3A_694] {strides = array<i32>} : memref<3200x16xf32, #tpu.memory_space<vmem>>, vector<1x16xf32>,
        %get3A_696 = vector.shape_cast %get3A_695 : vector<1x16xf32> to vector<16xf32>
        %add3A_697 = arith.addf %add3A_690, %get3A_696 : vector<16xf32>
        %add3A_698 = arith.constant 1024 : i32
        %add3A_699 = arith.addi %add3A_698, %scan3A_582 : i32
        %get3A_700 = arith.index_cast %add3A_699 : i32 to index
        %get3A_701 = arith.constant 0 : index
        %get3A_702 = tpu.vector_load %arg8[%get3A_700, %get3A_701] {strides = array<i32>} : memref<3200x16xf32, #tpu.memory_space<vmem>>, vector<1x16xf32>,
        %get3A_703 = vector.shape_cast %get3A_702 : vector<1x16xf32> to vector<16xf32>
        %add3A_704 = arith.addf %add3A_655, %get3A_703 : vector<16xf32>
        %add3A_705 = arith.constant 1088 : i32
        %add3A_706 = arith.addi %add3A_705, %scan3A_582 : i32
        %get3A_707 = arith.index_cast %add3A_706 : i32 to index
        %get3A_708 = arith.constant 0 : index
        %get3A_709 = tpu.vector_load %arg8[%get3A_707, %get3A_708] {strides = array<i32>} : memref<3200x16xf32, #tpu.memory_space<vmem>>, vector<1x16xf32>,
        %get3A_710 = vector.shape_cast %get3A_709 : vector<1x16xf32> to vector<16xf32>
        %add3A_711 = arith.addf %add3A_704, %get3A_710 : vector<16xf32>
        %add3A_712 = arith.constant 1152 : i32
        %add3A_713 = arith.addi %add3A_712, %scan3A_582 : i32
        %get3A_714 = arith.index_cast %add3A_713 : i32 to index
        %get3A_715 = arith.constant 0 : index
        %get3A_716 = tpu.vector_load %arg8[%get3A_714, %get3A_715] {strides = array<i32>} : memref<3200x16xf32, #tpu.memory_space<vmem>>, vector<1x16xf32>,
        %get3A_717 = vector.shape_cast %get3A_716 : vector<1x16xf32> to vector<16xf32>
        %add3A_718 = arith.addf %add3A_669, %get3A_717 : vector<16xf32>
        %add3A_719 = arith.constant 1216 : i32
        %add3A_720 = arith.addi %add3A_719, %scan3A_582 : i32
        %get3A_721 = arith.index_cast %add3A_720 : i32 to index
        %get3A_722 = arith.constant 0 : index
        %get3A_723 = tpu.vector_load %arg8[%get3A_721, %get3A_722] {strides = array<i32>} : memref<3200x16xf32, #tpu.memory_space<vmem>>, vector<1x16xf32>,
        %get3A_724 = vector.shape_cast %get3A_723 : vector<1x16xf32> to vector<16xf32>
        %add3A_725 = arith.addf %add3A_718, %get3A_724 : vector<16xf32>
        %add3A_726 = arith.constant 1280 : i32
        %add3A_727 = arith.addi %add3A_726, %scan3A_582 : i32
        %get3A_728 = arith.index_cast %add3A_727 : i32 to index
        %get3A_729 = arith.constant 0 : index
        %get3A_730 = tpu.vector_load %arg8[%get3A_728, %get3A_729] {strides = array<i32>} : memref<3200x16xf32, #tpu.memory_space<vmem>>, vector<1x16xf32>,
        %get3A_731 = vector.shape_cast %get3A_730 : vector<1x16xf32> to vector<16xf32>
        %add3A_732 = arith.addf %add3A_683, %get3A_731 : vector<16xf32>
        %add3A_733 = arith.constant 1344 : i32
        %add3A_734 = arith.addi %add3A_733, %scan3A_582 : i32
        %get3A_735 = arith.index_cast %add3A_734 : i32 to index
        %get3A_736 = arith.constant 0 : index
        %get3A_737 = tpu.vector_load %arg8[%get3A_735, %get3A_736] {strides = array<i32>} : memref<3200x16xf32, #tpu.memory_space<vmem>>, vector<1x16xf32>,
        %get3A_738 = vector.shape_cast %get3A_737 : vector<1x16xf32> to vector<16xf32>
        %add3A_739 = arith.addf %add3A_732, %get3A_738 : vector<16xf32>
        %add3A_740 = arith.constant 1408 : i32
        %add3A_741 = arith.addi %add3A_740, %scan3A_582 : i32
        %get3A_742 = arith.index_cast %add3A_741 : i32 to index
        %get3A_743 = arith.constant 0 : index
        %get3A_744 = tpu.vector_load %arg8[%get3A_742, %get3A_743] {strides = array<i32>} : memref<3200x16xf32, #tpu.memory_space<vmem>>, vector<1x16xf32>,
        %get3A_745 = vector.shape_cast %get3A_744 : vector<1x16xf32> to vector<16xf32>
        %add3A_746 = arith.addf %add3A_697, %get3A_745 : vector<16xf32>
        %add3A_747 = arith.constant 1472 : i32
        %add3A_748 = arith.addi %add3A_747, %scan3A_582 : i32
        %get3A_749 = arith.index_cast %add3A_748 : i32 to index
        %get3A_750 = arith.constant 0 : index
        %get3A_751 = tpu.vector_load %arg8[%get3A_749, %get3A_750] {strides = array<i32>} : memref<3200x16xf32, #tpu.memory_space<vmem>>, vector<1x16xf32>,
        %get3A_752 = vector.shape_cast %get3A_751 : vector<1x16xf32> to vector<16xf32>
        %add3A_753 = arith.addf %add3A_746, %get3A_752 : vector<16xf32>
        %add3A_754 = arith.constant 1536 : i32
        %add3A_755 = arith.addi %add3A_754, %scan3A_582 : i32
        %get3A_756 = arith.index_cast %add3A_755 : i32 to index
        %get3A_757 = arith.constant 0 : index
        %get3A_758 = tpu.vector_load %arg8[%get3A_756, %get3A_757] {strides = array<i32>} : memref<3200x16xf32, #tpu.memory_space<vmem>>, vector<1x16xf32>,
        %get3A_759 = vector.shape_cast %get3A_758 : vector<1x16xf32> to vector<16xf32>
        %add3A_760 = arith.addf %add3A_711, %get3A_759 : vector<16xf32>
        %add3A_761 = arith.constant 1600 : i32
        %add3A_762 = arith.addi %add3A_761, %scan3A_582 : i32
        %get3A_763 = arith.index_cast %add3A_762 : i32 to index
        %get3A_764 = arith.constant 0 : index
        %get3A_765 = tpu.vector_load %arg8[%get3A_763, %get3A_764] {strides = array<i32>} : memref<3200x16xf32, #tpu.memory_space<vmem>>, vector<1x16xf32>,
        %get3A_766 = vector.shape_cast %get3A_765 : vector<1x16xf32> to vector<16xf32>
        %add3A_767 = arith.addf %add3A_760, %get3A_766 : vector<16xf32>
        %add3A_768 = arith.constant 1664 : i32
        %add3A_769 = arith.addi %add3A_768, %scan3A_582 : i32
        %get3A_770 = arith.index_cast %add3A_769 : i32 to index
        %get3A_771 = arith.constant 0 : index
        %get3A_772 = tpu.vector_load %arg8[%get3A_770, %get3A_771] {strides = array<i32>} : memref<3200x16xf32, #tpu.memory_space<vmem>>, vector<1x16xf32>,
        %get3A_773 = vector.shape_cast %get3A_772 : vector<1x16xf32> to vector<16xf32>
        %add3A_774 = arith.addf %add3A_725, %get3A_773 : vector<16xf32>
        %add3A_775 = arith.constant 1728 : i32
        %add3A_776 = arith.addi %add3A_775, %scan3A_582 : i32
        %get3A_777 = arith.index_cast %add3A_776 : i32 to index
        %get3A_778 = arith.constant 0 : index
        %get3A_779 = tpu.vector_load %arg8[%get3A_777, %get3A_778] {strides = array<i32>} : memref<3200x16xf32, #tpu.memory_space<vmem>>, vector<1x16xf32>,
        %get3A_780 = vector.shape_cast %get3A_779 : vector<1x16xf32> to vector<16xf32>
        %add3A_781 = arith.addf %add3A_774, %get3A_780 : vector<16xf32>
        %add3A_782 = arith.constant 1792 : i32
        %add3A_783 = arith.addi %add3A_782, %scan3A_582 : i32
        %get3A_784 = arith.index_cast %add3A_783 : i32 to index
        %get3A_785 = arith.constant 0 : index
        %get3A_786 = tpu.vector_load %arg8[%get3A_784, %get3A_785] {strides = array<i32>} : memref<3200x16xf32, #tpu.memory_space<vmem>>, vector<1x16xf32>,
        %get3A_787 = vector.shape_cast %get3A_786 : vector<1x16xf32> to vector<16xf32>
        %add3A_788 = arith.addf %add3A_739, %get3A_787 : vector<16xf32>
        %add3A_789 = arith.constant 1856 : i32
        %add3A_790 = arith.addi %add3A_789, %scan3A_582 : i32
        %get3A_791 = arith.index_cast %add3A_790 : i32 to index
        %get3A_792 = arith.constant 0 : index
        %get3A_793 = tpu.vector_load %arg8[%get3A_791, %get3A_792] {strides = array<i32>} : memref<3200x16xf32, #tpu.memory_space<vmem>>, vector<1x16xf32>,
        %get3A_794 = vector.shape_cast %get3A_793 : vector<1x16xf32> to vector<16xf32>
        %add3A_795 = arith.addf %add3A_788, %get3A_794 : vector<16xf32>
        %add3A_796 = arith.constant 1920 : i32
        %add3A_797 = arith.addi %add3A_796, %scan3A_582 : i32
        %get3A_798 = arith.index_cast %add3A_797 : i32 to index
        %get3A_799 = arith.constant 0 : index
        %get3A_800 = tpu.vector_load %arg8[%get3A_798, %get3A_799] {strides = array<i32>} : memref<3200x16xf32, #tpu.memory_space<vmem>>, vector<1x16xf32>,
        %get3A_801 = vector.shape_cast %get3A_800 : vector<1x16xf32> to vector<16xf32>
        %add3A_802 = arith.addf %add3A_753, %get3A_801 : vector<16xf32>
        %add3A_803 = arith.constant 1984 : i32
        %add3A_804 = arith.addi %add3A_803, %scan3A_582 : i32
        %get3A_805 = arith.index_cast %add3A_804 : i32 to index
        %get3A_806 = arith.constant 0 : index
        %get3A_807 = tpu.vector_load %arg8[%get3A_805, %get3A_806] {strides = array<i32>} : memref<3200x16xf32, #tpu.memory_space<vmem>>, vector<1x16xf32>,
        %get3A_808 = vector.shape_cast %get3A_807 : vector<1x16xf32> to vector<16xf32>
        %add3A_809 = arith.addf %add3A_802, %get3A_808 : vector<16xf32>
        %add3A_810 = arith.constant 2048 : i32
        %add3A_811 = arith.addi %add3A_810, %scan3A_582 : i32
        %get3A_812 = arith.index_cast %add3A_811 : i32 to index
        %get3A_813 = arith.constant 0 : index
        %get3A_814 = tpu.vector_load %arg8[%get3A_812, %get3A_813] {strides = array<i32>} : memref<3200x16xf32, #tpu.memory_space<vmem>>, vector<1x16xf32>,
        %get3A_815 = vector.shape_cast %get3A_814 : vector<1x16xf32> to vector<16xf32>
        %add3A_816 = arith.addf %add3A_767, %get3A_815 : vector<16xf32>
        %add3A_817 = arith.constant 2112 : i32
        %add3A_818 = arith.addi %add3A_817, %scan3A_582 : i32
        %get3A_819 = arith.index_cast %add3A_818 : i32 to index
        %get3A_820 = arith.constant 0 : index
        %get3A_821 = tpu.vector_load %arg8[%get3A_819, %get3A_820] {strides = array<i32>} : memref<3200x16xf32, #tpu.memory_space<vmem>>, vector<1x16xf32>,
        %get3A_822 = vector.shape_cast %get3A_821 : vector<1x16xf32> to vector<16xf32>
        %add3A_823 = arith.addf %add3A_816, %get3A_822 : vector<16xf32>
        %add3A_824 = arith.constant 2176 : i32
        %add3A_825 = arith.addi %add3A_824, %scan3A_582 : i32
        %get3A_826 = arith.index_cast %add3A_825 : i32 to index
        %get3A_827 = arith.constant 0 : index
        %get3A_828 = tpu.vector_load %arg8[%get3A_826, %get3A_827] {strides = array<i32>} : memref<3200x16xf32, #tpu.memory_space<vmem>>, vector<1x16xf32>,
        %get3A_829 = vector.shape_cast %get3A_828 : vector<1x16xf32> to vector<16xf32>
        %add3A_830 = arith.addf %add3A_781, %get3A_829 : vector<16xf32>
        %add3A_831 = arith.constant 2240 : i32
        %add3A_832 = arith.addi %add3A_831, %scan3A_582 : i32
        %get3A_833 = arith.index_cast %add3A_832 : i32 to index
        %get3A_834 = arith.constant 0 : index
        %get3A_835 = tpu.vector_load %arg8[%get3A_833, %get3A_834] {strides = array<i32>} : memref<3200x16xf32, #tpu.memory_space<vmem>>, vector<1x16xf32>,
        %get3A_836 = vector.shape_cast %get3A_835 : vector<1x16xf32> to vector<16xf32>
        %add3A_837 = arith.addf %add3A_830, %get3A_836 : vector<16xf32>
        %add3A_838 = arith.constant 2304 : i32
        %add3A_839 = arith.addi %add3A_838, %scan3A_582 : i32
        %get3A_840 = arith.index_cast %add3A_839 : i32 to index
        %get3A_841 = arith.constant 0 : index
        %get3A_842 = tpu.vector_load %arg8[%get3A_840, %get3A_841] {strides = array<i32>} : memref<3200x16xf32, #tpu.memory_space<vmem>>, vector<1x16xf32>,
        %get3A_843 = vector.shape_cast %get3A_842 : vector<1x16xf32> to vector<16xf32>
        %add3A_844 = arith.addf %add3A_795, %get3A_843 : vector<16xf32>
        %add3A_845 = arith.constant 2368 : i32
        %add3A_846 = arith.addi %add3A_845, %scan3A_582 : i32
        %get3A_847 = arith.index_cast %add3A_846 : i32 to index
        %get3A_848 = arith.constant 0 : index
        %get3A_849 = tpu.vector_load %arg8[%get3A_847, %get3A_848] {strides = array<i32>} : memref<3200x16xf32, #tpu.memory_space<vmem>>, vector<1x16xf32>,
        %get3A_850 = vector.shape_cast %get3A_849 : vector<1x16xf32> to vector<16xf32>
        %add3A_851 = arith.addf %add3A_844, %get3A_850 : vector<16xf32>
        %add3A_852 = arith.constant 2432 : i32
        %add3A_853 = arith.addi %add3A_852, %scan3A_582 : i32
        %get3A_854 = arith.index_cast %add3A_853 : i32 to index
        %get3A_855 = arith.constant 0 : index
        %get3A_856 = tpu.vector_load %arg8[%get3A_854, %get3A_855] {strides = array<i32>} : memref<3200x16xf32, #tpu.memory_space<vmem>>, vector<1x16xf32>,
        %get3A_857 = vector.shape_cast %get3A_856 : vector<1x16xf32> to vector<16xf32>
        %add3A_858 = arith.addf %add3A_809, %get3A_857 : vector<16xf32>
        %add3A_859 = arith.constant 2496 : i32
        %add3A_860 = arith.addi %add3A_859, %scan3A_582 : i32
        %get3A_861 = arith.index_cast %add3A_860 : i32 to index
        %get3A_862 = arith.constant 0 : index
        %get3A_863 = tpu.vector_load %arg8[%get3A_861, %get3A_862] {strides = array<i32>} : memref<3200x16xf32, #tpu.memory_space<vmem>>, vector<1x16xf32>,
        %get3A_864 = vector.shape_cast %get3A_863 : vector<1x16xf32> to vector<16xf32>
        %add3A_865 = arith.addf %add3A_858, %get3A_864 : vector<16xf32>
        %add3A_866 = arith.constant 2560 : i32
        %add3A_867 = arith.addi %add3A_866, %scan3A_582 : i32
        %get3A_868 = arith.index_cast %add3A_867 : i32 to index
        %get3A_869 = arith.constant 0 : index
        %get3A_870 = tpu.vector_load %arg8[%get3A_868, %get3A_869] {strides = array<i32>} : memref<3200x16xf32, #tpu.memory_space<vmem>>, vector<1x16xf32>,
        %get3A_871 = vector.shape_cast %get3A_870 : vector<1x16xf32> to vector<16xf32>
        %add3A_872 = arith.addf %add3A_823, %get3A_871 : vector<16xf32>
        %add3A_873 = arith.constant 2624 : i32
        %add3A_874 = arith.addi %add3A_873, %scan3A_582 : i32
        %get3A_875 = arith.index_cast %add3A_874 : i32 to index
        %get3A_876 = arith.constant 0 : index
        %get3A_877 = tpu.vector_load %arg8[%get3A_875, %get3A_876] {strides = array<i32>} : memref<3200x16xf32, #tpu.memory_space<vmem>>, vector<1x16xf32>,
        %get3A_878 = vector.shape_cast %get3A_877 : vector<1x16xf32> to vector<16xf32>
        %add3A_879 = arith.addf %add3A_872, %get3A_878 : vector<16xf32>
        %add3A_880 = arith.constant 2688 : i32
        %add3A_881 = arith.addi %add3A_880, %scan3A_582 : i32
        %get3A_882 = arith.index_cast %add3A_881 : i32 to index
        %get3A_883 = arith.constant 0 : index
        %get3A_884 = tpu.vector_load %arg8[%get3A_882, %get3A_883] {strides = array<i32>} : memref<3200x16xf32, #tpu.memory_space<vmem>>, vector<1x16xf32>,
        %get3A_885 = vector.shape_cast %get3A_884 : vector<1x16xf32> to vector<16xf32>
        %add3A_886 = arith.addf %add3A_837, %get3A_885 : vector<16xf32>
        %add3A_887 = arith.constant 2752 : i32
        %add3A_888 = arith.addi %add3A_887, %scan3A_582 : i32
        %get3A_889 = arith.index_cast %add3A_888 : i32 to index
        %get3A_890 = arith.constant 0 : index
        %get3A_891 = tpu.vector_load %arg8[%get3A_889, %get3A_890] {strides = array<i32>} : memref<3200x16xf32, #tpu.memory_space<vmem>>, vector<1x16xf32>,
        %get3A_892 = vector.shape_cast %get3A_891 : vector<1x16xf32> to vector<16xf32>
        %add3A_893 = arith.addf %add3A_886, %get3A_892 : vector<16xf32>
        %add3A_894 = arith.constant 2816 : i32
        %add3A_895 = arith.addi %add3A_894, %scan3A_582 : i32
        %get3A_896 = arith.index_cast %add3A_895 : i32 to index
        %get3A_897 = arith.constant 0 : index
        %get3A_898 = tpu.vector_load %arg8[%get3A_896, %get3A_897] {strides = array<i32>} : memref<3200x16xf32, #tpu.memory_space<vmem>>, vector<1x16xf32>,
        %get3A_899 = vector.shape_cast %get3A_898 : vector<1x16xf32> to vector<16xf32>
        %add3A_900 = arith.addf %add3A_851, %get3A_899 : vector<16xf32>
        %add3A_901 = arith.constant 2880 : i32
        %add3A_902 = arith.addi %add3A_901, %scan3A_582 : i32
        %get3A_903 = arith.index_cast %add3A_902 : i32 to index
        %get3A_904 = arith.constant 0 : index
        %get3A_905 = tpu.vector_load %arg8[%get3A_903, %get3A_904] {strides = array<i32>} : memref<3200x16xf32, #tpu.memory_space<vmem>>, vector<1x16xf32>,
        %get3A_906 = vector.shape_cast %get3A_905 : vector<1x16xf32> to vector<16xf32>
        %add3A_907 = arith.addf %add3A_900, %get3A_906 : vector<16xf32>
        %add3A_908 = arith.constant 2944 : i32
        %add3A_909 = arith.addi %add3A_908, %scan3A_582 : i32
        %get3A_910 = arith.index_cast %add3A_909 : i32 to index
        %get3A_911 = arith.constant 0 : index
        %get3A_912 = tpu.vector_load %arg8[%get3A_910, %get3A_911] {strides = array<i32>} : memref<3200x16xf32, #tpu.memory_space<vmem>>, vector<1x16xf32>,
        %get3A_913 = vector.shape_cast %get3A_912 : vector<1x16xf32> to vector<16xf32>
        %add3A_914 = arith.addf %add3A_865, %get3A_913 : vector<16xf32>
        %add3A_915 = arith.constant 3008 : i32
        %add3A_916 = arith.addi %add3A_915, %scan3A_582 : i32
        %get3A_917 = arith.index_cast %add3A_916 : i32 to index
        %get3A_918 = arith.constant 0 : index
        %get3A_919 = tpu.vector_load %arg8[%get3A_917, %get3A_918] {strides = array<i32>} : memref<3200x16xf32, #tpu.memory_space<vmem>>, vector<1x16xf32>,
        %get3A_920 = vector.shape_cast %get3A_919 : vector<1x16xf32> to vector<16xf32>
        %add3A_921 = arith.addf %add3A_914, %get3A_920 : vector<16xf32>
        %add3A_922 = arith.constant 3072 : i32
        %add3A_923 = arith.addi %add3A_922, %scan3A_582 : i32
        %get3A_924 = arith.index_cast %add3A_923 : i32 to index
        %get3A_925 = arith.constant 0 : index
        %get3A_926 = tpu.vector_load %arg8[%get3A_924, %get3A_925] {strides = array<i32>} : memref<3200x16xf32, #tpu.memory_space<vmem>>, vector<1x16xf32>,
        %get3A_927 = vector.shape_cast %get3A_926 : vector<1x16xf32> to vector<16xf32>
        %add3A_928 = arith.addf %add3A_879, %get3A_927 : vector<16xf32>
        %add3A_929 = arith.constant 3136 : i32
        %add3A_930 = arith.addi %add3A_929, %scan3A_582 : i32
        %get3A_931 = arith.index_cast %add3A_930 : i32 to index
        %get3A_932 = arith.constant 0 : index
        %get3A_933 = tpu.vector_load %arg8[%get3A_931, %get3A_932] {strides = array<i32>} : memref<3200x16xf32, #tpu.memory_space<vmem>>, vector<1x16xf32>,
        %get3A_934 = vector.shape_cast %get3A_933 : vector<1x16xf32> to vector<16xf32>
        %add3A_935 = arith.addf %add3A_928, %get3A_934 : vector<16xf32>
        scf.yield %add3A_935, %add3A_893, %add3A_907, %add3A_921 : vector<16xf32>, vector<16xf32>, vector<16xf32>, vector<16xf32>
      }
      %scan3A_581 = arith.constant 64 : i32
      scf.yield %scan3A_580#0, %scan3A_580#1, %scan3A_580#2, %scan3A_580#3 : vector<16xf32>, vector<16xf32>, vector<16xf32>, vector<16xf32>
    }
    %scan3A_274 = arith.constant 16 : i32
    %add3A_275 = arith.addf %scan3A_273#0, %scan3A_273#1 : vector<16xf32>
    %add3A_276 = arith.addf %scan3A_273#2, %scan3A_273#3 : vector<16xf32>
    %add3A_277 = arith.addf %add3A_275, %add3A_276 : vector<16xf32>
    %swap3A = arith.constant 0 : index
    %swap3A_278 = tpu.vector_load %arg9[%swap3A] {strides = array<i32>} : memref<16xf32, #tpu.memory_space<vmem>>, vector<16xf32>,
    %swap3A_279 = vector.shape_cast %swap3A_278 : vector<16xf32> to vector<16xf32>
    %swap3A_280 = vector.shape_cast %add3A_277 : vector<16xf32> to vector<16xf32>
    tpu.vector_store %arg9[%swap3A], %swap3A_280 {strides = array<i32>} : memref<16xf32, #tpu.memory_space<vmem>>, vector<16xf32>,
    "tpu.region"() ({
      %run_scoped3A = tpu.sem_alloc : memref<!tpu.dma_semaphore, #tpu.memory_space<semaphore_mem>>
      %dma_start3A_281 = arith.constant 0 : i32
      %dma_start3A_282 = tpu.memref_slice %arg4[%add3A, %dma_start3A_281] : memref<32x16xf32, #tpu.memory_space<hbm>> -> memref<1x16xf32, #tpu.memory_space<hbm>>
      %dma_start3A_283 = tpu.memref_squeeze %dma_start3A_282 : memref<1x16xf32, #tpu.memory_space<hbm>> -> memref<16xf32, #tpu.memory_space<hbm>>
      %dma_start3A_284 = arith.constant 0 : i32
      %dma_start3A_285 = tpu.memref_slice %arg4[%add3A, %dma_start3A_284] : memref<32x16xf32, #tpu.memory_space<hbm>> -> memref<1x16xf32, #tpu.memory_space<hbm>>
      %dma_start3A_286 = tpu.memref_squeeze %dma_start3A_285 : memref<1x16xf32, #tpu.memory_space<hbm>> -> memref<16xf32, #tpu.memory_space<hbm>>
      tpu.enqueue_dma source(%arg9 : memref<16xf32, #tpu.memory_space<vmem>>) target(%dma_start3A_286 : memref<16xf32, #tpu.memory_space<hbm>>) target_semaphore(%run_scoped3A : memref<!tpu.dma_semaphore, #tpu.memory_space<semaphore_mem>>)
      %dma_wait3A_287 = arith.constant 0 : i32
      %dma_wait3A_288 = tpu.memref_slice %arg4[%add3A, %dma_wait3A_287] : memref<32x16xf32, #tpu.memory_space<hbm>> -> memref<1x16xf32, #tpu.memory_space<hbm>>
      %dma_wait3A_289 = tpu.memref_squeeze %dma_wait3A_288 : memref<1x16xf32, #tpu.memory_space<hbm>> -> memref<16xf32, #tpu.memory_space<hbm>>
      %dma_wait3A_290 = arith.constant 0 : i32
      %dma_wait3A_291 = tpu.memref_slice %arg4[%add3A, %dma_wait3A_290] : memref<32x16xf32, #tpu.memory_space<hbm>> -> memref<1x16xf32, #tpu.memory_space<hbm>>
      %dma_wait3A_292 = tpu.memref_squeeze %dma_wait3A_291 : memref<1x16xf32, #tpu.memory_space<hbm>> -> memref<16xf32, #tpu.memory_space<hbm>>
      tpu.wait_dma2 semaphore(%run_scoped3A : memref<!tpu.dma_semaphore, #tpu.memory_space<semaphore_mem>>) src(%arg9 : memref<16xf32, #tpu.memory_space<vmem>>) dst(%dma_wait3A_292 : memref<16xf32, #tpu.memory_space<hbm>>)
      tpu.yield
    }) : () -> ()
    return
  }
}

module attributes {stable_mosaic.version = 14 : i64} {
  func.func @_tp_body(%arg0: i32, %arg1: memref<16x4096xf32, #tpu.memory_space<vmem>>, %arg2: memref<16x4096xf32, #tpu.memory_space<vmem>>, %arg3: memref<16x4096xf32, #tpu.memory_space<vmem>>, %arg4: memref<16x4096xf32, #tpu.memory_space<vmem>>, %arg5: memref<16x4096xf32, #tpu.memory_space<vmem>>, %arg6: memref<16x4096xf32, #tpu.memory_space<vmem>>, %arg7: memref<16x4096xf32, #tpu.memory_space<vmem>>, %arg8: memref<16x4096xf32, #tpu.memory_space<vmem>>, %arg9: memref<4096x128xf32, #tpu.memory_space<vmem>>) attributes {dimension_semantics = [#tpu.dimension_semantics<arbitrary>], iteration_bounds = array<i64: 32>, scalar_prefetch = 0 : i64, scratch_operands = 0 : i64, tpu.core_type = #tpu.core_type<tc>, window_params = [{transform_indices = @transform_0, window_bounds = array<i64: 16, 4096>}, {transform_indices = @transform_1, window_bounds = array<i64: 16, 4096>}, {transform_indices = @transform_2, window_bounds = array<i64: 16, 4096>}, {transform_indices = @transform_3, window_bounds = array<i64: 16, 4096>}, {transform_indices = @transform_4, window_bounds = array<i64: 16, 4096>}, {transform_indices = @transform_5, window_bounds = array<i64: 16, 4096>}, {transform_indices = @transform_6, window_bounds = array<i64: 16, 4096>}, {transform_indices = @transform_7, window_bounds = array<i64: 16, 4096>}, {transform_indices = @transform_8, window_bounds = array<i64: 4096, 128>}]} {
    %get3A = arith.constant 0 : index
    %get3A_0 = arith.constant 0 : index
    %get3A_1 = vector.load %arg1[%get3A, %get3A_0] : memref<16x4096xf32, #tpu.memory_space<vmem>>, vector<16x4096xf32>
    %get3A_2 = arith.constant 0 : index
    %get3A_3 = arith.constant 0 : index
    %get3A_4 = vector.load %arg2[%get3A_2, %get3A_3] : memref<16x4096xf32, #tpu.memory_space<vmem>>, vector<16x4096xf32>
    %get3A_5 = arith.constant 0 : index
    %get3A_6 = arith.constant 0 : index
    %get3A_7 = vector.load %arg3[%get3A_5, %get3A_6] : memref<16x4096xf32, #tpu.memory_space<vmem>>, vector<16x4096xf32>
    %get3A_8 = arith.constant 0 : index
    %get3A_9 = arith.constant 0 : index
    %get3A_10 = vector.load %arg4[%get3A_8, %get3A_9] : memref<16x4096xf32, #tpu.memory_space<vmem>>, vector<16x4096xf32>
    %get3A_11 = arith.constant 0 : index
    %get3A_12 = arith.constant 0 : index
    %get3A_13 = vector.load %arg5[%get3A_11, %get3A_12] : memref<16x4096xf32, #tpu.memory_space<vmem>>, vector<16x4096xf32>
    %get3A_14 = arith.constant 0 : index
    %get3A_15 = arith.constant 0 : index
    %get3A_16 = vector.load %arg6[%get3A_14, %get3A_15] : memref<16x4096xf32, #tpu.memory_space<vmem>>, vector<16x4096xf32>
    %get3A_17 = arith.constant 0 : index
    %get3A_18 = arith.constant 0 : index
    %get3A_19 = vector.load %arg7[%get3A_17, %get3A_18] : memref<16x4096xf32, #tpu.memory_space<vmem>>, vector<16x4096xf32>
    %get3A_20 = arith.constant 0 : index
    %get3A_21 = arith.constant 0 : index
    %get3A_22 = vector.load %arg8[%get3A_20, %get3A_21] : memref<16x4096xf32, #tpu.memory_space<vmem>>, vector<16x4096xf32>
    %concatenate3A = tpu.concatenate %get3A_1, %get3A_4, %get3A_7, %get3A_10, %get3A_13, %get3A_16, %get3A_19, %get3A_22 in 0 : vector<16x4096xf32>, vector<16x4096xf32>, vector<16x4096xf32>, vector<16x4096xf32>, vector<16x4096xf32>, vector<16x4096xf32>, vector<16x4096xf32>, vector<16x4096xf32> -> vector<128x4096xf32>
    %iota3A = tpu.iota {dimensions = array<i32: 0>} : vector<128x128xi32>
    %iota3A_23 = tpu.iota {dimensions = array<i32: 1>} : vector<128x128xi32>
    %add3A = arith.constant 0 : i32
    %add3A_24 = vector.broadcast %add3A : i32 to vector<128x128xi32>
    %add3A_25 = arith.addi %iota3A, %add3A_24 : vector<128x128xi32>
    %eq3A = arith.cmpi eq, %add3A_25, %iota3A_23 : vector<128x128xi32>
    %convert_element_type3A = arith.extui %eq3A : vector<128x128xi1> to vector<128x128xi32>
    %convert_element_type3A_26 = arith.sitofp %convert_element_type3A : vector<128x128xi32> to vector<128x128xf32>
    %dot_general3A = arith.constant dense<0.000000e+00> : vector<4096x128xf32>
    %dot_general3A_27 = tpu.matmul %concatenate3A, %convert_element_type3A_26, %dot_general3A {dimension_numbers = #tpu.dot_dimension_numbers<[0], [0], [1], [1], [0, 1, 1, 1], [], []>, transpose_lhs_hint = true} : vector<128x4096xf32>, vector<128x128xf32>, vector<4096x128xf32> -> vector<4096x128xf32>
    %swap3A = arith.constant 0 : index
    %swap3A_28 = arith.constant 0 : index
    %swap3A_29 = vector.load %arg9[%swap3A, %swap3A_28] : memref<4096x128xf32, #tpu.memory_space<vmem>>, vector<4096x128xf32>
    tpu.vector_store %arg9[%swap3A, %swap3A_28], %dot_general3A_27 {strides = array<i32>} : memref<4096x128xf32, #tpu.memory_space<vmem>>, vector<4096x128xf32>,
    return
  }
  func.func @transform_0(%arg0: i32) -> (i32, i32) {
    %mul3A = arith.constant 8 : i32
    %mul3A_0 = arith.muli %mul3A, %arg0 : i32
    %add3A = arith.constant 0 : i32
    %add3A_1 = arith.addi %mul3A_0, %add3A : i32
    %c0_i32 = arith.constant 0 : i32
    %c0_i32_2 = arith.constant 0 : i32
    return %c0_i32, %add3A_1 : i32, i32
  }
  func.func @transform_1(%arg0: i32) -> (i32, i32) {
    %mul3A = arith.constant 8 : i32
    %mul3A_0 = arith.muli %mul3A, %arg0 : i32
    %add3A = arith.constant 1 : i32
    %add3A_1 = arith.addi %mul3A_0, %add3A : i32
    %c0_i32 = arith.constant 0 : i32
    %c0_i32_2 = arith.constant 0 : i32
    return %c0_i32, %add3A_1 : i32, i32
  }
  func.func @transform_2(%arg0: i32) -> (i32, i32) {
    %mul3A = arith.constant 8 : i32
    %mul3A_0 = arith.muli %mul3A, %arg0 : i32
    %add3A = arith.constant 2 : i32
    %add3A_1 = arith.addi %mul3A_0, %add3A : i32
    %c0_i32 = arith.constant 0 : i32
    %c0_i32_2 = arith.constant 0 : i32
    return %c0_i32, %add3A_1 : i32, i32
  }
  func.func @transform_3(%arg0: i32) -> (i32, i32) {
    %mul3A = arith.constant 8 : i32
    %mul3A_0 = arith.muli %mul3A, %arg0 : i32
    %add3A = arith.constant 3 : i32
    %add3A_1 = arith.addi %mul3A_0, %add3A : i32
    %c0_i32 = arith.constant 0 : i32
    %c0_i32_2 = arith.constant 0 : i32
    return %c0_i32, %add3A_1 : i32, i32
  }
  func.func @transform_4(%arg0: i32) -> (i32, i32) {
    %mul3A = arith.constant 8 : i32
    %mul3A_0 = arith.muli %mul3A, %arg0 : i32
    %add3A = arith.constant 4 : i32
    %add3A_1 = arith.addi %mul3A_0, %add3A : i32
    %c0_i32 = arith.constant 0 : i32
    %c0_i32_2 = arith.constant 0 : i32
    return %c0_i32, %add3A_1 : i32, i32
  }
  func.func @transform_5(%arg0: i32) -> (i32, i32) {
    %mul3A = arith.constant 8 : i32
    %mul3A_0 = arith.muli %mul3A, %arg0 : i32
    %add3A = arith.constant 5 : i32
    %add3A_1 = arith.addi %mul3A_0, %add3A : i32
    %c0_i32 = arith.constant 0 : i32
    %c0_i32_2 = arith.constant 0 : i32
    return %c0_i32, %add3A_1 : i32, i32
  }
  func.func @transform_6(%arg0: i32) -> (i32, i32) {
    %mul3A = arith.constant 8 : i32
    %mul3A_0 = arith.muli %mul3A, %arg0 : i32
    %add3A = arith.constant 6 : i32
    %add3A_1 = arith.addi %mul3A_0, %add3A : i32
    %c0_i32 = arith.constant 0 : i32
    %c0_i32_2 = arith.constant 0 : i32
    return %c0_i32, %add3A_1 : i32, i32
  }
  func.func @transform_7(%arg0: i32) -> (i32, i32) {
    %mul3A = arith.constant 8 : i32
    %mul3A_0 = arith.muli %mul3A, %arg0 : i32
    %add3A = arith.constant 7 : i32
    %add3A_1 = arith.addi %mul3A_0, %add3A : i32
    %c0_i32 = arith.constant 0 : i32
    %c0_i32_2 = arith.constant 0 : i32
    return %c0_i32, %add3A_1 : i32, i32
  }
  func.func @transform_8(%arg0: i32) -> (i32, i32) {
    %c0_i32 = arith.constant 0 : i32
    %c0_i32_0 = arith.constant 0 : i32
    return %arg0, %c0_i32 : i32, i32
  }
}

module attributes {stable_mosaic.version = 14 : i64} {
  func.func @body(%arg0: memref<32x16xf32, #tpu.memory_space<vmem>>, %arg1: memref<100x16xf32, #tpu.memory_space<vmem>>, %arg2: memref<1x100xf32, #tpu.memory_space<vmem>>, %arg3: memref<1x100xf32, #tpu.memory_space<vmem>>) attributes {dimension_semantics = [], scalar_prefetch = 0 : i64, scratch_operands = 0 : i64, tpu.core_type = #tpu.core_type<tc>} {
    %get3A = arith.constant 0 : index
    %get3A_0 = arith.constant 0 : index
    %get3A_1 = vector.load %arg0[%get3A, %get3A_0] : memref<32x16xf32, #tpu.memory_space<vmem>>, vector<32x16xf32>
    %reduce_sum3A = arith.constant dense<0.000000e+00> : vector<16xf32>
    %reduce_sum3A_2 = vector.multi_reduction <add>, %get3A_1, %reduce_sum3A [0] : vector<32x16xf32> to vector<16xf32>
    %broadcast_in_dim3A = vector.shape_cast %reduce_sum3A_2 : vector<16xf32> to vector<1x16xf32>
    %mul3A = arith.constant 3.05175774E-7 : f32
    %mul3A_3 = vector.broadcast %mul3A : f32 to vector<1x16xf32>
    %mul3A_4 = arith.mulf %broadcast_in_dim3A, %mul3A_3 : vector<1x16xf32>
    %get3A_5 = arith.constant 0 : index
    %get3A_6 = arith.constant 0 : index
    %get3A_7 = vector.load %arg1[%get3A_5, %get3A_6] : memref<100x16xf32, #tpu.memory_space<vmem>>, vector<100x16xf32>
    %dot_general3A = arith.constant dense<0.000000e+00> : vector<1x100xf32>
    %dot_general3A_8 = tpu.matmul %mul3A_4, %get3A_7, %dot_general3A {dimension_numbers = #tpu.dot_dimension_numbers<[1], [1], [0], [0], [0, 0, 1, 0], [], []>, transpose_lhs_hint = false} : vector<1x16xf32>, vector<100x16xf32>, vector<1x100xf32> -> vector<1x100xf32>
    %get3A_9 = arith.constant 0 : index
    %get3A_10 = arith.constant 0 : index
    %get3A_11 = vector.load %arg2[%get3A_9, %get3A_10] : memref<1x100xf32, #tpu.memory_space<vmem>>, vector<1x100xf32>
    %add3A = arith.addf %dot_general3A_8, %get3A_11 : vector<1x100xf32>
    %swap3A = arith.constant 0 : index
    %swap3A_12 = arith.constant 0 : index
    %swap3A_13 = vector.load %arg3[%swap3A, %swap3A_12] : memref<1x100xf32, #tpu.memory_space<vmem>>, vector<1x100xf32>
    tpu.vector_store %arg3[%swap3A, %swap3A_12], %add3A {strides = array<i32>} : memref<1x100xf32, #tpu.memory_space<vmem>>, vector<1x100xf32>,
    return
  }
}

</mosaic_0001>

<sc_bundles>
// kernel: kernel.5.cloned.1.call-start
scs
__scs_entry_jumppad:
0x0: {  	(pc) =	sbr.rel $0x88, $3  }
0x1: {  	(tag) =	ssettag $0x0;
	lr =	simm.s32 $0x1  }
0x2: {  	[smem:$0x3F9D] =	sst lr;
	_ =	strace $0xD0000000  }
0x3: {  	_ = 	snop  }
0x4: {  	_ = 	snop  }
0x5: {  	_ = 	snop  }
0x6: {  	_ = 	snop  }
0x7: {  	_ = 	snop  }
__scs_overlays_trampoline_lowered:
0x8: {  	[smem:$0x3FAC] =	sst s0  }
0x9: {  	[smem:$0x3FAD] =	sst s1  }
0xa: {  	[smem:$0x3FAE] =	sst s2  }
0xb: {  	[smem:$0x3FAF] =	sst s3  }
0xc: {  	[smem:$0x3FB0] =	sst s4  }
0xd: {  	[smem:$0x3FB1] =	sst s5  }
0xe: {  	[smem:$0x3FB2] =	sst s6  }
0xf: {  	[smem:$0x3FB3] =	sst s7  }
0x10: {  	[smem:$0x3FB4] =	sst s8  }
0x11: {  	[smem:$0x3FB5] =	sst s9;
	s0 =	simm.s32 @!p0 $0x0  }
0x12: {  	s1 =	sld [smem:$0x3F9B];
	s0 =	simm.s32 @p0 $0x1  }
0x13: {  	[smem:$0x3FB6] =	sst s0;
	s0 =	simm.s32 @!p1 $0x0  }
0x14: {  	s2 =	sld [smem:$0x3F9A];
	s0 =	simm.s32 @p1 $0x1  }
0x15: {  	[smem:$0x3FB7] =	sst s0;
	s0 =	simm.s32 @!p2 $0x0  }
0x16: {  	s3 =	sld [smem:$0x3FDB];
	s0 =	simm.s32 @p2 $0x1  }
0x17: {  	s4 =	simm.s32 $0x1BF5;
	[smem:$0x3FB9] =	sst s0  }
0x18: {  	s0 =	sld [smem:$0x3F9C];
	_ =	swait.ge [sflag:s4], $0x0  }
0x19: {  	s7 =	sld [smem:$0x3F9D]  }
0x1a: {  	s8 =	sadd.s32 $0xFFFFE003, lr  }
0x1b: {  	s9 =	sadd.s32 $0xFFFFFEF7, lr;
	s5 =	simm.s32 $0xFFFFFFFF;
	p2 =	slt.u32 s8, $0xFFFFF086  }
0x1c: {  	p1 =	slt.u32 s9, $0xF7A;
	s5 =	simm.s32 @!p2 $0x0  }
0x1d: {  	s5 =	simm.s32 @p1 $0x1;
	p0 =	seq.s32 s7, s2  }
0x1e: {  	s7 =	smul.u32 @!p0 $0xF7A, s2;
	p2 =	seq.s32 @!p0 s5, $0x0  }
0x1f: {  	s9 =	smul.u32 $0xF7A, s1;
	s8 =	simm.s32 @!p0 $0x1BF5;
	p2 =	por !p2, p0  }
0x20: {  	[sflag:s8] =	ssyncset.s32 @!p0 $0xFFFFF086;
	s6 =	sadd.s32 @!p0 s3, s7;
	s7 =	simm.s32 @!p0 $0x108  }
0x21: {  	s3 =	sadd.s32 s3, s9;
	s6 =	sadd.s32 @!p0 $0x88, s6;
	s7 =	simm.s32 @p2 $0x1082  }
0x22: {  	[simem:s7], [sflag:s8] =	dma.local @!p0 [hbm:s6], $0xF7A  }
0x23: {  	s9 =	sor.u32 $0xD0000000, s2;
	s6 =	simm.s32 $0x108;
	_ =	swait.ge @!p0 [sflag:s8], $0x0  }
0x24: {  	s3 =	sadd.s32 $0x88, s3;
	s6 =	simm.s32 @!p1 $0x1082;
	[sflag:s4] =	ssyncset.s32 $0xFFFFF086  }
0x25: {  	[simem:s6], [sflag:s4] =	dma.local [hbm:s3], $0xF7A  }
0x26: {  	[smem:$0x3F9D] =	sst s1;
	(tag) =	ssettag s2;
	_ =	strace s9  }
0x27: {  	s1 =	sld [smem:$0x3FAD]  }
0x28: {  	s2 =	sld [smem:$0x3FAE]  }
0x29: {  	s4 =	sld [smem:$0x3FB0]  }
0x2a: {  	p0 =	seq.s32 s5, $0x0;
	s5 =	sld [smem:$0x3FB1]  }
0x2b: {  	s6 =	sld [smem:$0x3FB2]  }
0x2c: {  	s7 =	sld [smem:$0x3FB3]  }
0x2d: {  	s3 =	simm.s32 $0x108;
	s8 =	sld [smem:$0x3FB4]  }
0x2e: {  	s3 =	simm.s32 @!p0 $0x1082;
	s9 =	sld [smem:$0x3FB5]  }
0x2f: {  	lr =	sadd.s32 s0, s3;
	s0 =	sld [smem:$0x3FAC]  }
0x30: {  	s3 =	sld [smem:$0x3FAF]  }
0x31: {  	[smem:$0x3FB8] =	sst s10  }
0x32: {  	s10 =	sld [smem:$0x3FB6];
	_ =	sdelay $0x3  }
0x33: {  	p0 =	seq.s32 s10, $0x1;
	s10 =	sld [smem:$0x3FB8];
	_ =	sdelay $0x3  }
0x34: {  	[smem:$0x3FB8] =	sst s10  }
0x35: {  	s10 =	sld [smem:$0x3FB7];
	_ =	sdelay $0x3  }
0x36: {  	p1 =	seq.s32 s10, $0x1;
	s10 =	sld [smem:$0x3FB8];
	_ =	sdelay $0x3  }
0x37: {  	[smem:$0x3FB8] =	sst s10  }
0x38: {  	s10 =	sld [smem:$0x3FB9]  }
0x39: {  	_ = 	snop;
	(pc) =	sbr.ind lr, $3  }
0x3a: {  	_ = 	snop  }
0x3b: {  	_ = 	snop  }
0x3c: {  	p2 =	seq.s32 s10, $0x1;
	s10 =	sld [smem:$0x3FB8]  }
0x3d: {  	_ =	shalt  }
0x3e: {  	_ =	shalt  }
0x3f: {  	_ =	shalt  }
0x40: {  	_ =	shalt  }
0x41: {  	_ =	shalt  }
0x42: {  	_ =	shalt  }
0x43: {  	_ =	shalt  }
0x44: {  	_ =	shalt  }
0x45: {  	_ =	shalt  }
0x46: {  	_ =	shalt  }
0x47: {  	_ =	shalt  }
0x48: {  	_ =	shalt  }
0x49: {  	_ =	shalt  }
0x4a: {  	_ =	shalt  }
0x4b: {  	_ =	shalt  }
0x4c: {  	_ =	shalt  }
0x4d: {  	_ =	shalt  }
0x4e: {  	_ =	shalt  }
0x4f: {  	_ =	shalt  }
0x50: {  	_ =	shalt  }
0x51: {  	_ =	shalt  }
0x52: {  	_ =	shalt  }
0x53: {  	_ =	shalt  }
0x54: {  	_ =	shalt  }
0x55: {  	_ =	shalt  }
0x56: {  	_ =	shalt  }
0x57: {  	_ =	shalt  }
0x58: {  	_ =	shalt  }
0x59: {  	_ =	shalt  }
0x5a: {  	_ =	shalt  }
0x5b: {  	_ =	shalt  }
0x5c: {  	_ =	shalt  }
0x5d: {  	_ =	shalt  }
0x5e: {  	_ =	shalt  }
0x5f: {  	_ =	shalt  }
0x60: {  	_ =	shalt  }
0x61: {  	_ =	shalt  }
0x62: {  	_ =	shalt  }
0x63: {  	_ =	shalt  }
0x64: {  	_ =	shalt  }
0x65: {  	_ =	shalt  }
0x66: {  	_ =	shalt  }
0x67: {  	_ =	shalt  }
0x68: {  	_ =	shalt  }
0x69: {  	_ =	shalt  }
0x6a: {  	_ =	shalt  }
0x6b: {  	_ =	shalt  }
0x6c: {  	_ =	shalt  }
0x6d: {  	_ =	shalt  }
0x6e: {  	_ =	shalt  }
0x6f: {  	_ =	shalt  }
0x70: {  	_ =	shalt  }
0x71: {  	_ =	shalt  }
0x72: {  	_ =	shalt  }
0x73: {  	_ =	shalt  }
0x74: {  	_ =	shalt  }
0x75: {  	_ =	shalt  }
0x76: {  	_ =	shalt  }
0x77: {  	_ =	shalt  }
0x78: {  	_ =	shalt  }
0x79: {  	_ =	shalt  }
0x7a: {  	_ =	shalt  }
0x7b: {  	_ =	shalt  }
0x7c: {  	_ =	shalt  }
0x7d: {  	_ =	shalt  }
0x7e: {  	_ =	shalt  }
0x7f: {  	_ =	shalt  }
0x80: {  	_ =	shalt  }
0x81: {  	_ =	shalt  }
0x82: {  	_ =	shalt  }
0x83: {  	_ =	shalt  }
0x84: {  	_ =	shalt  }
0x85: {  	_ =	shalt  }
0x86: {  	_ =	shalt  }
0x87: {  	_ =	shalt  }
.Lfunc_end0:
.L_simem_size_0:
called_computation_lowered:
.L_overlay_start_0:
0x88: {  	s2 =	sld [smem:$0x3FD9]  }
0x89: {  	s3 =	sld [smem:$0x3FFE];
	_ =	sdelay $0x1  }
0x8a: {  	s1 =	srdreg.scid  }
0x8b: {  	s0 =	sand.u32 $0x1, s1  }
0x8c: {  	s16 =	sshll.u32 s0, $0xA;
	s2 =	sadd.s32 s3, s2  }
0x8d: {  	s2 =	sadd.s32 s2, s16  }
0x8e: {  	[smem:$0x3FC4] =	sst s2  }
0x8f: {  	_ = 	snop  }
0x90: {  	(tm) =	ssettm $0x1  }
0x91: {  	s17 =	sld [smem:$0x3FFB];
	_ =	sdelay $0x3  }
0x92: {  	_ =	strace s17  }
0x93: {  	s2 =	sld [smem:$0x3FFC];
	_ =	sdelay $0x3  }
0x94: {  	_ =	strace s2  }
0x95: {  	s2 =	sld [smem:$0x3FFD];
	_ =	sdelay $0x3  }
0x96: {  	_ =	strace s2  }
0x97: {  	_ =	strace $0x8FFFFFFF  }
0x98: {  	s18 =	sld [smem:$0x3FDB];
	_ =	sdelay $0x1  }
0x99: {  	s19 =	simm.s32 $_scs_section_size  }
0x9a: {  	s4 =	simm.s32 $_size__tile_overlayer_lowered;
	s5 =	simm.s32 $_tile_overlayer_lowered  }
0x9b: {  	s22 =	simm.s32 $0x1BFF;
	s21 =	sshll.u32 s5, $0x1;
	s2 =	sadd.s32 s19, s18  }
0x9c: {  	s6 =	simm.s32 $0x0;
	s20 =	sshll.u32 s4, $0x1;
	s4 =	sadd.s32 s21, s2  }
0x9d: {  	[timem:s6], [sflag:s22] =	dma.local [hbm:s4], s20  }
0x9e: {  	_ =	swait.ge [sflag:s22], s20  }
0x9f: {  	s3 =	ssub.s32 $0x0, s20;
	[sflag:s22] =	ssyncset.done $0x0  }
0xa0: {  	[sflag:s22] =	ssyncadd.s32 s3;
	_ =	sdelay $0x1  }
0xa1: {  	s23 =	simm.s32 $0x1B8B  }
0xa2: {  	_ =	swait.ge [sflag:s23], $0x1  }
0xa3: {  	[sflag:s23] =	ssyncset.done $0x0  }
0xa4: {  	s25 =	simm.s32 $0x1B8E;
	s24 =	sld [smem:$0x3FFE];
	[sflag:s23] =	ssyncadd.s32 $0xFFFFFFFF  }
0xa5: {  	s26 =	simm.s32 $execute0_lowered;
	[smem:$0x3FD2] =	sst s25  }
0xa6: {  	s4 =	sshll.u32 s26, $0x1;
	_ =	strace $0x80000046;
	[dreg:$0x1] =	wrdreg $0xFFFFFFFF  }
0xa7: {  	s28 =	simm.s32 $_size_execute0_lowered;
	s2 =	sadd.s32 s2, s4;
	[dreg:$0x0] =	wrdreg $0x0  }
0xa8: {  	s4 =	sshll.u32 s28, $0x1;
	[dreg:$0x2] =	wrdreg s2  }
0xa9: {  	[dreg:$0x3] =	wrdreg s4  }
0xaa: {  	[dreg:$0x4] =	wrdreg $0xC0  }
0xab: {  	_ =	task [dreg:s6], $0x5FFFF  }
0xac: {  	[dreg:$0x1] =	wrdreg $0xFFFFFFFF  }
0xad: {  	[dreg:$0x0] =	wrdreg $0x60  }
0xae: {  	[dreg:$0x2] =	wrdreg s24  }
0xaf: {  	[dreg:$0x3] =	wrdreg $0x9  }
0xb0: {  	_ =	task.clear_ibuf [dreg:s6], $0x4FFFF;
	_ =	strace $0x90000046  }
0xb1: {  	s29 =	simm.s32 $0x9;
	_ =	strace $0x80000048  }
0xb2: {  	_ =	swait.ge [sflag:s29], $0x1  }
0xb3: {  	[sflag:s29] =	ssyncadd.s32 $0xFFFFFFFF  }
0xb4: {  	_ =	strace $0x90000048  }
0xb5: {  	_ =	sfence  }
0xb6: {  	s30 =	sld [smem:$0x0];
	_ =	sdelay $0x2  }
0xb7: {  	s31 =	sshll.u32 s1, $0xD;
	s1 =	sshrl.u32 s1, $0x2  }
0xb8: {  	s3 =	sand.u32 $0x4000, s31;
	s1 =	sadd.s32 s1, s30  }
0xb9: {  	s0 =	sor.u32 s3, s0;
	s1 =	sshll.u32 s1, $0x11  }
0xba: {  	s0 =	sor.u32 s1, s0  }
0xbb: {  	s0 =	sadd.s32 $0x8F2B, s0  }
0xbc: {  	[sflag:s0] =	ssyncadd.remote.s32 $0x1  }
0xbd: {  	_ =	sfence.sel $0xFFFF  }
0xbe: {  	[dreg:$0x0] =	wrdreg $0xFFFFFFFF;
	(pc) =	sbr.abs _section_cstart, $3  }
0xbf: {  	[dreg:$0x1] =	wrdreg $0xFFFFFFFF  }
0xc0: {  	_ =	task.clear_ibuf [dreg:s6], $0x2FFFF;
	_ =	strace $0x9FFFFFFF  }
0xc1: {  	(tm) =	ssettm $0x7FFFFFFF  }
tec
execute0_lowered:
.L_overlay_start_1:
0x0: {  	(tag) =	ssettag $0x1  }
0x1: {  	s0 =	rddreg [dreg:$0x0]  }
0x2: {  	s21 =	simm.s32 $0x0;
	s1 =	srdreg.scid;
	s2 =	stileid.u32  }
0x3: {  	s11 =	simm.s32 $0xC80;
	s12 =	simm.s32 $0x1;
	s13 =	simm.s32 $0x80  }
0x4: {  	s16 =	simm.s32 $0x2;
	s25 =	simm.s32 $0xE100;
	s28 =	simm.s32 $0x1500  }
0x5: {  	s29 =	simm.s32 $0x16900;
	s30 =	simm.s32 $0x1580;
	s31 =	simm.s32 $0x17100  }
0x6: {  	s9 =	simm.s32 $0x1700;
	s10 =	simm.s32 $0x18900;
	s14 =	simm.s32 $0x19100  }
0x7: {  	s15 =	simm.s32 $0x1800;
	s8 =	simm.s32 $0x19900;
	s17 =	simm.s32 $0x1880  }
0x8: {  	s18 =	simm.s32 $0x1A100;
	s19 =	simm.s32 $0x3;
	s20 =	simm.s32 $0x4  }
0x9: {  	s22 =	simm.s32 $0x0;
	[smem:$0x7FF] =	sst s21;
	s1 =	sand.u32 $0x1, s1  }
0xa: {  	s2 =	sshll.u32 s2, $0x1;
	s3 =	sadd.s32 $0xA00, s0;
	s4 =	sadd.s32 $0x200A00, s0  }
0xb: {  	_ =	strace $0x80000047;
	s2 =	sor.u32 s1, s2;
	s1 =	ssub.s32 $0x2, s1  }
0xc: {  	[dreg:$0x7] =	wrdreg s22;
	s5 =	smul.u32 $0x3200, s2;
	s6 =	sshll.u32 s2, $0x1  }
0xd: {  	s7 =	sshrl.u32 s1, $0x1;
	s2 =	smul.u32 $0x320, s2;
	s0 =	sadd.s32 s6, s0  }
0xe: {  	s1 =	ssub.s32 s1, s7;
	s6 =	simm.s32 $0x18100;
	s5 =	sadd.s32 s3, s5  }
0xf: {  	s7 =	sadd.s32 $0x32, s2;
	s2 =	sadd.s32 $0x4B, s2;
	[dreg:$0x2] =	wrdreg s5  }
0x10: {  	s0 =	sadd.s32 $0x64A00, s0;
	s26 =	smax.u32 s1, $0x1;
	[dreg:$0x4] =	wrdreg s2  }
0x11: {  	s1 =	simm.s32 $0x17900;
	s5 =	sadd.s32 $0x190, s5;
	[dreg:$0x5] =	wrdreg s0  }
0x12: {  	[dreg:$0x6] =	wrdreg s26;
	s26 =	simm.s32 $0x16100;
	s0 =	simm.s32 $0x1600  }
0x13: {  	s2 =	simm.s32 $0x1680;
	[dreg:$0x3] =	wrdreg s5;
	s5 =	simm.s32 $0x1780  }
.LBB2_1:
0x14: {  	s22 =	rddreg [dreg:$0x2]  }
0x15: {  	[tilespmem:s21], [sflag:$0x1] =	stream.linear.gather [hbm4b:s22+s21], $0xC80, $0x38;
	[tilespmem:$0x1A910] =	vst v63  }
0x16: {  	s23 =	rddreg [dreg:$0x3]  }
0x17: {  	[tilespmem:s11], [sflag:$0x2] =	stream.linear.gather [hbm4b:s23+s21], $0xC80, $0x38;
	[tilespmem:$0x1A910] =	vst v63  }
0x18: {  	_ =	swait.ge [sflag:s12], $0xC80  }
0x19: {  	[sflag:s12] =	ssyncset.done $0x0  }
0x1a: {  	s24 =	simm.s32 $0x1900;
	[sflag:s12] =	ssyncadd.s32 $0xFFFFF380  }
0x1b: {  	[tilespmem:s24], [sflag:$0x3] =	stream.indirect.gather [hbm4b:s4+s13], $0x10, s21, s13, $0xb8;
	[tilespmem:$0x1A910] =	vst v63  }
0x1c: {  	s22 =	simm.s32 $0x2100  }
0x1d: {  	[tilespmem:s22], [sflag:$0x3] =	stream.indirect.gather [hbm4b:s4+s13], $0x10, s13, s13, $0xb8;
	[tilespmem:$0x1A910] =	vst v63  }
0x1e: {  	s23 =	simm.s32 $0x100;
	s24 =	simm.s32 $0x2900  }
0x1f: {  	[tilespmem:s24], [sflag:$0x3] =	stream.indirect.gather [hbm4b:s4+s13], $0x10, s23, s13, $0xb8;
	[tilespmem:$0x1A910] =	vst v63  }
0x20: {  	s23 =	simm.s32 $0x180;
	s24 =	simm.s32 $0x3100  }
0x21: {  	[tilespmem:s24], [sflag:$0x3] =	stream.indirect.gather [hbm4b:s4+s13], $0x10, s23, s13, $0xb8;
	[tilespmem:$0x1A910] =	vst v63  }
0x22: {  	s23 =	simm.s32 $0x200;
	s24 =	simm.s32 $0x3900  }
0x23: {  	[tilespmem:s24], [sflag:$0x3] =	stream.indirect.gather [hbm4b:s4+s13], $0x10, s23, s13, $0xb8;
	[tilespmem:$0x1A910] =	vst v63  }
0x24: {  	s23 =	simm.s32 $0x280;
	s24 =	simm.s32 $0x4100  }
0x25: {  	[tilespmem:s24], [sflag:$0x3] =	stream.indirect.gather [hbm4b:s4+s13], $0x10, s23, s13, $0xb8;
	[tilespmem:$0x1A910] =	vst v63  }
0x26: {  	s23 =	simm.s32 $0x300;
	s24 =	simm.s32 $0x4900  }
0x27: {  	[tilespmem:s24], [sflag:$0x3] =	stream.indirect.gather [hbm4b:s4+s13], $0x10, s23, s13, $0xb8;
	[tilespmem:$0x1A910] =	vst v63  }
0x28: {  	s23 =	simm.s32 $0x380;
	s24 =	simm.s32 $0x5100  }
0x29: {  	[tilespmem:s24], [sflag:$0x3] =	stream.indirect.gather [hbm4b:s4+s13], $0x10, s23, s13, $0xb8;
	[tilespmem:$0x1A910] =	vst v63  }
0x2a: {  	s23 =	simm.s32 $0x400;
	s24 =	simm.s32 $0x5900  }
0x2b: {  	[tilespmem:s24], [sflag:$0x3] =	stream.indirect.gather [hbm4b:s4+s13], $0x10, s23, s13, $0xb8;
	[tilespmem:$0x1A910] =	vst v63  }
0x2c: {  	s23 =	simm.s32 $0x480;
	s24 =	simm.s32 $0x6100  }
0x2d: {  	[tilespmem:s24], [sflag:$0x3] =	stream.indirect.gather [hbm4b:s4+s13], $0x10, s23, s13, $0xb8;
	[tilespmem:$0x1A910] =	vst v63  }
0x2e: {  	s23 =	simm.s32 $0x500;
	s24 =	simm.s32 $0x6900  }
0x2f: {  	[tilespmem:s24], [sflag:$0x3] =	stream.indirect.gather [hbm4b:s4+s13], $0x10, s23, s13, $0xb8;
	[tilespmem:$0x1A910] =	vst v63  }
0x30: {  	s23 =	simm.s32 $0x580;
	s24 =	simm.s32 $0x7100  }
0x31: {  	[tilespmem:s24], [sflag:$0x3] =	stream.indirect.gather [hbm4b:s4+s13], $0x10, s23, s13, $0xb8;
	[tilespmem:$0x1A910] =	vst v63  }
0x32: {  	s23 =	simm.s32 $0x600;
	s24 =	simm.s32 $0x7900  }
0x33: {  	[tilespmem:s24], [sflag:$0x3] =	stream.indirect.gather [hbm4b:s4+s13], $0x10, s23, s13, $0xb8;
	[tilespmem:$0x1A910] =	vst v63  }
0x34: {  	s23 =	simm.s32 $0x680;
	s24 =	simm.s32 $0x8100  }
0x35: {  	[tilespmem:s24], [sflag:$0x3] =	stream.indirect.gather [hbm4b:s4+s13], $0x10, s23, s13, $0xb8;
	[tilespmem:$0x1A910] =	vst v63  }
0x36: {  	s23 =	simm.s32 $0x700;
	s24 =	simm.s32 $0x8900  }
0x37: {  	[tilespmem:s24], [sflag:$0x3] =	stream.indirect.gather [hbm4b:s4+s13], $0x10, s23, s13, $0xb8;
	[tilespmem:$0x1A910] =	vst v63  }
0x38: {  	s23 =	simm.s32 $0x780;
	s24 =	simm.s32 $0x9100  }
0x39: {  	[tilespmem:s24], [sflag:$0x3] =	stream.indirect.gather [hbm4b:s4+s13], $0x10, s23, s13, $0xb8;
	[tilespmem:$0x1A910] =	vst v63  }
0x3a: {  	s23 =	simm.s32 $0x800;
	s24 =	simm.s32 $0x9900  }
0x3b: {  	[tilespmem:s24], [sflag:$0x3] =	stream.indirect.gather [hbm4b:s4+s13], $0x10, s23, s13, $0xb8;
	[tilespmem:$0x1A910] =	vst v63  }
0x3c: {  	s23 =	simm.s32 $0x880;
	s24 =	simm.s32 $0xA100  }
0x3d: {  	[tilespmem:s24], [sflag:$0x3] =	stream.indirect.gather [hbm4b:s4+s13], $0x10, s23, s13, $0xb8;
	[tilespmem:$0x1A910] =	vst v63  }
0x3e: {  	s23 =	simm.s32 $0x900;
	s24 =	simm.s32 $0xA900  }
0x3f: {  	[tilespmem:s24], [sflag:$0x3] =	stream.indirect.gather [hbm4b:s4+s13], $0x10, s23, s13, $0xb8;
	[tilespmem:$0x1A910] =	vst v63  }
0x40: {  	s23 =	simm.s32 $0x980;
	s24 =	simm.s32 $0xB100  }
0x41: {  	[tilespmem:s24], [sflag:$0x3] =	stream.indirect.gather [hbm4b:s4+s13], $0x10, s23, s13, $0xb8;
	[tilespmem:$0x1A910] =	vst v63  }
0x42: {  	s23 =	simm.s32 $0xA00;
	s24 =	simm.s32 $0xB900  }
0x43: {  	[tilespmem:s24], [sflag:$0x3] =	stream.indirect.gather [hbm4b:s4+s13], $0x10, s23, s13, $0xb8;
	[tilespmem:$0x1A910] =	vst v63  }
0x44: {  	s23 =	simm.s32 $0xA80;
	s24 =	simm.s32 $0xC100  }
0x45: {  	[tilespmem:s24], [sflag:$0x3] =	stream.indirect.gather [hbm4b:s4+s13], $0x10, s23, s13, $0xb8;
	[tilespmem:$0x1A910] =	vst v63  }
0x46: {  	s23 =	simm.s32 $0xB00;
	s24 =	simm.s32 $0xC900  }
0x47: {  	[tilespmem:s24], [sflag:$0x3] =	stream.indirect.gather [hbm4b:s4+s13], $0x10, s23, s13, $0xb8;
	[tilespmem:$0x1A910] =	vst v63  }
0x48: {  	s23 =	simm.s32 $0xB80;
	s24 =	simm.s32 $0xD100  }
0x49: {  	[tilespmem:s24], [sflag:$0x3] =	stream.indirect.gather [hbm4b:s4+s13], $0x10, s23, s13, $0xb8;
	[tilespmem:$0x1A910] =	vst v63  }
0x4a: {  	v10 =	vimm.f32 $0.0e+00;
	s22 =	simm.s32 $0x0;
	s23 =	simm.s32 $0xC00;
	s24 =	simm.s32 $0xD900  }
0x4b: {  	v11 =	vimm.f32 $0.0e+00;
	v12 =	vimm.f32 $0.0e+00;
	v16 =	vimm.f32 $0.0e+00;
	[tilespmem:s24], [sflag:$0x3] =	stream.indirect.gather [hbm4b:s4+s13], $0x10, s23, s13, $0xb8;
	[tilespmem:$0x1A910] =	vst v63  }
.LBB2_3:
0x4c: {  	_ =	swait.ge [sflag:s16], $0xC80  }
0x4d: {  	[sflag:s16] =	ssyncset.done $0x0  }
0x4e: {  	[sflag:s16] =	ssyncadd.s32 $0xFFFFF380  }
0x4f: {  	[tilespmem:s25], [sflag:$0x4] =	stream.indirect.gather [hbm4b:s4+s13], $0x10, s11, s13, $0xb8;
	[tilespmem:$0x1A910] =	vst v63  }
0x50: {  	s21 =	simm.s32 $0xD00;
	s23 =	simm.s32 $0xE900  }
0x51: {  	[tilespmem:s23], [sflag:$0x4] =	stream.indirect.gather [hbm4b:s4+s13], $0x10, s21, s13, $0xb8;
	[tilespmem:$0x1A910] =	vst v63  }
0x52: {  	s24 =	simm.s32 $0xF100;
	s23 =	simm.s32 $0xD80  }
0x53: {  	[tilespmem:s24], [sflag:$0x4] =	stream.indirect.gather [hbm4b:s4+s13], $0x10, s23, s13, $0xb8;
	[tilespmem:$0x1A910] =	vst v63  }
0x54: {  	s23 =	simm.s32 $0xE00;
	s24 =	simm.s32 $0xF900  }
0x55: {  	[tilespmem:s24], [sflag:$0x4] =	stream.indirect.gather [hbm4b:s4+s13], $0x10, s23, s13, $0xb8;
	[tilespmem:$0x1A910] =	vst v63  }
0x56: {  	s23 =	simm.s32 $0xE80;
	s24 =	simm.s32 $0x10100  }
0x57: {  	[tilespmem:s24], [sflag:$0x4] =	stream.indirect.gather [hbm4b:s4+s13], $0x10, s23, s13, $0xb8;
	[tilespmem:$0x1A910] =	vst v63  }
0x58: {  	s23 =	simm.s32 $0xF00;
	s24 =	simm.s32 $0x10900  }
0x59: {  	[tilespmem:s24], [sflag:$0x4] =	stream.indirect.gather [hbm4b:s4+s13], $0x10, s23, s13, $0xb8;
	[tilespmem:$0x1A910] =	vst v63  }
0x5a: {  	s23 =	simm.s32 $0xF80;
	s24 =	simm.s32 $0x11100  }
0x5b: {  	[tilespmem:s24], [sflag:$0x4] =	stream.indirect.gather [hbm4b:s4+s13], $0x10, s23, s13, $0xb8;
	[tilespmem:$0x1A910] =	vst v63  }
0x5c: {  	s23 =	simm.s32 $0x1000;
	s24 =	simm.s32 $0x11900  }
0x5d: {  	[tilespmem:s24], [sflag:$0x4] =	stream.indirect.gather [hbm4b:s4+s13], $0x10, s23, s13, $0xb8;
	[tilespmem:$0x1A910] =	vst v63  }
0x5e: {  	s23 =	simm.s32 $0x1080;
	s24 =	simm.s32 $0x12100  }
0x5f: {  	[tilespmem:s24], [sflag:$0x4] =	stream.indirect.gather [hbm4b:s4+s13], $0x10, s23, s13, $0xb8;
	[tilespmem:$0x1A910] =	vst v63  }
0x60: {  	s23 =	simm.s32 $0x1100;
	s24 =	simm.s32 $0x12900  }
0x61: {  	[tilespmem:s24], [sflag:$0x4] =	stream.indirect.gather [hbm4b:s4+s13], $0x10, s23, s13, $0xb8;
	[tilespmem:$0x1A910] =	vst v63  }
0x62: {  	s23 =	simm.s32 $0x1180;
	s24 =	simm.s32 $0x13100  }
0x63: {  	[tilespmem:s24], [sflag:$0x4] =	stream.indirect.gather [hbm4b:s4+s13], $0x10, s23, s13, $0xb8;
	[tilespmem:$0x1A910] =	vst v63  }
0x64: {  	s23 =	simm.s32 $0x1200;
	s24 =	simm.s32 $0x13900  }
0x65: {  	[tilespmem:s24], [sflag:$0x4] =	stream.indirect.gather [hbm4b:s4+s13], $0x10, s23, s13, $0xb8;
	[tilespmem:$0x1A910] =	vst v63  }
0x66: {  	s23 =	simm.s32 $0x1280;
	s24 =	simm.s32 $0x14100  }
0x67: {  	[tilespmem:s24], [sflag:$0x4] =	stream.indirect.gather [hbm4b:s4+s13], $0x10, s23, s13, $0xb8;
	[tilespmem:$0x1A910] =	vst v63  }
0x68: {  	s23 =	simm.s32 $0x1300;
	s24 =	simm.s32 $0x14900  }
0x69: {  	[tilespmem:s24], [sflag:$0x4] =	stream.indirect.gather [hbm4b:s4+s13], $0x10, s23, s13, $0xb8;
	[tilespmem:$0x1A910] =	vst v63  }
0x6a: {  	s23 =	simm.s32 $0x1380;
	s24 =	simm.s32 $0x15100  }
0x6b: {  	[tilespmem:s24], [sflag:$0x4] =	stream.indirect.gather [hbm4b:s4+s13], $0x10, s23, s13, $0xb8;
	[tilespmem:$0x1A910] =	vst v63  }
0x6c: {  	s23 =	simm.s32 $0x1400;
	s24 =	simm.s32 $0x15900  }
0x6d: {  	[tilespmem:s24], [sflag:$0x4] =	stream.indirect.gather [hbm4b:s4+s13], $0x10, s23, s13, $0xb8;
	[tilespmem:$0x1A910] =	vst v63  }
0x6e: {  	s24 =	simm.s32 $0x1480  }
0x6f: {  	[tilespmem:s26], [sflag:$0x4] =	stream.indirect.gather [hbm4b:s4+s13], $0x10, s24, s13, $0xb8;
	[tilespmem:$0x1A910] =	vst v63  }
0x70: {  	_ = 	snop  }
0x71: {  	[tilespmem:s29], [sflag:$0x4] =	stream.indirect.gather [hbm4b:s4+s13], $0x10, s28, s13, $0xb8;
	[tilespmem:$0x1A910] =	vst v63  }
0x72: {  	_ = 	snop  }
0x73: {  	[tilespmem:s31], [sflag:$0x4] =	stream.indirect.gather [hbm4b:s4+s13], $0x10, s30, s13, $0xb8;
	[tilespmem:$0x1A910] =	vst v63  }
0x74: {  	_ = 	snop  }
0x75: {  	[tilespmem:s1], [sflag:$0x4] =	stream.indirect.gather [hbm4b:s4+s13], $0x10, s0, s13, $0xb8;
	[tilespmem:$0x1A910] =	vst v63  }
0x76: {  	_ = 	snop  }
0x77: {  	[tilespmem:s6], [sflag:$0x4] =	stream.indirect.gather [hbm4b:s4+s13], $0x10, s2, s13, $0xb8;
	[tilespmem:$0x1A910] =	vst v63  }
0x78: {  	_ = 	snop  }
0x79: {  	[tilespmem:s10], [sflag:$0x4] =	stream.indirect.gather [hbm4b:s4+s13], $0x10, s9, s13, $0xb8;
	[tilespmem:$0x1A910] =	vst v63  }
0x7a: {  	p0 =	seq.s32 s22, $0xF  }
0x7b: {  	[tilespmem:s14], [sflag:$0x4] =	stream.indirect.gather [hbm4b:s4+s13], $0x10, s5, s13, $0xb8;
	[tilespmem:$0x1A910] =	vst v63  }
0x7c: {  	s21 =	smov.u32 s22;
	s22 =	smul.u32 @!p0 $0x32, s22  }
0x7d: {  	[tilespmem:s8], [sflag:$0x4] =	stream.indirect.gather [hbm4b:s4+s13], $0x10, s15, s13, $0xb8;
	[tilespmem:$0x1A910] =	vst v63  }
0x7e: {  	s22 =	sadd.s32 @!p0 s22, s7  }
0x7f: {  	[tilespmem:s18], [sflag:$0x4] =	stream.indirect.gather [hbm4b:s4+s13], $0x10, s17, s13, $0xb8;
	[tilespmem:$0x1A910] =	vst v63  }
0x80: {  	s22 =	sshll.u32 @!p0 s22, $0x4;
	_ =	swait.ge [sflag:s19], $0xC800  }
0x81: {  	s22 =	sand.u32 @!p0 $0x1FFFFFE0, s22;
	[sflag:s19] =	ssyncset.done $0x0  }
0x82: {  	s22 =	sadd.s32 @!p0 s3, s22;
	s23 =	simm.s32 @!p0 $0x0;
	[sflag:s19] =	ssyncadd.s32 $0xFFFF3800  }
0x83: {  	[tilespmem:s23], [sflag:$0x1] =	stream.linear.gather @!p0 [hbm4b:s22+s23], $0xC80, $0x38;
	[tilespmem:$0x1A910] =	vst v63  }
0x84: {  	s23 =	simm.s32 $0x0  }
0x85: {  	v0 =	vld [tilespmem:s23+$0xC500]  }
0x86: {  	v2 =	vld [tilespmem:s23+$0xCD00]  }
0x87: {  	v1 =	vld [tilespmem:s23+$0xC100]  }
0x88: {  	v3 =	vld [tilespmem:s23+$0xC900]  }
0x89: {  	v4 =	vld [tilespmem:s23+$0xA500]  }
0x8a: {  	v5 =	vld [tilespmem:s23+$0xAD00]  }
0x8b: {  	v6 =	vld [tilespmem:s23+$0xA100]  }
0x8c: {  	v7 =	vld [tilespmem:s23+$0xA900]  }
0x8d: {  	v8 =	vld [tilespmem:s23+$0x8500]  }
0x8e: {  	v9 =	vld [tilespmem:s23+$0x8D00]  }
0x8f: {  	v13 =	vld [tilespmem:s23+$0x8100]  }
0x90: {  	v14 =	vld [tilespmem:s23+$0x8900]  }
0x91: {  	v15 =	vld [tilespmem:s23+$0x6500]  }
0x92: {  	v17 =	vld [tilespmem:s23+$0x6D00]  }
0x93: {  	v18 =	vld [tilespmem:s23+$0x6100]  }
0x94: {  	v19 =	vld [tilespmem:s23+$0x6900]  }
0x95: {  	v20 =	vld [tilespmem:s23+$0x4500]  }
0x96: {  	v21 =	vld [tilespmem:s23+$0x4D00]  }
0x97: {  	v22 =	vld [tilespmem:s23+$0x4100]  }
0x98: {  	v23 =	vld [tilespmem:s23+$0x4900]  }
0x99: {  	v24 =	vld [tilespmem:s23+$0x2500]  }
0x9a: {  	v25 =	vld [tilespmem:s23+$0x2D00]  }
0x9b: {  	s24 =	simm.s32 $0x40;
	s22 =	sadd.s32 $0x1, s21;
	v26 =	vld [tilespmem:s23+$0x2100]  }
.LBB2_4:
0x9c: {  	p1 =	sne.s32 s24, $0xFC0;
	v27 =	vld [tilespmem:s23+$0x1900]  }
0x9d: {  	v28 =	vld [tilespmem:s23+$0x2900]  }
0x9e: {  	v29 =	vld [tilespmem:s23+$0x1D00]  }
0x9f: {  	v30 =	vld [tilespmem:s23+$0x3100]  }
0xa0: {  	v31 =	vld [tilespmem:s23+$0x3900]  }
0xa1: {  	v16 =	vadd.f32 v27, v16;
	v27 =	vld [tilespmem:s23+$0x3500]  }
0xa2: {  	v32 =	vld [tilespmem:s23+$0x3D00]  }
0xa3: {  	v16 =	vadd.f32 v29, v16;
	v29 =	vld [tilespmem:s23+$0x5100]  }
0xa4: {  	v12 =	vadd.f32 v26, v12;
	v11 =	vadd.f32 v28, v11;
	v26 =	vld [tilespmem:s23+$0x5900]  }
0xa5: {  	v10 =	vadd.f32 v30, v10;
	v16 =	vadd.f32 v31, v16;
	v28 =	vld [tilespmem:s23+$0x5500]  }
0xa6: {  	v12 =	vadd.f32 v24, v12;
	v11 =	vadd.f32 v25, v11;
	v24 =	vld [tilespmem:s23+$0x5D00]  }
0xa7: {  	v10 =	vadd.f32 v27, v10;
	v16 =	vadd.f32 v32, v16;
	v25 =	vld [tilespmem:s23+$0x7100]  }
0xa8: {  	v12 =	vadd.f32 v22, v12;
	v11 =	vadd.f32 v23, v11;
	v22 =	vld [tilespmem:s23+$0x7900]  }
0xa9: {  	v10 =	vadd.f32 v29, v10;
	v16 =	vadd.f32 v26, v16;
	v23 =	vld [tilespmem:s23+$0x7500]  }
0xaa: {  	v12 =	vadd.f32 v20, v12;
	v11 =	vadd.f32 v21, v11;
	v20 =	vld [tilespmem:s23+$0x7D00]  }
0xab: {  	v10 =	vadd.f32 v28, v10;
	v16 =	vadd.f32 v24, v16;
	v21 =	vld [tilespmem:s23+$0x9100]  }
0xac: {  	v12 =	vadd.f32 v18, v12;
	v11 =	vadd.f32 v19, v11;
	v18 =	vld [tilespmem:s23+$0x9900]  }
0xad: {  	v10 =	vadd.f32 v25, v10;
	v16 =	vadd.f32 v22, v16;
	v19 =	vld [tilespmem:s23+$0x9500]  }
0xae: {  	v12 =	vadd.f32 v15, v12;
	v11 =	vadd.f32 v17, v11;
	v15 =	vld [tilespmem:s23+$0x9D00]  }
0xaf: {  	v10 =	vadd.f32 v23, v10;
	v16 =	vadd.f32 v20, v16;
	v17 =	vld [tilespmem:s23+$0xB100]  }
0xb0: {  	v12 =	vadd.f32 v13, v12;
	v11 =	vadd.f32 v14, v11;
	v13 =	vld [tilespmem:s23+$0xB900]  }
0xb1: {  	v10 =	vadd.f32 v21, v10;
	v14 =	vadd.f32 v18, v16;
	v16 =	vld [tilespmem:s23+$0xB500]  }
0xb2: {  	v8 =	vadd.f32 v8, v12;
	v9 =	vadd.f32 v9, v11;
	v11 =	vld [tilespmem:s23+$0xBD00]  }
0xb3: {  	v10 =	vadd.f32 v19, v10;
	v12 =	vadd.f32 v15, v14;
	v14 =	vld [tilespmem:s23+$0xD100]  }
0xb4: {  	v6 =	vadd.f32 v6, v8;
	v7 =	vadd.f32 v7, v9;
	v8 =	vld [tilespmem:s23+$0xD900]  }
0xb5: {  	v9 =	vadd.f32 v17, v10;
	v10 =	vadd.f32 v13, v12;
	v13 =	vld [tilespmem:s23+$0xD500]  }
0xb6: {  	v4 =	vadd.f32 v4, v6;
	v5 =	vadd.f32 v5, v7;
	v6 =	vld [tilespmem:s23+$0xDD00];
	s23 =	sshra.s32 s24, $0x2  }
0xb7: {  	v9 =	vadd.f32 v16, v9;
	v7 =	vld [tilespmem:s23+$0xC500];
	v10 =	vadd.f32 v11, v10  }
0xb8: {  	v4 =	vadd.f32 v1, v4;
	v5 =	vadd.f32 v3, v5;
	v15 =	vld [tilespmem:s23+$0xCD00]  }
0xb9: {  	v9 =	vadd.f32 v14, v9;
	v1 =	vld [tilespmem:s23+$0xC100];
	v8 =	vadd.f32 v8, v10  }
0xba: {  	v12 =	vadd.f32 v0, v4;
	v11 =	vadd.f32 v2, v5;
	v3 =	vld [tilespmem:s23+$0xC900]  }
0xbb: {  	v10 =	vadd.f32 v13, v9;
	v4 =	vld [tilespmem:s23+$0xA500];
	v16 =	vadd.f32 v6, v8  }
0xbc: {  	v5 =	vld [tilespmem:s23+$0xAD00];
	v0 =	vmov v7  }
0xbd: {  	v6 =	vld [tilespmem:s23+$0xA100];
	v2 =	vmov v15  }
0xbe: {  	v7 =	vld [tilespmem:s23+$0xA900]  }
0xbf: {  	v8 =	vld [tilespmem:s23+$0x8500]  }
0xc0: {  	v9 =	vld [tilespmem:s23+$0x8D00]  }
0xc1: {  	v13 =	vld [tilespmem:s23+$0x8100]  }
0xc2: {  	v14 =	vld [tilespmem:s23+$0x8900]  }
0xc3: {  	v15 =	vld [tilespmem:s23+$0x6500]  }
0xc4: {  	v17 =	vld [tilespmem:s23+$0x6D00]  }
0xc5: {  	v18 =	vld [tilespmem:s23+$0x6100]  }
0xc6: {  	v19 =	vld [tilespmem:s23+$0x6900]  }
0xc7: {  	v20 =	vld [tilespmem:s23+$0x4500]  }
0xc8: {  	v21 =	vld [tilespmem:s23+$0x4D00]  }
.Ltmp0:
0xc9: {  	v22 =	vld [tilespmem:s23+$0x4100];
	(pc) =	sbr.rel @p1 .LBB2_4-.Ltmp0, $4  }
0xca: {  	v23 =	vld [tilespmem:s23+$0x4900]  }
0xcb: {  	v24 =	vld [tilespmem:s23+$0x2500]  }
0xcc: {  	v25 =	vld [tilespmem:s23+$0x2D00]  }
0xcd: {  	s24 =	sadd.s32 $0x40, s24;
	v26 =	vld [tilespmem:s23+$0x2100]  }
0xce: {  	v27 =	vld [tilespmem:s23+$0x1900]  }
0xcf: {  	v28 =	vld [tilespmem:s23+$0x2900]  }
0xd0: {  	v29 =	vld [tilespmem:s23+$0x1D00]  }
0xd1: {  	v30 =	vld [tilespmem:s23+$0x3100]  }
0xd2: {  	v31 =	vld [tilespmem:s23+$0x3900]  }
0xd3: {  	v45 =	vld [tilespmem:s23+$0x3500];
	v16 =	vadd.f32 v27, v16  }
0xd4: {  	v32 =	vld [tilespmem:s23+$0x3D00]  }
0xd5: {  	v46 =	vld [tilespmem:s23+$0x5100];
	v16 =	vadd.f32 v29, v16  }
0xd6: {  	v47 =	vld [tilespmem:s23+$0x5900];
	v12 =	vadd.f32 v26, v12;
	v11 =	vadd.f32 v28, v11  }
0xd7: {  	v48 =	vld [tilespmem:s23+$0x5500];
	v10 =	vadd.f32 v30, v10;
	v16 =	vadd.f32 v31, v16  }
0xd8: {  	v49 =	vld [tilespmem:s23+$0x5D00];
	v12 =	vadd.f32 v24, v12;
	v11 =	vadd.f32 v25, v11  }
0xd9: {  	v50 =	vld [tilespmem:s23+$0x7100];
	v10 =	vadd.f32 v45, v10;
	v16 =	vadd.f32 v32, v16  }
0xda: {  	v51 =	vld [tilespmem:s23+$0x7900];
	v12 =	vadd.f32 v22, v12;
	v11 =	vadd.f32 v23, v11  }
0xdb: {  	v52 =	vld [tilespmem:s23+$0x7500];
	v10 =	vadd.f32 v46, v10;
	v16 =	vadd.f32 v47, v16  }
0xdc: {  	v53 =	vld [tilespmem:s23+$0x7D00];
	v12 =	vadd.f32 v20, v12;
	v11 =	vadd.f32 v21, v11  }
0xdd: {  	v54 =	vld [tilespmem:s23+$0x9100];
	v10 =	vadd.f32 v48, v10;
	v16 =	vadd.f32 v49, v16  }
0xde: {  	v12 =	vadd.f32 v18, v12;
	v18 =	vld [tilespmem:s23+$0x9900];
	v11 =	vadd.f32 v19, v11  }
0xdf: {  	v10 =	vadd.f32 v50, v10;
	v19 =	vld [tilespmem:s23+$0x9500];
	v16 =	vadd.f32 v51, v16  }
0xe0: {  	v12 =	vadd.f32 v15, v12;
	v15 =	vld [tilespmem:s23+$0x9D00];
	v11 =	vadd.f32 v17, v11  }
0xe1: {  	v10 =	vadd.f32 v52, v10;
	v17 =	vld [tilespmem:s23+$0xB100];
	v16 =	vadd.f32 v53, v16  }
0xe2: {  	v12 =	vadd.f32 v13, v12;
	v13 =	vld [tilespmem:s23+$0xB900];
	v11 =	vadd.f32 v14, v11  }
0xe3: {  	v55 =	vld [tilespmem:s23+$0xBD00];
	v10 =	vadd.f32 v54, v10;
	v14 =	vadd.f32 v18, v16  }
0xe4: {  	v8 =	vadd.f32 v8, v12;
	v9 =	vadd.f32 v9, v11;
	v16 =	vld [tilespmem:s23+$0xB500]  }
0xe5: {  	v56 =	vld [tilespmem:s23+$0xD900];
	v10 =	vadd.f32 v19, v10;
	v12 =	vadd.f32 v15, v14  }
0xe6: {  	v6 =	vadd.f32 v6, v8;
	v7 =	vadd.f32 v7, v9;
	v14 =	vld [tilespmem:s23+$0xD100]  }
0xe7: {  	v59 =	vld [tilespmem:s23+$0xDD00];
	v57 =	vadd.f32 v17, v10;
	v58 =	vadd.f32 v13, v12  }
0xe8: {  	v4 =	vadd.f32 v4, v6;
	v5 =	vadd.f32 v5, v7;
	v12 =	vld [tilespmem:s23+$0xD500]  }
.Ltmp1:
0xe9: {  	v60 =	vadd.f32 v16, v57;
	v61 =	vadd.f32 v55, v58;
	(pc) =	sbr.rel @p0 .LBB2_7-.Ltmp1, $4  }
0xea: {  	v1 =	vadd.f32 v1, v4;
	v3 =	vadd.f32 v3, v5  }
0xeb: {  	v62 =	vadd.f32 v14, v60;
	v63 =	vadd.f32 v56, v61  }
0xec: {  	v13 =	vadd.f32 v0, v1;
	v14 =	vadd.f32 v2, v3  }
0xed: {  	v12 =	vadd.f32 v12, v62;
	v17 =	vadd.f32 v59, v63  }
0xee: {  	_ =	swait.ge [sflag:s12], $0xC80  }
0xef: {  	[sflag:s12] =	ssyncset.done $0x0  }
0xf0: {  	s23 =	simm.s32 $0x0;
	s24 =	simm.s32 $0x1900;
	[sflag:s12] =	ssyncadd.s32 $0xFFFFF380  }
0xf1: {  	[tilespmem:s24], [sflag:$0x3] =	stream.indirect.gather [hbm4b:s4+s13], $0x10, s23, s13, $0xb8;
	[tilespmem:$0x1A910] =	vst v63  }
0xf2: {  	s25 =	simm.s32 $0x2100  }
0xf3: {  	[tilespmem:s25], [sflag:$0x3] =	stream.indirect.gather [hbm4b:s4+s13], $0x10, s13, s13, $0xb8;
	[tilespmem:$0x1A910] =	vst v63  }
0xf4: {  	s24 =	simm.s32 $0x100;
	s25 =	simm.s32 $0x2900  }
0xf5: {  	[tilespmem:s25], [sflag:$0x3] =	stream.indirect.gather [hbm4b:s4+s13], $0x10, s24, s13, $0xb8;
	[tilespmem:$0x1A910] =	vst v63  }
0xf6: {  	s24 =	simm.s32 $0x180;
	s25 =	simm.s32 $0x3100  }
0xf7: {  	[tilespmem:s25], [sflag:$0x3] =	stream.indirect.gather [hbm4b:s4+s13], $0x10, s24, s13, $0xb8;
	[tilespmem:$0x1A910] =	vst v63  }
0xf8: {  	s24 =	simm.s32 $0x200;
	s25 =	simm.s32 $0x3900  }
0xf9: {  	[tilespmem:s25], [sflag:$0x3] =	stream.indirect.gather [hbm4b:s4+s13], $0x10, s24, s13, $0xb8;
	[tilespmem:$0x1A910] =	vst v63  }
0xfa: {  	s24 =	simm.s32 $0x280;
	s25 =	simm.s32 $0x4100  }
0xfb: {  	[tilespmem:s25], [sflag:$0x3] =	stream.indirect.gather [hbm4b:s4+s13], $0x10, s24, s13, $0xb8;
	[tilespmem:$0x1A910] =	vst v63  }
0xfc: {  	s24 =	simm.s32 $0x300;
	s25 =	simm.s32 $0x4900  }
0xfd: {  	[tilespmem:s25], [sflag:$0x3] =	stream.indirect.gather [hbm4b:s4+s13], $0x10, s24, s13, $0xb8;
	[tilespmem:$0x1A910] =	vst v63  }
0xfe: {  	s24 =	simm.s32 $0x380;
	s25 =	simm.s32 $0x5100  }
0xff: {  	[tilespmem:s25], [sflag:$0x3] =	stream.indirect.gather [hbm4b:s4+s13], $0x10, s24, s13, $0xb8;
	[tilespmem:$0x1A910] =	vst v63  }
0x100: {  	s24 =	simm.s32 $0x400;
	s25 =	simm.s32 $0x5900  }
0x101: {  	[tilespmem:s25], [sflag:$0x3] =	stream.indirect.gather [hbm4b:s4+s13], $0x10, s24, s13, $0xb8;
	[tilespmem:$0x1A910] =	vst v63  }
0x102: {  	s24 =	simm.s32 $0x480;
	s25 =	simm.s32 $0x6100  }
0x103: {  	[tilespmem:s25], [sflag:$0x3] =	stream.indirect.gather [hbm4b:s4+s13], $0x10, s24, s13, $0xb8;
	[tilespmem:$0x1A910] =	vst v63  }
0x104: {  	s24 =	simm.s32 $0x500;
	s25 =	simm.s32 $0x6900  }
0x105: {  	[tilespmem:s25], [sflag:$0x3] =	stream.indirect.gather [hbm4b:s4+s13], $0x10, s24, s13, $0xb8;
	[tilespmem:$0x1A910] =	vst v63  }
0x106: {  	s24 =	simm.s32 $0x580;
	s25 =	simm.s32 $0x7100  }
0x107: {  	[tilespmem:s25], [sflag:$0x3] =	stream.indirect.gather [hbm4b:s4+s13], $0x10, s24, s13, $0xb8;
	[tilespmem:$0x1A910] =	vst v63  }
0x108: {  	s24 =	simm.s32 $0x600;
	s25 =	simm.s32 $0x7900  }
0x109: {  	[tilespmem:s25], [sflag:$0x3] =	stream.indirect.gather [hbm4b:s4+s13], $0x10, s24, s13, $0xb8;
	[tilespmem:$0x1A910] =	vst v63  }
0x10a: {  	s24 =	simm.s32 $0x680;
	s25 =	simm.s32 $0x8100  }
0x10b: {  	[tilespmem:s25], [sflag:$0x3] =	stream.indirect.gather [hbm4b:s4+s13], $0x10, s24, s13, $0xb8;
	[tilespmem:$0x1A910] =	vst v63  }
0x10c: {  	s24 =	simm.s32 $0x700;
	s25 =	simm.s32 $0x8900  }
0x10d: {  	[tilespmem:s25], [sflag:$0x3] =	stream.indirect.gather [hbm4b:s4+s13], $0x10, s24, s13, $0xb8;
	[tilespmem:$0x1A910] =	vst v63  }
0x10e: {  	s24 =	simm.s32 $0x780;
	s25 =	simm.s32 $0x9100  }
0x10f: {  	[tilespmem:s25], [sflag:$0x3] =	stream.indirect.gather [hbm4b:s4+s13], $0x10, s24, s13, $0xb8;
	[tilespmem:$0x1A910] =	vst v63  }
0x110: {  	s24 =	simm.s32 $0x800;
	s25 =	simm.s32 $0x9900  }
0x111: {  	[tilespmem:s25], [sflag:$0x3] =	stream.indirect.gather [hbm4b:s4+s13], $0x10, s24, s13, $0xb8;
	[tilespmem:$0x1A910] =	vst v63  }
0x112: {  	s24 =	simm.s32 $0x880;
	s25 =	simm.s32 $0xA100  }
0x113: {  	[tilespmem:s25], [sflag:$0x3] =	stream.indirect.gather [hbm4b:s4+s13], $0x10, s24, s13, $0xb8;
	[tilespmem:$0x1A910] =	vst v63  }
0x114: {  	s24 =	simm.s32 $0x900;
	s25 =	simm.s32 $0xA900  }
0x115: {  	[tilespmem:s25], [sflag:$0x3] =	stream.indirect.gather [hbm4b:s4+s13], $0x10, s24, s13, $0xb8;
	[tilespmem:$0x1A910] =	vst v63  }
0x116: {  	s24 =	simm.s32 $0x980;
	s25 =	simm.s32 $0xB100  }
0x117: {  	[tilespmem:s25], [sflag:$0x3] =	stream.indirect.gather [hbm4b:s4+s13], $0x10, s24, s13, $0xb8;
	[tilespmem:$0x1A910] =	vst v63  }
0x118: {  	s24 =	simm.s32 $0xA00;
	s25 =	simm.s32 $0xB900  }
0x119: {  	[tilespmem:s25], [sflag:$0x3] =	stream.indirect.gather [hbm4b:s4+s13], $0x10, s24, s13, $0xb8;
	[tilespmem:$0x1A910] =	vst v63  }
0x11a: {  	s24 =	simm.s32 $0xA80;
	s25 =	simm.s32 $0xC100  }
0x11b: {  	[tilespmem:s25], [sflag:$0x3] =	stream.indirect.gather [hbm4b:s4+s13], $0x10, s24, s13, $0xb8;
	[tilespmem:$0x1A910] =	vst v63  }
0x11c: {  	s24 =	simm.s32 $0xB00;
	s25 =	simm.s32 $0xC900  }
0x11d: {  	[tilespmem:s25], [sflag:$0x3] =	stream.indirect.gather [hbm4b:s4+s13], $0x10, s24, s13, $0xb8;
	[tilespmem:$0x1A910] =	vst v63  }
0x11e: {  	s24 =	simm.s32 $0xB80;
	s25 =	simm.s32 $0xD100  }
0x11f: {  	[tilespmem:s25], [sflag:$0x3] =	stream.indirect.gather [hbm4b:s4+s13], $0x10, s24, s13, $0xb8;
	[tilespmem:$0x1A910] =	vst v63  }
0x120: {  	s21 =	smul.u32 $0x32, s21;
	s24 =	simm.s32 $0xC00;
	s25 =	simm.s32 $0xD900  }
0x121: {  	[tilespmem:s25], [sflag:$0x3] =	stream.indirect.gather [hbm4b:s4+s13], $0x10, s24, s13, $0xb8;
	[tilespmem:$0x1A910] =	vst v63  }
0x122: {  	s24 =	rddreg [dreg:$0x4]  }
0x123: {  	s21 =	sadd.s32 s21, s24  }
0x124: {  	s21 =	sshll.u32 s21, $0x4  }
0x125: {  	s21 =	sand.u32 $0x1FFFFFF0, s21  }
0x126: {  	s25 =	simm.s32 $0xE100;
	s21 =	sadd.s32 s3, s21  }
0x127: {  	[tilespmem:s11], [sflag:$0x2] =	stream.linear.gather [hbm4b:s21+s23], $0xC80, $0x38;
	[tilespmem:$0x1A910] =	vst v63  }
.LBB2_7:
0x128: {  	_ =	swait.ge [sflag:s20], $0xC800  }
0x129: {  	[sflag:s20] =	ssyncset.done $0x0  }
0x12a: {  	s21 =	simm.s32 $0x0;
	[sflag:s20] =	ssyncadd.s32 $0xFFFF3800  }
0x12b: {  	v0 =	vld [tilespmem:s21+$0x18D00]  }
0x12c: {  	v2 =	vld [tilespmem:s21+$0x19500]  }
0x12d: {  	v1 =	vld [tilespmem:s21+$0x18900]  }
0x12e: {  	v3 =	vld [tilespmem:s21+$0x19100]  }
0x12f: {  	v4 =	vld [tilespmem:s21+$0x16D00]  }
0x130: {  	v5 =	vld [tilespmem:s21+$0x17500]  }
0x131: {  	v6 =	vld [tilespmem:s21+$0x16900]  }
0x132: {  	v7 =	vld [tilespmem:s21+$0x17100]  }
0x133: {  	v8 =	vld [tilespmem:s21+$0x14D00]  }
0x134: {  	v9 =	vld [tilespmem:s21+$0x15500]  }
0x135: {  	v10 =	vld [tilespmem:s21+$0x14900]  }
0x136: {  	v11 =	vld [tilespmem:s21+$0x15100]  }
0x137: {  	v15 =	vld [tilespmem:s21+$0x12D00]  }
0x138: {  	v16 =	vld [tilespmem:s21+$0x13500]  }
0x139: {  	v18 =	vld [tilespmem:s21+$0x12900]  }
0x13a: {  	v19 =	vld [tilespmem:s21+$0x13100]  }
0x13b: {  	v20 =	vld [tilespmem:s21+$0x10D00]  }
0x13c: {  	v21 =	vld [tilespmem:s21+$0x11500]  }
0x13d: {  	v22 =	vld [tilespmem:s21+$0x10900]  }
0x13e: {  	v23 =	vld [tilespmem:s21+$0x11100]  }
0x13f: {  	v24 =	vld [tilespmem:s21+$0xED00]  }
0x140: {  	v25 =	vld [tilespmem:s21+$0xF500]  }
0x141: {  	s23 =	simm.s32 $0x40;
	v26 =	vld [tilespmem:s21+$0xE900]  }
.LBB2_8:
0x142: {  	p0 =	seq.s32 s23, $0xFC0;
	v27 =	vld [tilespmem:s21+$0xE100]  }
0x143: {  	v28 =	vld [tilespmem:s21+$0xF100]  }
0x144: {  	v29 =	vld [tilespmem:s21+$0xE500]  }
0x145: {  	v30 =	vld [tilespmem:s21+$0xF900]  }
0x146: {  	v31 =	vld [tilespmem:s21+$0x10100]  }
0x147: {  	v17 =	vadd.f32 v27, v17;
	v27 =	vld [tilespmem:s21+$0xFD00]  }
0x148: {  	v32 =	vld [tilespmem:s21+$0x10500]  }
0x149: {  	v17 =	vadd.f32 v29, v17;
	v29 =	vld [tilespmem:s21+$0x11900]  }
0x14a: {  	v13 =	vadd.f32 v26, v13;
	v14 =	vadd.f32 v28, v14;
	v26 =	vld [tilespmem:s21+$0x12100]  }
0x14b: {  	v12 =	vadd.f32 v30, v12;
	v17 =	vadd.f32 v31, v17;
	v28 =	vld [tilespmem:s21+$0x11D00]  }
0x14c: {  	v13 =	vadd.f32 v24, v13;
	v14 =	vadd.f32 v25, v14;
	v24 =	vld [tilespmem:s21+$0x12500]  }
0x14d: {  	v12 =	vadd.f32 v27, v12;
	v17 =	vadd.f32 v32, v17;
	v25 =	vld [tilespmem:s21+$0x13900]  }
0x14e: {  	v13 =	vadd.f32 v22, v13;
	v14 =	vadd.f32 v23, v14;
	v22 =	vld [tilespmem:s21+$0x14100]  }
0x14f: {  	v12 =	vadd.f32 v29, v12;
	v17 =	vadd.f32 v26, v17;
	v23 =	vld [tilespmem:s21+$0x13D00]  }
0x150: {  	v13 =	vadd.f32 v20, v13;
	v14 =	vadd.f32 v21, v14;
	v20 =	vld [tilespmem:s21+$0x14500]  }
0x151: {  	v12 =	vadd.f32 v28, v12;
	v17 =	vadd.f32 v24, v17;
	v21 =	vld [tilespmem:s21+$0x15900]  }
0x152: {  	v13 =	vadd.f32 v18, v13;
	v14 =	vadd.f32 v19, v14;
	v18 =	vld [tilespmem:s21+$0x16100]  }
0x153: {  	v12 =	vadd.f32 v25, v12;
	v17 =	vadd.f32 v22, v17;
	v19 =	vld [tilespmem:s21+$0x15D00]  }
0x154: {  	v13 =	vadd.f32 v15, v13;
	v14 =	vadd.f32 v16, v14;
	v15 =	vld [tilespmem:s21+$0x16500]  }
0x155: {  	v12 =	vadd.f32 v23, v12;
	v16 =	vadd.f32 v20, v17;
	v17 =	vld [tilespmem:s21+$0x17900]  }
0x156: {  	v10 =	vadd.f32 v10, v13;
	v11 =	vadd.f32 v11, v14;
	v13 =	vld [tilespmem:s21+$0x18100]  }
0x157: {  	v12 =	vadd.f32 v21, v12;
	v14 =	vadd.f32 v18, v16;
	v16 =	vld [tilespmem:s21+$0x17D00]  }
0x158: {  	v8 =	vadd.f32 v8, v10;
	v9 =	vadd.f32 v9, v11;
	v10 =	vld [tilespmem:s21+$0x18500]  }
0x159: {  	v11 =	vadd.f32 v19, v12;
	v12 =	vadd.f32 v15, v14;
	v14 =	vld [tilespmem:s21+$0x19900]  }
0x15a: {  	v6 =	vadd.f32 v6, v8;
	v7 =	vadd.f32 v7, v9;
	v8 =	vld [tilespmem:s21+$0x1A100]  }
0x15b: {  	v9 =	vadd.f32 v17, v11;
	v11 =	vadd.f32 v13, v12;
	v12 =	vld [tilespmem:s21+$0x19D00]  }
0x15c: {  	v4 =	vadd.f32 v4, v6;
	v5 =	vadd.f32 v5, v7;
	v6 =	vld [tilespmem:s21+$0x1A500];
	s21 =	sshra.s32 s23, $0x2  }
0x15d: {  	v9 =	vadd.f32 v16, v9;
	v7 =	vld [tilespmem:s21+$0x18D00];
	v10 =	vadd.f32 v10, v11  }
0x15e: {  	v4 =	vadd.f32 v1, v4;
	v5 =	vadd.f32 v3, v5;
	v11 =	vld [tilespmem:s21+$0x19500]  }
0x15f: {  	v9 =	vadd.f32 v14, v9;
	v1 =	vld [tilespmem:s21+$0x18900];
	v8 =	vadd.f32 v8, v10  }
0x160: {  	v13 =	vadd.f32 v0, v4;
	v14 =	vadd.f32 v2, v5;
	v3 =	vld [tilespmem:s21+$0x19100]  }
0x161: {  	v12 =	vadd.f32 v12, v9;
	v4 =	vld [tilespmem:s21+$0x16D00];
	v17 =	vadd.f32 v6, v8  }
0x162: {  	v5 =	vld [tilespmem:s21+$0x17500];
	v0 =	vmov v7  }
0x163: {  	v6 =	vld [tilespmem:s21+$0x16900];
	v2 =	vmov v11  }
0x164: {  	v7 =	vld [tilespmem:s21+$0x17100]  }
0x165: {  	v8 =	vld [tilespmem:s21+$0x14D00]  }
0x166: {  	v9 =	vld [tilespmem:s21+$0x15500]  }
0x167: {  	v10 =	vld [tilespmem:s21+$0x14900]  }
0x168: {  	v11 =	vld [tilespmem:s21+$0x15100]  }
0x169: {  	v15 =	vld [tilespmem:s21+$0x12D00]  }
0x16a: {  	v16 =	vld [tilespmem:s21+$0x13500]  }
0x16b: {  	v18 =	vld [tilespmem:s21+$0x12900]  }
0x16c: {  	v19 =	vld [tilespmem:s21+$0x13100]  }
0x16d: {  	v20 =	vld [tilespmem:s21+$0x10D00]  }
0x16e: {  	v21 =	vld [tilespmem:s21+$0x11500]  }
.Ltmp2:
0x16f: {  	v22 =	vld [tilespmem:s21+$0x10900];
	(pc) =	sbr.rel @!p0 .LBB2_8-.Ltmp2, $4  }
0x170: {  	v23 =	vld [tilespmem:s21+$0x11100]  }
0x171: {  	v24 =	vld [tilespmem:s21+$0xED00]  }
0x172: {  	v25 =	vld [tilespmem:s21+$0xF500]  }
0x173: {  	s23 =	sadd.s32 $0x40, s23;
	v26 =	vld [tilespmem:s21+$0xE900]  }
0x174: {  	v27 =	vld [tilespmem:s21+$0xE100]  }
0x175: {  	v28 =	vld [tilespmem:s21+$0xF100]  }
0x176: {  	v29 =	vld [tilespmem:s21+$0xE500]  }
0x177: {  	v30 =	vld [tilespmem:s21+$0xF900]  }
0x178: {  	v31 =	vld [tilespmem:s21+$0x10100]  }
0x179: {  	v50 =	vld [tilespmem:s21+$0xFD00];
	v17 =	vadd.f32 v27, v17  }
0x17a: {  	v32 =	vld [tilespmem:s21+$0x10500]  }
0x17b: {  	v51 =	vld [tilespmem:s21+$0x11900];
	v13 =	vadd.f32 v26, v13;
	v17 =	vadd.f32 v29, v17  }
0x17c: {  	v52 =	vld [tilespmem:s21+$0x12100];
	v14 =	vadd.f32 v28, v14;
	v12 =	vadd.f32 v30, v12  }
0x17d: {  	v53 =	vld [tilespmem:s21+$0x11D00];
	v13 =	vadd.f32 v24, v13;
	v17 =	vadd.f32 v31, v17  }
0x17e: {  	v54 =	vld [tilespmem:s21+$0x12500];
	v14 =	vadd.f32 v25, v14;
	v12 =	vadd.f32 v50, v12  }
0x17f: {  	v55 =	vld [tilespmem:s21+$0x13900];
	v13 =	vadd.f32 v22, v13;
	v17 =	vadd.f32 v32, v17  }
0x180: {  	v56 =	vld [tilespmem:s21+$0x14100];
	v14 =	vadd.f32 v23, v14;
	v12 =	vadd.f32 v51, v12  }
0x181: {  	v57 =	vld [tilespmem:s21+$0x13D00];
	v13 =	vadd.f32 v20, v13;
	v17 =	vadd.f32 v52, v17  }
0x182: {  	v58 =	vld [tilespmem:s21+$0x14500];
	v14 =	vadd.f32 v21, v14;
	v12 =	vadd.f32 v53, v12  }
0x183: {  	v59 =	vld [tilespmem:s21+$0x15900];
	v13 =	vadd.f32 v18, v13;
	v17 =	vadd.f32 v54, v17  }
0x184: {  	v18 =	vld [tilespmem:s21+$0x16100];
	v14 =	vadd.f32 v19, v14;
	v12 =	vadd.f32 v55, v12  }
0x185: {  	v19 =	vld [tilespmem:s21+$0x15D00];
	v13 =	vadd.f32 v15, v13;
	v17 =	vadd.f32 v56, v17  }
0x186: {  	v15 =	vld [tilespmem:s21+$0x16500];
	v14 =	vadd.f32 v16, v14;
	v12 =	vadd.f32 v57, v12  }
0x187: {  	v10 =	vadd.f32 v10, v13;
	v13 =	vld [tilespmem:s21+$0x18100];
	v16 =	vadd.f32 v58, v17  }
0x188: {  	v11 =	vadd.f32 v11, v14;
	v12 =	vadd.f32 v59, v12;
	v17 =	vld [tilespmem:s21+$0x17900]  }
0x189: {  	v8 =	vadd.f32 v8, v10;
	v10 =	vld [tilespmem:s21+$0x18500];
	v14 =	vadd.f32 v18, v16  }
0x18a: {  	v9 =	vadd.f32 v9, v11;
	v11 =	vadd.f32 v19, v12;
	v16 =	vld [tilespmem:s21+$0x17D00]  }
0x18b: {  	v6 =	vadd.f32 v6, v8;
	v8 =	vld [tilespmem:s21+$0x1A100];
	v12 =	vadd.f32 v15, v14  }
0x18c: {  	v7 =	vadd.f32 v7, v9;
	v14 =	vld [tilespmem:s21+$0x19900]  }
0x18d: {  	v60 =	vld [tilespmem:s21+$0x1A500];
	v9 =	vadd.f32 v17, v11;
	v11 =	vadd.f32 v13, v12  }
0x18e: {  	v4 =	vadd.f32 v4, v6;
	v5 =	vadd.f32 v5, v7;
	v13 =	vld [tilespmem:s21+$0x19D00]  }
0x18f: {  	v61 =	vadd.f32 v16, v9;
	v9 =	vadd.f32 v10, v11  }
0x190: {  	v1 =	vadd.f32 v1, v4;
	v3 =	vadd.f32 v3, v5  }
0x191: {  	v62 =	vadd.f32 v14, v61;
	v63 =	vadd.f32 v8, v9  }
0x192: {  	v12 =	vadd.f32 v0, v1;
	v11 =	vadd.f32 v2, v3  }
0x193: {  	v10 =	vadd.f32 v13, v62;
	v16 =	vadd.f32 v60, v63  }
0x194: {  	p0 =	seq.s32 s22, $0x10  }
.Ltmp3:
0x195: {  	_ = 	snop;
	(pc) =	sbr.rel @!p0 .LBB2_3-.Ltmp3, $1  }
0x196: {  	_ =	sdelay $0x3  }
0x197: {  	v0 =	vadd.f32 v12, v16;
	v1 =	vadd.f32 v10, v11;
	_ =	sdelay $0x1  }
0x198: {  	v0 =	vadd.f32 v1, v0;
	_ =	sdelay $0x1  }
0x199: {  	s21 =	simm.s32 $0x0;
	s22 =	rddreg [dreg:$0x5];
	s23 =	simm.s32 $0x1A900;
	[tilespmem:$0x1A900] =	vst v0  }
0x19a: {  	[hbm4b:s22+s21] =	stream.linear.scatter [tilespmem:s23], [sflag:$0x5], $0x10, $0x38;
	[tilespmem:$0x1A910] =	vst v63  }
0x19b: {  	s23 =	simm.s32 $0x5  }
0x19c: {  	_ =	swait.ge [sflag:s23], $0x10  }
0x19d: {  	s24 =	rddreg [dreg:$0x7]  }
0x19e: {  	s22 =	rddreg [dreg:$0x6];
	s24 =	sadd.s32 $0x1, s24  }
0x19f: {  	p0 =	sne.s32 s24, s22  }
.Ltmp4:
0x1a0: {  	_ = 	snop;
	(pc) =	sbr.rel @p0 .LBB2_1-.Ltmp4, $3  }
0x1a1: {  	_ =	sdelay $0x1  }
0x1a2: {  	[sflag:s23] =	ssyncset.done $0x0  }
0x1a3: {  	[sflag:s23] =	ssyncadd.s32 $0xFFFFFFF0;
	[dreg:$0x7] =	wrdreg s24  }
0x1a4: {  	_ =	sfence.sel $0x180000  }
0x1a5: {  	[bflag:$0x0] =	sbarrier.arrive $0xFFFF  }
0x1a6: {  	_ =	strace $0x90000047  }
0x1a7: {  	s0 =	stileid.u32;
	[bflag:$0x2] =	sbarrier.arrive $0xFFFF  }
0x1a8: {  	p0 =	sne.s32 s0, $0x0;
	s0 =	rddreg [dreg:$0x1]  }
0x1a9: {  	s0 =	sadd.s32 @!p0 $0x100000, s0  }
0x1aa: {  	[sflag:s0] =	ssyncadd.tile.s32 @!p0 $0x1;
	_ =	shalt  }
.Lfunc_end2:
_tile_overlayer_lowered:
.L_overlay_start_2:
0x1ab: {  	(tag) =	ssettag $0x2  }
0x1ac: {  	s0 =	rddreg [dreg:$0x0];
	s2 =	stileid.u32  }
0x1ad: {  	s1 =	rddreg [dreg:$0x1];
	p0 =	sne.s32 s2, $0x0  }
0x1ae: {  	s3 =	rddreg [dreg:$0x2];
	[bflag:$0x3] =	sbarrier.arrive $0xFFFF;
	s2 =	simm.s32 @!p0 $0x1C05  }
0x1af: {  	[timem:s3], [sflag:s2] =	dma.local @!p0 [hbm:s0], s1  }
0x1b0: {  	s0 =	simm.s32 @!p0 $0x5  }
0x1b1: {  	_ =	swait.ge @!p0 [sflag:s0], s1  }
0x1b2: {  	s1 =	ssub.s32 @!p0 $0x0, s1;
	[sflag:s0] =	ssyncset.done @!p0 $0x0  }
0x1b3: {  	[sflag:s0] =	ssyncadd.s32 @!p0 s1  }
0x1b4: {  	[bflag:$0x3] =	sbarrier.arrive $0xFFFF  }
0x1b5: {  	_ =	shalt  }

</sc_bundles>
